<compile_context>
chip_gen: v7x
topology: tpu7x:2x2x1
jax: 0.10.2.dev20260603
libtpu: 0.0.44.dev20260713+nightly
codegen_flags: <defaults>
</compile_context>

<pallas_src>
import functools

import jax
import jax.numpy as jnp
from jax import lax
from jax.experimental import pallas as pl
from jax.experimental.pallas import tpu as pltpu
from jax.experimental.pallas import tpu_sc as plsc

N = 10000
E = 320000
C = 40
ALPHA = 0.9
NUM_ITERS = 50

NS = 16
L = 16
CH = 32
NP = 10240
RT = NP // NS
RB = 128
NRC = RT // RB
EB = 384
NB = 54
EPAD = NS * NB * EB
NBUF = 3


def _lp_body(colt, rowt, d2e, ybe, dinve, out, s_hbm, a_sh,
             colv, rowv, gb0, gb1, gb2, da, dd, dy,
             gsem0, gsem1, gsem2, ssem0, ssem1, ssem2):
  gb = (gb0, gb1, gb2)
  gsem = (gsem0, gsem1, gsem2)
  ssem = (ssem0, ssem1, ssem2)
  sid = lax.axis_index("s")
  cid = lax.axis_index("c")
  base_row = sid * RT

  pltpu.sync_copy(colt.at[sid], colv)
  pltpu.sync_copy(rowt.at[sid], rowv)

  def dense(mode):
    @pl.loop(0, NRC)
    def _chunk(k):
      rb = base_row + k * RB

      @pl.when(k > 0)
      def _wait_prev_a_write():
        pltpu.make_async_copy(da, a_sh.at[pl.ds(base_row, RB)],
                              ssem0).wait()

      if mode != 0:
        pltpu.async_copy(a_sh.at[pl.ds(rb, RB)], da, gsem0)
        pltpu.async_copy(d2e.at[cid, pl.ds(rb, RB)], dd, gsem1)
      if mode != 1:
        pltpu.async_copy(ybe.at[cid, pl.ds(rb, RB)], dy, gsem2)
      if mode != 0:
        pltpu.make_async_copy(a_sh.at[pl.ds(rb, RB)], da, gsem0).wait()
        pltpu.make_async_copy(d2e.at[cid, pl.ds(rb, RB)], dd, gsem1).wait()
      if mode != 1:
        pltpu.make_async_copy(ybe.at[cid, pl.ds(rb, RB)], dy, gsem2).wait()

      @pl.loop(0, RB)
      def _row(r):
        for j in range(CH // L):
          sl = pl.ds(j * L, L)
          if mode == 0:
            da[r, sl] = dy[r, sl] * 10.0
          elif mode == 1:
            da[r, sl] = da[r, sl] * dd[r, sl]
          else:
            da[r, sl] = da[r, sl] * dd[r, sl] * ALPHA + dy[r, sl]

      pltpu.sync_copy(da, s_hbm.at[cid, pl.ds(rb, RB)])

      @pl.loop(0, RB)
      def _zrow(r):
        for j in range(CH // L):
          da[r, pl.ds(j * L, L)] = jnp.zeros((L,), jnp.float32)

      pltpu.async_copy(da, a_sh.at[pl.ds(rb, RB)], ssem0)

    pltpu.make_async_copy(da, a_sh.at[pl.ds(base_row, RB)], ssem0).wait()

  def edge_pass():
    def fire_g(b, k):
      pltpu.async_copy(s_hbm.at[cid].at[colv.at[b]], gb[k], gsem[k])

    def wait_g(k):
      pltpu.make_async_copy(s_hbm.at[cid].at[colv.at[0]], gb[k],
                            gsem[k]).wait()

    def fire_s(b, k):
      pltpu.async_copy(gb[k], a_sh.at[rowv.at[b]], ssem[k], add=True)

    def wait_s(k):
      pltpu.make_async_copy(gb[k], a_sh.at[rowv.at[0]], ssem[k]).wait()

    fire_g(0, 0)
    fire_g(1, 1)
    wait_g(0)
    fire_s(0, 0)
    fire_g(2, 2)
    wait_g(1)
    fire_s(1, 1)

    @pl.loop(0, (NB - NBUF) // NBUF)
    def _grp(i):
      b0 = 2 + i * NBUF
      for j in range(NBUF):
        b = b0 + j
        k = (2 + j) % NBUF
        kn = (k + 1) % NBUF
        wait_s(kn)
        fire_g(b + 1, kn)
        wait_g(k)
        fire_s(b, k)

    wait_g((NB - 1) % NBUF)
    fire_s(NB - 1, (NB - 1) % NBUF)
    for k in range(NBUF):
      wait_s(k)

  dense(0)
  plsc.subcore_barrier()

  @pl.loop(0, NUM_ITERS)
  def _iter(i):
    edge_pass()
    plsc.subcore_barrier()
    dense(1)
    plsc.subcore_barrier()
    edge_pass()
    plsc.subcore_barrier()
    dense(2)
    plsc.subcore_barrier()

  @pl.loop(0, NRC)
  def _chunk(k):
    rb = base_row + k * RB
    pltpu.sync_copy(s_hbm.at[cid, pl.ds(rb, RB)], da)
    pltpu.sync_copy(dinve.at[cid, pl.ds(rb, RB)], dd)

    @pl.loop(0, RB)
    def _row(r):
      for j in range(CH // L):
        sl = pl.ds(j * L, L)
        da[r, sl] = da[r, sl] * dd[r, sl]

    pltpu.sync_copy(da, out.at[cid, pl.ds(rb, RB)])


_lp_call = functools.partial(
    pl.kernel,
    out_type=(jax.ShapeDtypeStruct((2, NP, CH), jnp.float32),
              jax.ShapeDtypeStruct((2, NP, CH), jnp.float32)),
    mesh=plsc.VectorSubcoreMesh(core_axis_name="c", subcore_axis_name="s"),
    compiler_params=pltpu.CompilerParams(use_tc_tiling_on_sc=False),
    scratch_types=[
        pltpu.VMEM_SHARED((NP, CH), jnp.float32),
        pltpu.VMEM((NB, EB), jnp.int32),
        pltpu.VMEM((NB, EB), jnp.int32),
        pltpu.VMEM((EB, CH), jnp.float32),
        pltpu.VMEM((EB, CH), jnp.float32),
        pltpu.VMEM((EB, CH), jnp.float32),
        pltpu.VMEM((RB, CH), jnp.float32),
        pltpu.VMEM((RB, CH), jnp.float32),
        pltpu.VMEM((RB, CH), jnp.float32),
        pltpu.SemaphoreType.DMA,
        pltpu.SemaphoreType.DMA,
        pltpu.SemaphoreType.DMA,
        pltpu.SemaphoreType.DMA,
        pltpu.SemaphoreType.DMA,
        pltpu.SemaphoreType.DMA,
    ],
)(_lp_body)


def kernel(x, edge_index, label, train_idx):
  n = x.shape[0]
  row = edge_index[0]
  col = edge_index[1]
  loop = jnp.arange(n, dtype=row.dtype)
  rowf = jnp.concatenate([row, loop])
  colf = jnp.concatenate([col, loop])

  deg = jnp.zeros((n,), jnp.float32).at[colf].add(1.0)
  dis = lax.rsqrt(deg)
  d2 = dis * dis

  oh = jax.nn.one_hot(label[train_idx, 0], C, dtype=jnp.float32)
  y = jnp.zeros((n, C), jnp.float32).at[train_idx].set(oh)
  yb = 0.1 * dis[:, None] * y

  def expand(v):
    if v.ndim == 1:
      v = jnp.broadcast_to(v[:, None], (n, 2 * CH))
    else:
      v = jnp.pad(v, ((0, 0), (0, 2 * CH - v.shape[1])))
    vp = jnp.zeros((NP, 2 * CH), jnp.float32).at[:n].set(v)
    return vp.reshape(NP, 2, CH).transpose(1, 0, 2)

  d2e = expand(d2)
  ybe = expand(yb)
  dinve = expand(jnp.sqrt(deg))

  pad = jnp.full((EPAD - (E + n),), NP - 1, dtype=jnp.int32)
  colt = jnp.concatenate([colf, pad]).reshape(NS, NB, EB)
  rowt = jnp.concatenate([rowf, pad]).reshape(NS, NB, EB)

  out, _ = _lp_call(colt, rowt, d2e, ybe, dinve)
  res = jnp.concatenate([out[0], out[1]], axis=1)
  return res[:n, :C]

# --- scband reference (transcript-rebuilt; emitter-appended) ---
"""Pipeline reference for scband-multi-lp-47107201303136 (READ-ONLY COPY).

The authoritative reference and input builder live on the scoring server;
editing this copy changes nothing except your own understanding.
"""

import jax, jax.numpy as jnp
import numpy as np

N = 10000
E = 320000
D = 128
C = 40
ALPHA = 0.9
HOPS = 2
NUM_ITERS = 50


def setup_inputs(seed: int = 0) -> dict:
    key = jax.random.key(seed)
    k1, k2, k3, k4 = jax.random.split(key, 4)
    x = jax.random.normal(k1, (N, D), dtype=jnp.float32)
    edge_index = jax.random.randint(k2, (2, E), 0, N, dtype=jnp.int32)
    label = jax.random.randint(k3, (N, 1), 0, C, dtype=jnp.int32)
    train_idx = jax.random.randint(k4, (5000,), 0, N, dtype=jnp.int32)
    return {"x": x, "edge_index": edge_index, "label": label, "train_idx": train_idx}


def _gcn_norm(edge_index, n):
    # PyG gcn_norm with add_self_loops=True, improved=False
    row = edge_index[0]
    col = edge_index[1]
    loop = jnp.arange(n, dtype=row.dtype)
    row = jnp.concatenate([row, loop])
    col = jnp.concatenate([col, loop])
    ew = jnp.ones(row.shape[0], dtype=jnp.float32)
    deg = jnp.zeros(n, dtype=jnp.float32).at[col].add(ew)
    deg_inv_sqrt = jnp.where(deg > 0, 1.0 / jnp.sqrt(deg), 0.0)
    norm = deg_inv_sqrt[row] * ew * deg_inv_sqrt[col]
    return row, col, norm


def reference(x, edge_index, label, train_idx):
    n = x.shape[0]
    row, col, w = _gcn_norm(edge_index, n)
    # build one-hot label seed y (label.shape[1] == 1 branch)
    y = jnp.zeros((n, C), dtype=jnp.float32)
    oh = jax.nn.one_hot(label[train_idx, 0], C, dtype=jnp.float32)
    y = y.at[train_idx].set(oh)
    result = y
    for _ in range(NUM_ITERS):
        for _h in range(HOPS):
            # matmul(adj_t, result): out[row] += w * result[col]
            result = jnp.zeros((n, C), dtype=result.dtype).at[row].add(w[:, None] * result[col])
        result = result * ALPHA + (1.0 - ALPHA) * y
    return result

if __name__ == "__main__":
    import jax
    _d = setup_inputs()
    print(jax.jit(kernel)(*tuple(_d.values())))

</pallas_src>

<mosaic_0001>
#map = affine_map<(d0, d1) -> (0, 0, 0)>
module attributes {stable_mosaic.version = 14 : i64} {
  func.func @_lp_body(%arg0: i32, %arg1: i32, %arg2: memref<16x54x384xi32, #tpu.memory_space<hbm>>, %arg3: memref<16x54x384xi32, #tpu.memory_space<hbm>>, %arg4: memref<2x10240x32xf32, #tpu.memory_space<hbm>>, %arg5: memref<2x10240x32xf32, #tpu.memory_space<hbm>>, %arg6: memref<2x10240x32xf32, #tpu.memory_space<hbm>>, %arg7: memref<2x10240x32xf32, #tpu.memory_space<hbm>>, %arg8: memref<2x10240x32xf32, #tpu.memory_space<hbm>>, %arg9: memref<10240x32xf32, #tpu.memory_space<vmem_shared>>, %arg10: memref<54x384xi32, #tpu.memory_space<vmem>>, %arg11: memref<54x384xi32, #tpu.memory_space<vmem>>, %arg12: memref<384x32xf32, #tpu.memory_space<vmem>>, %arg13: memref<384x32xf32, #tpu.memory_space<vmem>>, %arg14: memref<384x32xf32, #tpu.memory_space<vmem>>, %arg15: memref<128x32xf32, #tpu.memory_space<vmem>>, %arg16: memref<128x32xf32, #tpu.memory_space<vmem>>, %arg17: memref<128x32xf32, #tpu.memory_space<vmem>>, %arg18: memref<!tpu.dma_semaphore, #tpu.memory_space<semaphore_mem>>, %arg19: memref<!tpu.dma_semaphore, #tpu.memory_space<semaphore_mem>>, %arg20: memref<!tpu.dma_semaphore, #tpu.memory_space<semaphore_mem>>, %arg21: memref<!tpu.dma_semaphore, #tpu.memory_space<semaphore_mem>>, %arg22: memref<!tpu.dma_semaphore, #tpu.memory_space<semaphore_mem>>, %arg23: memref<!tpu.dma_semaphore, #tpu.memory_space<semaphore_mem>>) attributes {dimension_semantics = [#tpu.dimension_semantics<core_parallel>, #tpu.dimension_semantics<subcore_parallel>], iteration_bounds = array<i64: 2, 16>, scalar_prefetch = 0 : i64, scratch_operands = 15 : i64, tpu.core_type = #tpu.core_type<sc_vector_subcore>, window_params = [{transform_indices = #map}, {transform_indices = #map}, {transform_indices = #map}, {transform_indices = #map}, {transform_indices = #map}, {transform_indices = #map}, {transform_indices = #map}]} {
    %mul3A = arith.constant 640 : i32
    %mul3A_0 = arith.muli %arg1, %mul3A : i32
    "tpu.region"() ({
      %run_scoped3A = tpu.sem_alloc : memref<!tpu.dma_semaphore, #tpu.memory_space<semaphore_mem>>
      %dma_start3A = arith.constant 0 : i32
      %dma_start3A_18 = arith.constant 0 : i32
      %dma_start3A_19 = tpu.memref_slice %arg2[%arg1, %dma_start3A, %dma_start3A_18] : memref<16x54x384xi32, #tpu.memory_space<hbm>> -> memref<1x54x384xi32, #tpu.memory_space<hbm>>
      %dma_start3A_20 = tpu.memref_squeeze %dma_start3A_19 : memref<1x54x384xi32, #tpu.memory_space<hbm>> -> memref<54x384xi32, #tpu.memory_space<hbm>>
      %dma_start3A_21 = arith.constant 0 : i32
      %dma_start3A_22 = arith.constant 0 : i32
      %dma_start3A_23 = tpu.memref_slice %arg2[%arg1, %dma_start3A_21, %dma_start3A_22] : memref<16x54x384xi32, #tpu.memory_space<hbm>> -> memref<1x54x384xi32, #tpu.memory_space<hbm>>
      %dma_start3A_24 = tpu.memref_squeeze %dma_start3A_23 : memref<1x54x384xi32, #tpu.memory_space<hbm>> -> memref<54x384xi32, #tpu.memory_space<hbm>>
      tpu.enqueue_dma source(%dma_start3A_24 : memref<54x384xi32, #tpu.memory_space<hbm>>) target(%arg10 : memref<54x384xi32, #tpu.memory_space<vmem>>) target_semaphore(%run_scoped3A : memref<!tpu.dma_semaphore, #tpu.memory_space<semaphore_mem>>)
      %dma_wait3A_25 = arith.constant 0 : i32
      %dma_wait3A_26 = arith.constant 0 : i32
      %dma_wait3A_27 = tpu.memref_slice %arg2[%arg1, %dma_wait3A_25, %dma_wait3A_26] : memref<16x54x384xi32, #tpu.memory_space<hbm>> -> memref<1x54x384xi32, #tpu.memory_space<hbm>>
      %dma_wait3A_28 = tpu.memref_squeeze %dma_wait3A_27 : memref<1x54x384xi32, #tpu.memory_space<hbm>> -> memref<54x384xi32, #tpu.memory_space<hbm>>
      %dma_wait3A_29 = arith.constant 0 : i32
      %dma_wait3A_30 = arith.constant 0 : i32
      %dma_wait3A_31 = tpu.memref_slice %arg2[%arg1, %dma_wait3A_29, %dma_wait3A_30] : memref<16x54x384xi32, #tpu.memory_space<hbm>> -> memref<1x54x384xi32, #tpu.memory_space<hbm>>
      %dma_wait3A_32 = tpu.memref_squeeze %dma_wait3A_31 : memref<1x54x384xi32, #tpu.memory_space<hbm>> -> memref<54x384xi32, #tpu.memory_space<hbm>>
      tpu.wait_dma2 semaphore(%run_scoped3A : memref<!tpu.dma_semaphore, #tpu.memory_space<semaphore_mem>>) src(%dma_wait3A_32 : memref<54x384xi32, #tpu.memory_space<hbm>>) dst(%arg10 : memref<54x384xi32, #tpu.memory_space<vmem>>)
      tpu.yield
    }) : () -> ()
    "tpu.region"() ({
      %run_scoped3A = tpu.sem_alloc : memref<!tpu.dma_semaphore, #tpu.memory_space<semaphore_mem>>
      %dma_start3A = arith.constant 0 : i32
      %dma_start3A_18 = arith.constant 0 : i32
      %dma_start3A_19 = tpu.memref_slice %arg3[%arg1, %dma_start3A, %dma_start3A_18] : memref<16x54x384xi32, #tpu.memory_space<hbm>> -> memref<1x54x384xi32, #tpu.memory_space<hbm>>
      %dma_start3A_20 = tpu.memref_squeeze %dma_start3A_19 : memref<1x54x384xi32, #tpu.memory_space<hbm>> -> memref<54x384xi32, #tpu.memory_space<hbm>>
      %dma_start3A_21 = arith.constant 0 : i32
      %dma_start3A_22 = arith.constant 0 : i32
      %dma_start3A_23 = tpu.memref_slice %arg3[%arg1, %dma_start3A_21, %dma_start3A_22] : memref<16x54x384xi32, #tpu.memory_space<hbm>> -> memref<1x54x384xi32, #tpu.memory_space<hbm>>
      %dma_start3A_24 = tpu.memref_squeeze %dma_start3A_23 : memref<1x54x384xi32, #tpu.memory_space<hbm>> -> memref<54x384xi32, #tpu.memory_space<hbm>>
      tpu.enqueue_dma source(%dma_start3A_24 : memref<54x384xi32, #tpu.memory_space<hbm>>) target(%arg11 : memref<54x384xi32, #tpu.memory_space<vmem>>) target_semaphore(%run_scoped3A : memref<!tpu.dma_semaphore, #tpu.memory_space<semaphore_mem>>)
      %dma_wait3A_25 = arith.constant 0 : i32
      %dma_wait3A_26 = arith.constant 0 : i32
      %dma_wait3A_27 = tpu.memref_slice %arg3[%arg1, %dma_wait3A_25, %dma_wait3A_26] : memref<16x54x384xi32, #tpu.memory_space<hbm>> -> memref<1x54x384xi32, #tpu.memory_space<hbm>>
      %dma_wait3A_28 = tpu.memref_squeeze %dma_wait3A_27 : memref<1x54x384xi32, #tpu.memory_space<hbm>> -> memref<54x384xi32, #tpu.memory_space<hbm>>
      %dma_wait3A_29 = arith.constant 0 : i32
      %dma_wait3A_30 = arith.constant 0 : i32
      %dma_wait3A_31 = tpu.memref_slice %arg3[%arg1, %dma_wait3A_29, %dma_wait3A_30] : memref<16x54x384xi32, #tpu.memory_space<hbm>> -> memref<1x54x384xi32, #tpu.memory_space<hbm>>
      %dma_wait3A_32 = tpu.memref_squeeze %dma_wait3A_31 : memref<1x54x384xi32, #tpu.memory_space<hbm>> -> memref<54x384xi32, #tpu.memory_space<hbm>>
      tpu.wait_dma2 semaphore(%run_scoped3A : memref<!tpu.dma_semaphore, #tpu.memory_space<semaphore_mem>>) src(%dma_wait3A_32 : memref<54x384xi32, #tpu.memory_space<hbm>>) dst(%arg11 : memref<54x384xi32, #tpu.memory_space<vmem>>)
      tpu.yield
    }) : () -> ()
    %scan3A = arith.constant 0 : i32
    %scan3A_1 = arith.constant 5 : i32
    %scan3A_2 = arith.addi %scan3A, %scan3A_1 : i32
    %scan3A_3 = arith.constant 1 : i32
    scf.for %scan3A_18 = %scan3A to %scan3A_2 step %scan3A_3  : i32 {
      %mul3A_19 = arith.constant 1 : i32
      %mul3A_20 = arith.muli %scan3A_18, %mul3A_19 : i32
      %add3A = arith.constant 0 : i32
      %add3A_21 = arith.addi %add3A, %mul3A_20 : i32
      %mul3A_22 = arith.constant 128 : i32
      %mul3A_23 = arith.muli %add3A_21, %mul3A_22 : i32
      %add3A_24 = arith.addi %mul3A_0, %mul3A_23 : i32
      %gt3A = arith.constant 0 : i32
      %gt3A_25 = arith.cmpi sgt, %add3A_21, %gt3A : i32
      %convert_element_type3A = arith.extui %gt3A_25 : i1 to i32
      %cond3A = arith.constant 0 : i32
      %cond3A_26 = arith.cmpi ne, %convert_element_type3A, %cond3A : i32
      scf.if %cond3A_26 {
        %dma_wait3A_52 = arith.constant 0 : i32
        %dma_wait3A_53 = tpu.memref_slice %arg9[%mul3A_0, %dma_wait3A_52] : memref<10240x32xf32, #tpu.memory_space<vmem_shared>> -> memref<128x32xf32, #tpu.memory_space<vmem_shared>>
        %dma_wait3A_54 = arith.constant 0 : i32
        %dma_wait3A_55 = tpu.memref_slice %arg9[%mul3A_0, %dma_wait3A_54] : memref<10240x32xf32, #tpu.memory_space<vmem_shared>> -> memref<128x32xf32, #tpu.memory_space<vmem_shared>>
        tpu.wait_dma2 semaphore(%arg21 : memref<!tpu.dma_semaphore, #tpu.memory_space<semaphore_mem>>) src(%arg15 : memref<128x32xf32, #tpu.memory_space<vmem>>) dst(%dma_wait3A_55 : memref<128x32xf32, #tpu.memory_space<vmem_shared>>)
      } else {
      }
      %dma_start3A = arith.constant 0 : i32
      %dma_start3A_27 = tpu.memref_slice %arg5[%arg0, %add3A_24, %dma_start3A] : memref<2x10240x32xf32, #tpu.memory_space<hbm>> -> memref<1x128x32xf32, #tpu.memory_space<hbm>>
      %dma_start3A_28 = tpu.memref_squeeze %dma_start3A_27 : memref<1x128x32xf32, #tpu.memory_space<hbm>> -> memref<128x32xf32, #tpu.memory_space<hbm>>
      %dma_start3A_29 = arith.constant 0 : i32
      %dma_start3A_30 = tpu.memref_slice %arg5[%arg0, %add3A_24, %dma_start3A_29] : memref<2x10240x32xf32, #tpu.memory_space<hbm>> -> memref<1x128x32xf32, #tpu.memory_space<hbm>>
      %dma_start3A_31 = tpu.memref_squeeze %dma_start3A_30 : memref<1x128x32xf32, #tpu.memory_space<hbm>> -> memref<128x32xf32, #tpu.memory_space<hbm>>
      tpu.enqueue_dma source(%dma_start3A_31 : memref<128x32xf32, #tpu.memory_space<hbm>>) target(%arg17 : memref<128x32xf32, #tpu.memory_space<vmem>>) target_semaphore(%arg20 : memref<!tpu.dma_semaphore, #tpu.memory_space<semaphore_mem>>)
      %dma_wait3A_32 = arith.constant 0 : i32
      %dma_wait3A_33 = tpu.memref_slice %arg5[%arg0, %add3A_24, %dma_wait3A_32] : memref<2x10240x32xf32, #tpu.memory_space<hbm>> -> memref<1x128x32xf32, #tpu.memory_space<hbm>>
      %dma_wait3A_34 = tpu.memref_squeeze %dma_wait3A_33 : memref<1x128x32xf32, #tpu.memory_space<hbm>> -> memref<128x32xf32, #tpu.memory_space<hbm>>
      %dma_wait3A_35 = arith.constant 0 : i32
      %dma_wait3A_36 = tpu.memref_slice %arg5[%arg0, %add3A_24, %dma_wait3A_35] : memref<2x10240x32xf32, #tpu.memory_space<hbm>> -> memref<1x128x32xf32, #tpu.memory_space<hbm>>
      %dma_wait3A_37 = tpu.memref_squeeze %dma_wait3A_36 : memref<1x128x32xf32, #tpu.memory_space<hbm>> -> memref<128x32xf32, #tpu.memory_space<hbm>>
      tpu.wait_dma2 semaphore(%arg20 : memref<!tpu.dma_semaphore, #tpu.memory_space<semaphore_mem>>) src(%dma_wait3A_37 : memref<128x32xf32, #tpu.memory_space<hbm>>) dst(%arg17 : memref<128x32xf32, #tpu.memory_space<vmem>>)
      %scan3A_38 = arith.constant 0 : i32
      %scan3A_39 = arith.constant 128 : i32
      %scan3A_40 = arith.addi %scan3A_38, %scan3A_39 : i32
      %scan3A_41 = arith.constant 1 : i32
      scf.for %scan3A_52 = %scan3A_38 to %scan3A_40 step %scan3A_41  : i32 {
        %mul3A_53 = arith.constant 1 : i32
        %mul3A_54 = arith.muli %scan3A_52, %mul3A_53 : i32
        %add3A_55 = arith.constant 0 : i32
        %add3A_56 = arith.addi %add3A_55, %mul3A_54 : i32
        %get3A = arith.index_cast %add3A_56 : i32 to index
        %get3A_57 = arith.constant 0 : index
        %get3A_58 = tpu.vector_load %arg17[%get3A, %get3A_57] {strides = array<i32>} : memref<128x32xf32, #tpu.memory_space<vmem>>, vector<1x16xf32>,
        %get3A_59 = vector.shape_cast %get3A_58 : vector<1x16xf32> to vector<16xf32>
        %mul3A_60 = arith.constant 1.000000e+01 : f32
        %mul3A_61 = vector.broadcast %mul3A_60 : f32 to vector<16xf32>
        %mul3A_62 = arith.mulf %get3A_59, %mul3A_61 : vector<16xf32>
        %swap3A = arith.index_cast %add3A_56 : i32 to index
        %swap3A_63 = arith.constant 0 : index
        %swap3A_64 = tpu.vector_load %arg15[%swap3A, %swap3A_63] {strides = array<i32>} : memref<128x32xf32, #tpu.memory_space<vmem>>, vector<1x16xf32>,
        %swap3A_65 = vector.shape_cast %swap3A_64 : vector<1x16xf32> to vector<16xf32>
        %swap3A_66 = vector.shape_cast %mul3A_62 : vector<16xf32> to vector<1x16xf32>
        tpu.vector_store %arg15[%swap3A, %swap3A_63], %swap3A_66 {strides = array<i32>} : memref<128x32xf32, #tpu.memory_space<vmem>>, vector<1x16xf32>,
        %get3A_67 = arith.index_cast %add3A_56 : i32 to index
        %get3A_68 = arith.constant 16 : index
        %get3A_69 = tpu.vector_load %arg17[%get3A_67, %get3A_68] {strides = array<i32>} : memref<128x32xf32, #tpu.memory_space<vmem>>, vector<1x16xf32>,
        %get3A_70 = vector.shape_cast %get3A_69 : vector<1x16xf32> to vector<16xf32>
        %mul3A_71 = arith.constant 1.000000e+01 : f32
        %mul3A_72 = vector.broadcast %mul3A_71 : f32 to vector<16xf32>
        %mul3A_73 = arith.mulf %get3A_70, %mul3A_72 : vector<16xf32>
        %swap3A_74 = arith.index_cast %add3A_56 : i32 to index
        %swap3A_75 = arith.constant 16 : index
        %swap3A_76 = tpu.vector_load %arg15[%swap3A_74, %swap3A_75] {strides = array<i32>} : memref<128x32xf32, #tpu.memory_space<vmem>>, vector<1x16xf32>,
        %swap3A_77 = vector.shape_cast %swap3A_76 : vector<1x16xf32> to vector<16xf32>
        %swap3A_78 = vector.shape_cast %mul3A_73 : vector<16xf32> to vector<1x16xf32>
        tpu.vector_store %arg15[%swap3A_74, %swap3A_75], %swap3A_78 {strides = array<i32>} : memref<128x32xf32, #tpu.memory_space<vmem>>, vector<1x16xf32>,
      }
      %scan3A_42 = arith.constant 128 : i32
      "tpu.region"() ({
        %run_scoped3A = tpu.sem_alloc : memref<!tpu.dma_semaphore, #tpu.memory_space<semaphore_mem>>
        %dma_start3A_52 = arith.constant 0 : i32
        %dma_start3A_53 = tpu.memref_slice %arg8[%arg0, %add3A_24, %dma_start3A_52] : memref<2x10240x32xf32, #tpu.memory_space<hbm>> -> memref<1x128x32xf32, #tpu.memory_space<hbm>>
        %dma_start3A_54 = tpu.memref_squeeze %dma_start3A_53 : memref<1x128x32xf32, #tpu.memory_space<hbm>> -> memref<128x32xf32, #tpu.memory_space<hbm>>
        %dma_start3A_55 = arith.constant 0 : i32
        %dma_start3A_56 = tpu.memref_slice %arg8[%arg0, %add3A_24, %dma_start3A_55] : memref<2x10240x32xf32, #tpu.memory_space<hbm>> -> memref<1x128x32xf32, #tpu.memory_space<hbm>>
        %dma_start3A_57 = tpu.memref_squeeze %dma_start3A_56 : memref<1x128x32xf32, #tpu.memory_space<hbm>> -> memref<128x32xf32, #tpu.memory_space<hbm>>
        tpu.enqueue_dma source(%arg15 : memref<128x32xf32, #tpu.memory_space<vmem>>) target(%dma_start3A_57 : memref<128x32xf32, #tpu.memory_space<hbm>>) target_semaphore(%run_scoped3A : memref<!tpu.dma_semaphore, #tpu.memory_space<semaphore_mem>>)
        %dma_wait3A_58 = arith.constant 0 : i32
        %dma_wait3A_59 = tpu.memref_slice %arg8[%arg0, %add3A_24, %dma_wait3A_58] : memref<2x10240x32xf32, #tpu.memory_space<hbm>> -> memref<1x128x32xf32, #tpu.memory_space<hbm>>
        %dma_wait3A_60 = tpu.memref_squeeze %dma_wait3A_59 : memref<1x128x32xf32, #tpu.memory_space<hbm>> -> memref<128x32xf32, #tpu.memory_space<hbm>>
        %dma_wait3A_61 = arith.constant 0 : i32
        %dma_wait3A_62 = tpu.memref_slice %arg8[%arg0, %add3A_24, %dma_wait3A_61] : memref<2x10240x32xf32, #tpu.memory_space<hbm>> -> memref<1x128x32xf32, #tpu.memory_space<hbm>>
        %dma_wait3A_63 = tpu.memref_squeeze %dma_wait3A_62 : memref<1x128x32xf32, #tpu.memory_space<hbm>> -> memref<128x32xf32, #tpu.memory_space<hbm>>
        tpu.wait_dma2 semaphore(%run_scoped3A : memref<!tpu.dma_semaphore, #tpu.memory_space<semaphore_mem>>) src(%arg15 : memref<128x32xf32, #tpu.memory_space<vmem>>) dst(%dma_wait3A_63 : memref<128x32xf32, #tpu.memory_space<hbm>>)
        tpu.yield
      }) : () -> ()
      %scan3A_43 = arith.constant 0 : i32
      %scan3A_44 = arith.constant 128 : i32
      %scan3A_45 = arith.addi %scan3A_43, %scan3A_44 : i32
      %scan3A_46 = arith.constant 1 : i32
      scf.for %scan3A_52 = %scan3A_43 to %scan3A_45 step %scan3A_46  : i32 {
        %mul3A_53 = arith.constant 1 : i32
        %mul3A_54 = arith.muli %scan3A_52, %mul3A_53 : i32
        %add3A_55 = arith.constant 0 : i32
        %add3A_56 = arith.addi %add3A_55, %mul3A_54 : i32
        %broadcast_in_dim3A = arith.constant 0.000000e+00 : f32
        %broadcast_in_dim3A_57 = vector.broadcast %broadcast_in_dim3A : f32 to vector<16xf32>
        %swap3A = arith.index_cast %add3A_56 : i32 to index
        %swap3A_58 = arith.constant 0 : index
        %swap3A_59 = tpu.vector_load %arg15[%swap3A, %swap3A_58] {strides = array<i32>} : memref<128x32xf32, #tpu.memory_space<vmem>>, vector<1x16xf32>,
        %swap3A_60 = vector.shape_cast %swap3A_59 : vector<1x16xf32> to vector<16xf32>
        %swap3A_61 = vector.shape_cast %broadcast_in_dim3A_57 : vector<16xf32> to vector<1x16xf32>
        tpu.vector_store %arg15[%swap3A, %swap3A_58], %swap3A_61 {strides = array<i32>} : memref<128x32xf32, #tpu.memory_space<vmem>>, vector<1x16xf32>,
        %broadcast_in_dim3A_62 = arith.constant 0.000000e+00 : f32
        %broadcast_in_dim3A_63 = vector.broadcast %broadcast_in_dim3A_62 : f32 to vector<16xf32>
        %swap3A_64 = arith.index_cast %add3A_56 : i32 to index
        %swap3A_65 = arith.constant 16 : index
        %swap3A_66 = tpu.vector_load %arg15[%swap3A_64, %swap3A_65] {strides = array<i32>} : memref<128x32xf32, #tpu.memory_space<vmem>>, vector<1x16xf32>,
        %swap3A_67 = vector.shape_cast %swap3A_66 : vector<1x16xf32> to vector<16xf32>
        %swap3A_68 = vector.shape_cast %broadcast_in_dim3A_63 : vector<16xf32> to vector<1x16xf32>
        tpu.vector_store %arg15[%swap3A_64, %swap3A_65], %swap3A_68 {strides = array<i32>} : memref<128x32xf32, #tpu.memory_space<vmem>>, vector<1x16xf32>,
      }
      %scan3A_47 = arith.constant 128 : i32
      %dma_start3A_48 = arith.constant 0 : i32
      %dma_start3A_49 = tpu.memref_slice %arg9[%add3A_24, %dma_start3A_48] : memref<10240x32xf32, #tpu.memory_space<vmem_shared>> -> memref<128x32xf32, #tpu.memory_space<vmem_shared>>
      %dma_start3A_50 = arith.constant 0 : i32
      %dma_start3A_51 = tpu.memref_slice %arg9[%add3A_24, %dma_start3A_50] : memref<10240x32xf32, #tpu.memory_space<vmem_shared>> -> memref<128x32xf32, #tpu.memory_space<vmem_shared>>
      tpu.enqueue_dma source(%arg15 : memref<128x32xf32, #tpu.memory_space<vmem>>) target(%dma_start3A_51 : memref<128x32xf32, #tpu.memory_space<vmem_shared>>) target_semaphore(%arg21 : memref<!tpu.dma_semaphore, #tpu.memory_space<semaphore_mem>>)
    }
    %scan3A_4 = arith.constant 5 : i32
    %dma_wait3A = arith.constant 0 : i32
    %dma_wait3A_5 = tpu.memref_slice %arg9[%mul3A_0, %dma_wait3A] : memref<10240x32xf32, #tpu.memory_space<vmem_shared>> -> memref<128x32xf32, #tpu.memory_space<vmem_shared>>
    %dma_wait3A_6 = arith.constant 0 : i32
    %dma_wait3A_7 = tpu.memref_slice %arg9[%mul3A_0, %dma_wait3A_6] : memref<10240x32xf32, #tpu.memory_space<vmem_shared>> -> memref<128x32xf32, #tpu.memory_space<vmem_shared>>
    tpu.wait_dma2 semaphore(%arg21 : memref<!tpu.dma_semaphore, #tpu.memory_space<semaphore_mem>>) src(%arg15 : memref<128x32xf32, #tpu.memory_space<vmem>>) dst(%dma_wait3A_7 : memref<128x32xf32, #tpu.memory_space<vmem_shared>>)
    %barrier3A = arith.constant 0 : index
    tpu.barrier barrier_id(%barrier3A)
    %scan3A_8 = arith.constant 0 : i32
    %scan3A_9 = arith.constant 50 : i32
    %scan3A_10 = arith.addi %scan3A_8, %scan3A_9 : i32
    %scan3A_11 = arith.constant 1 : i32
    scf.for %scan3A_18 = %scan3A_8 to %scan3A_10 step %scan3A_11  : i32 {
      %mul3A_19 = arith.constant 1 : i32
      %mul3A_20 = arith.muli %scan3A_18, %mul3A_19 : i32
      %add3A = arith.constant 0 : i32
      %add3A_21 = arith.addi %add3A, %mul3A_20 : i32
      %dma_start3A = arith.constant 0 : i32
      %dma_start3A_22 = arith.constant 0 : i32
      %dma_start3A_23 = tpu.memref_slice %arg10[%dma_start3A, %dma_start3A_22] : memref<54x384xi32, #tpu.memory_space<vmem>> -> memref<1x384xi32, #tpu.memory_space<vmem>>
      %dma_start3A_24 = tpu.memref_squeeze %dma_start3A_23 : memref<1x384xi32, #tpu.memory_space<vmem>> -> memref<384xi32, #tpu.memory_space<vmem>>
      %dma_start3A_25 = arith.constant 0 : i32
      %dma_start3A_26 = arith.constant 0 : i32
      %dma_start3A_27 = tpu.memref_slice %arg8[%arg0, %dma_start3A_25, %dma_start3A_26] : memref<2x10240x32xf32, #tpu.memory_space<hbm>> -> memref<1x10240x32xf32, #tpu.memory_space<hbm>>
      %dma_start3A_28 = tpu.memref_squeeze %dma_start3A_27 : memref<1x10240x32xf32, #tpu.memory_space<hbm>> -> memref<10240x32xf32, #tpu.memory_space<hbm>>
      %dma_start3A_29 = arith.constant 0 : i32
      %dma_start3A_30 = arith.constant 0 : i32
      %dma_start3A_31 = tpu.memref_slice %dma_start3A_28[%dma_start3A_29, %dma_start3A_30] : memref<10240x32xf32, #tpu.memory_space<hbm>> -> memref<10240x32xf32, #tpu.memory_space<hbm>>
      tpu.enqueue_indirect_dma source(%dma_start3A_31 : memref<10240x32xf32, #tpu.memory_space<hbm>>) target(%arg12 : memref<384x32xf32, #tpu.memory_space<vmem>>) offsets(%dma_start3A_24 : memref<384xi32, #tpu.memory_space<vmem>>) semaphore(%arg18 : memref<!tpu.dma_semaphore, #tpu.memory_space<semaphore_mem>>)
      %dma_start3A_32 = arith.constant 1 : i32
      %dma_start3A_33 = arith.constant 0 : i32
      %dma_start3A_34 = tpu.memref_slice %arg10[%dma_start3A_32, %dma_start3A_33] : memref<54x384xi32, #tpu.memory_space<vmem>> -> memref<1x384xi32, #tpu.memory_space<vmem>>
      %dma_start3A_35 = tpu.memref_squeeze %dma_start3A_34 : memref<1x384xi32, #tpu.memory_space<vmem>> -> memref<384xi32, #tpu.memory_space<vmem>>
      %dma_start3A_36 = arith.constant 0 : i32
      %dma_start3A_37 = arith.constant 0 : i32
      %dma_start3A_38 = tpu.memref_slice %arg8[%arg0, %dma_start3A_36, %dma_start3A_37] : memref<2x10240x32xf32, #tpu.memory_space<hbm>> -> memref<1x10240x32xf32, #tpu.memory_space<hbm>>
      %dma_start3A_39 = tpu.memref_squeeze %dma_start3A_38 : memref<1x10240x32xf32, #tpu.memory_space<hbm>> -> memref<10240x32xf32, #tpu.memory_space<hbm>>
      %dma_start3A_40 = arith.constant 0 : i32
      %dma_start3A_41 = arith.constant 0 : i32
      %dma_start3A_42 = tpu.memref_slice %dma_start3A_39[%dma_start3A_40, %dma_start3A_41] : memref<10240x32xf32, #tpu.memory_space<hbm>> -> memref<10240x32xf32, #tpu.memory_space<hbm>>
      tpu.enqueue_indirect_dma source(%dma_start3A_42 : memref<10240x32xf32, #tpu.memory_space<hbm>>) target(%arg13 : memref<384x32xf32, #tpu.memory_space<vmem>>) offsets(%dma_start3A_35 : memref<384xi32, #tpu.memory_space<vmem>>) semaphore(%arg19 : memref<!tpu.dma_semaphore, #tpu.memory_space<semaphore_mem>>)
      %dma_wait3A_43 = arith.constant 0 : i32
      %dma_wait3A_44 = arith.constant 0 : i32
      %dma_wait3A_45 = tpu.memref_slice %arg10[%dma_wait3A_43, %dma_wait3A_44] : memref<54x384xi32, #tpu.memory_space<vmem>> -> memref<1x384xi32, #tpu.memory_space<vmem>>
      %dma_wait3A_46 = tpu.memref_squeeze %dma_wait3A_45 : memref<1x384xi32, #tpu.memory_space<vmem>> -> memref<384xi32, #tpu.memory_space<vmem>>
      %dma_wait3A_47 = arith.constant 0 : i32
      %dma_wait3A_48 = arith.constant 0 : i32
      %dma_wait3A_49 = tpu.memref_slice %arg8[%arg0, %dma_wait3A_47, %dma_wait3A_48] : memref<2x10240x32xf32, #tpu.memory_space<hbm>> -> memref<1x10240x32xf32, #tpu.memory_space<hbm>>
      %dma_wait3A_50 = tpu.memref_squeeze %dma_wait3A_49 : memref<1x10240x32xf32, #tpu.memory_space<hbm>> -> memref<10240x32xf32, #tpu.memory_space<hbm>>
      %dma_wait3A_51 = arith.constant 0 : i32
      %dma_wait3A_52 = arith.constant 0 : i32
      %dma_wait3A_53 = tpu.memref_slice %dma_wait3A_50[%dma_wait3A_51, %dma_wait3A_52] : memref<10240x32xf32, #tpu.memory_space<hbm>> -> memref<10240x32xf32, #tpu.memory_space<hbm>>
      tpu.wait_indirect_dma semaphore(%arg18 : memref<!tpu.dma_semaphore, #tpu.memory_space<semaphore_mem>>) src(%dma_wait3A_53 : memref<10240x32xf32, #tpu.memory_space<hbm>>) dst(%arg12 : memref<384x32xf32, #tpu.memory_space<vmem>>)
      %dma_start3A_54 = arith.constant 0 : i32
      %dma_start3A_55 = arith.constant 0 : i32
      %dma_start3A_56 = tpu.memref_slice %arg11[%dma_start3A_54, %dma_start3A_55] : memref<54x384xi32, #tpu.memory_space<vmem>> -> memref<1x384xi32, #tpu.memory_space<vmem>>
      %dma_start3A_57 = tpu.memref_squeeze %dma_start3A_56 : memref<1x384xi32, #tpu.memory_space<vmem>> -> memref<384xi32, #tpu.memory_space<vmem>>
      %dma_start3A_58 = arith.constant 0 : i32
      %dma_start3A_59 = arith.constant 0 : i32
      %dma_start3A_60 = tpu.memref_slice %arg9[%dma_start3A_58, %dma_start3A_59] : memref<10240x32xf32, #tpu.memory_space<vmem_shared>> -> memref<10240x32xf32, #tpu.memory_space<vmem_shared>>
      tpu.enqueue_indirect_dma source(%arg12 : memref<384x32xf32, #tpu.memory_space<vmem>>) target(%dma_start3A_60 : memref<10240x32xf32, #tpu.memory_space<vmem_shared>>) offsets(%dma_start3A_57 : memref<384xi32, #tpu.memory_space<vmem>>) semaphore(%arg21 : memref<!tpu.dma_semaphore, #tpu.memory_space<semaphore_mem>>) {add = true}
      %dma_start3A_61 = arith.constant 2 : i32
      %dma_start3A_62 = arith.constant 0 : i32
      %dma_start3A_63 = tpu.memref_slice %arg10[%dma_start3A_61, %dma_start3A_62] : memref<54x384xi32, #tpu.memory_space<vmem>> -> memref<1x384xi32, #tpu.memory_space<vmem>>
      %dma_start3A_64 = tpu.memref_squeeze %dma_start3A_63 : memref<1x384xi32, #tpu.memory_space<vmem>> -> memref<384xi32, #tpu.memory_space<vmem>>
      %dma_start3A_65 = arith.constant 0 : i32
      %dma_start3A_66 = arith.constant 0 : i32
      %dma_start3A_67 = tpu.memref_slice %arg8[%arg0, %dma_start3A_65, %dma_start3A_66] : memref<2x10240x32xf32, #tpu.memory_space<hbm>> -> memref<1x10240x32xf32, #tpu.memory_space<hbm>>
      %dma_start3A_68 = tpu.memref_squeeze %dma_start3A_67 : memref<1x10240x32xf32, #tpu.memory_space<hbm>> -> memref<10240x32xf32, #tpu.memory_space<hbm>>
      %dma_start3A_69 = arith.constant 0 : i32
      %dma_start3A_70 = arith.constant 0 : i32
      %dma_start3A_71 = tpu.memref_slice %dma_start3A_68[%dma_start3A_69, %dma_start3A_70] : memref<10240x32xf32, #tpu.memory_space<hbm>> -> memref<10240x32xf32, #tpu.memory_space<hbm>>
      tpu.enqueue_indirect_dma source(%dma_start3A_71 : memref<10240x32xf32, #tpu.memory_space<hbm>>) target(%arg14 : memref<384x32xf32, #tpu.memory_space<vmem>>) offsets(%dma_start3A_64 : memref<384xi32, #tpu.memory_space<vmem>>) semaphore(%arg20 : memref<!tpu.dma_semaphore, #tpu.memory_space<semaphore_mem>>)
      %dma_wait3A_72 = arith.constant 0 : i32
      %dma_wait3A_73 = arith.constant 0 : i32
      %dma_wait3A_74 = tpu.memref_slice %arg10[%dma_wait3A_72, %dma_wait3A_73] : memref<54x384xi32, #tpu.memory_space<vmem>> -> memref<1x384xi32, #tpu.memory_space<vmem>>
      %dma_wait3A_75 = tpu.memref_squeeze %dma_wait3A_74 : memref<1x384xi32, #tpu.memory_space<vmem>> -> memref<384xi32, #tpu.memory_space<vmem>>
      %dma_wait3A_76 = arith.constant 0 : i32
      %dma_wait3A_77 = arith.constant 0 : i32
      %dma_wait3A_78 = tpu.memref_slice %arg8[%arg0, %dma_wait3A_76, %dma_wait3A_77] : memref<2x10240x32xf32, #tpu.memory_space<hbm>> -> memref<1x10240x32xf32, #tpu.memory_space<hbm>>
      %dma_wait3A_79 = tpu.memref_squeeze %dma_wait3A_78 : memref<1x10240x32xf32, #tpu.memory_space<hbm>> -> memref<10240x32xf32, #tpu.memory_space<hbm>>
      %dma_wait3A_80 = arith.constant 0 : i32
      %dma_wait3A_81 = arith.constant 0 : i32
      %dma_wait3A_82 = tpu.memref_slice %dma_wait3A_79[%dma_wait3A_80, %dma_wait3A_81] : memref<10240x32xf32, #tpu.memory_space<hbm>> -> memref<10240x32xf32, #tpu.memory_space<hbm>>
      tpu.wait_indirect_dma semaphore(%arg19 : memref<!tpu.dma_semaphore, #tpu.memory_space<semaphore_mem>>) src(%dma_wait3A_82 : memref<10240x32xf32, #tpu.memory_space<hbm>>) dst(%arg13 : memref<384x32xf32, #tpu.memory_space<vmem>>)
      %dma_start3A_83 = arith.constant 1 : i32
      %dma_start3A_84 = arith.constant 0 : i32
      %dma_start3A_85 = tpu.memref_slice %arg11[%dma_start3A_83, %dma_start3A_84] : memref<54x384xi32, #tpu.memory_space<vmem>> -> memref<1x384xi32, #tpu.memory_space<vmem>>
      %dma_start3A_86 = tpu.memref_squeeze %dma_start3A_85 : memref<1x384xi32, #tpu.memory_space<vmem>> -> memref<384xi32, #tpu.memory_space<vmem>>
      %dma_start3A_87 = arith.constant 0 : i32
      %dma_start3A_88 = arith.constant 0 : i32
      %dma_start3A_89 = tpu.memref_slice %arg9[%dma_start3A_87, %dma_start3A_88] : memref<10240x32xf32, #tpu.memory_space<vmem_shared>> -> memref<10240x32xf32, #tpu.memory_space<vmem_shared>>
      tpu.enqueue_indirect_dma source(%arg13 : memref<384x32xf32, #tpu.memory_space<vmem>>) target(%dma_start3A_89 : memref<10240x32xf32, #tpu.memory_space<vmem_shared>>) offsets(%dma_start3A_86 : memref<384xi32, #tpu.memory_space<vmem>>) semaphore(%arg22 : memref<!tpu.dma_semaphore, #tpu.memory_space<semaphore_mem>>) {add = true}
      %scan3A_90 = arith.constant 0 : i32
      %scan3A_91 = arith.constant 17 : i32
      %scan3A_92 = arith.addi %scan3A_90, %scan3A_91 : i32
      %scan3A_93 = arith.constant 1 : i32
      scf.for %scan3A_269 = %scan3A_90 to %scan3A_92 step %scan3A_93  : i32 {
        %mul3A_270 = arith.constant 1 : i32
        %mul3A_271 = arith.muli %scan3A_269, %mul3A_270 : i32
        %add3A_272 = arith.constant 0 : i32
        %add3A_273 = arith.addi %add3A_272, %mul3A_271 : i32
        %mul3A_274 = arith.constant 3 : i32
        %mul3A_275 = arith.muli %add3A_273, %mul3A_274 : i32
        %add3A_276 = arith.constant 2 : i32
        %add3A_277 = arith.addi %add3A_276, %mul3A_275 : i32
        %add3A_278 = arith.constant 0 : i32
        %add3A_279 = arith.addi %add3A_277, %add3A_278 : i32
        %dma_wait3A_280 = arith.constant 0 : i32
        %dma_wait3A_281 = arith.constant 0 : i32
        %dma_wait3A_282 = tpu.memref_slice %arg11[%dma_wait3A_280, %dma_wait3A_281] : memref<54x384xi32, #tpu.memory_space<vmem>> -> memref<1x384xi32, #tpu.memory_space<vmem>>
        %dma_wait3A_283 = tpu.memref_squeeze %dma_wait3A_282 : memref<1x384xi32, #tpu.memory_space<vmem>> -> memref<384xi32, #tpu.memory_space<vmem>>
        %dma_wait3A_284 = arith.constant 0 : i32
        %dma_wait3A_285 = arith.constant 0 : i32
        %dma_wait3A_286 = tpu.memref_slice %arg9[%dma_wait3A_284, %dma_wait3A_285] : memref<10240x32xf32, #tpu.memory_space<vmem_shared>> -> memref<10240x32xf32, #tpu.memory_space<vmem_shared>>
        tpu.wait_indirect_dma semaphore(%arg21 : memref<!tpu.dma_semaphore, #tpu.memory_space<semaphore_mem>>) src(%arg12 : memref<384x32xf32, #tpu.memory_space<vmem>>) dst(%dma_wait3A_286 : memref<10240x32xf32, #tpu.memory_space<vmem_shared>>)
        %add3A_287 = arith.constant 1 : i32
        %add3A_288 = arith.addi %add3A_279, %add3A_287 : i32
        %dma_start3A_289 = arith.constant 0 : i32
        %dma_start3A_290 = tpu.memref_slice %arg10[%add3A_288, %dma_start3A_289] : memref<54x384xi32, #tpu.memory_space<vmem>> -> memref<1x384xi32, #tpu.memory_space<vmem>>
        %dma_start3A_291 = tpu.memref_squeeze %dma_start3A_290 : memref<1x384xi32, #tpu.memory_space<vmem>> -> memref<384xi32, #tpu.memory_space<vmem>>
        %dma_start3A_292 = arith.constant 0 : i32
        %dma_start3A_293 = arith.constant 0 : i32
        %dma_start3A_294 = tpu.memref_slice %arg8[%arg0, %dma_start3A_292, %dma_start3A_293] : memref<2x10240x32xf32, #tpu.memory_space<hbm>> -> memref<1x10240x32xf32, #tpu.memory_space<hbm>>
        %dma_start3A_295 = tpu.memref_squeeze %dma_start3A_294 : memref<1x10240x32xf32, #tpu.memory_space<hbm>> -> memref<10240x32xf32, #tpu.memory_space<hbm>>
        %dma_start3A_296 = arith.constant 0 : i32
        %dma_start3A_297 = arith.constant 0 : i32
        %dma_start3A_298 = tpu.memref_slice %dma_start3A_295[%dma_start3A_296, %dma_start3A_297] : memref<10240x32xf32, #tpu.memory_space<hbm>> -> memref<10240x32xf32, #tpu.memory_space<hbm>>
        tpu.enqueue_indirect_dma source(%dma_start3A_298 : memref<10240x32xf32, #tpu.memory_space<hbm>>) target(%arg12 : memref<384x32xf32, #tpu.memory_space<vmem>>) offsets(%dma_start3A_291 : memref<384xi32, #tpu.memory_space<vmem>>) semaphore(%arg18 : memref<!tpu.dma_semaphore, #tpu.memory_space<semaphore_mem>>)
        %dma_wait3A_299 = arith.constant 0 : i32
        %dma_wait3A_300 = arith.constant 0 : i32
        %dma_wait3A_301 = tpu.memref_slice %arg10[%dma_wait3A_299, %dma_wait3A_300] : memref<54x384xi32, #tpu.memory_space<vmem>> -> memref<1x384xi32, #tpu.memory_space<vmem>>
        %dma_wait3A_302 = tpu.memref_squeeze %dma_wait3A_301 : memref<1x384xi32, #tpu.memory_space<vmem>> -> memref<384xi32, #tpu.memory_space<vmem>>
        %dma_wait3A_303 = arith.constant 0 : i32
        %dma_wait3A_304 = arith.constant 0 : i32
        %dma_wait3A_305 = tpu.memref_slice %arg8[%arg0, %dma_wait3A_303, %dma_wait3A_304] : memref<2x10240x32xf32, #tpu.memory_space<hbm>> -> memref<1x10240x32xf32, #tpu.memory_space<hbm>>
        %dma_wait3A_306 = tpu.memref_squeeze %dma_wait3A_305 : memref<1x10240x32xf32, #tpu.memory_space<hbm>> -> memref<10240x32xf32, #tpu.memory_space<hbm>>
        %dma_wait3A_307 = arith.constant 0 : i32
        %dma_wait3A_308 = arith.constant 0 : i32
        %dma_wait3A_309 = tpu.memref_slice %dma_wait3A_306[%dma_wait3A_307, %dma_wait3A_308] : memref<10240x32xf32, #tpu.memory_space<hbm>> -> memref<10240x32xf32, #tpu.memory_space<hbm>>
        tpu.wait_indirect_dma semaphore(%arg20 : memref<!tpu.dma_semaphore, #tpu.memory_space<semaphore_mem>>) src(%dma_wait3A_309 : memref<10240x32xf32, #tpu.memory_space<hbm>>) dst(%arg14 : memref<384x32xf32, #tpu.memory_space<vmem>>)
        %dma_start3A_310 = arith.constant 0 : i32
        %dma_start3A_311 = tpu.memref_slice %arg11[%add3A_279, %dma_start3A_310] : memref<54x384xi32, #tpu.memory_space<vmem>> -> memref<1x384xi32, #tpu.memory_space<vmem>>
        %dma_start3A_312 = tpu.memref_squeeze %dma_start3A_311 : memref<1x384xi32, #tpu.memory_space<vmem>> -> memref<384xi32, #tpu.memory_space<vmem>>
        %dma_start3A_313 = arith.constant 0 : i32
        %dma_start3A_314 = arith.constant 0 : i32
        %dma_start3A_315 = tpu.memref_slice %arg9[%dma_start3A_313, %dma_start3A_314] : memref<10240x32xf32, #tpu.memory_space<vmem_shared>> -> memref<10240x32xf32, #tpu.memory_space<vmem_shared>>
        tpu.enqueue_indirect_dma source(%arg14 : memref<384x32xf32, #tpu.memory_space<vmem>>) target(%dma_start3A_315 : memref<10240x32xf32, #tpu.memory_space<vmem_shared>>) offsets(%dma_start3A_312 : memref<384xi32, #tpu.memory_space<vmem>>) semaphore(%arg23 : memref<!tpu.dma_semaphore, #tpu.memory_space<semaphore_mem>>) {add = true}
        %add3A_316 = arith.constant 1 : i32
        %add3A_317 = arith.addi %add3A_277, %add3A_316 : i32
        %dma_wait3A_318 = arith.constant 0 : i32
        %dma_wait3A_319 = arith.constant 0 : i32
        %dma_wait3A_320 = tpu.memref_slice %arg11[%dma_wait3A_318, %dma_wait3A_319] : memref<54x384xi32, #tpu.memory_space<vmem>> -> memref<1x384xi32, #tpu.memory_space<vmem>>
        %dma_wait3A_321 = tpu.memref_squeeze %dma_wait3A_320 : memref<1x384xi32, #tpu.memory_space<vmem>> -> memref<384xi32, #tpu.memory_space<vmem>>
        %dma_wait3A_322 = arith.constant 0 : i32
        %dma_wait3A_323 = arith.constant 0 : i32
        %dma_wait3A_324 = tpu.memref_slice %arg9[%dma_wait3A_322, %dma_wait3A_323] : memref<10240x32xf32, #tpu.memory_space<vmem_shared>> -> memref<10240x32xf32, #tpu.memory_space<vmem_shared>>
        tpu.wait_indirect_dma semaphore(%arg22 : memref<!tpu.dma_semaphore, #tpu.memory_space<semaphore_mem>>) src(%arg13 : memref<384x32xf32, #tpu.memory_space<vmem>>) dst(%dma_wait3A_324 : memref<10240x32xf32, #tpu.memory_space<vmem_shared>>)
        %add3A_325 = arith.constant 1 : i32
        %add3A_326 = arith.addi %add3A_317, %add3A_325 : i32
        %dma_start3A_327 = arith.constant 0 : i32
        %dma_start3A_328 = tpu.memref_slice %arg10[%add3A_326, %dma_start3A_327] : memref<54x384xi32, #tpu.memory_space<vmem>> -> memref<1x384xi32, #tpu.memory_space<vmem>>
        %dma_start3A_329 = tpu.memref_squeeze %dma_start3A_328 : memref<1x384xi32, #tpu.memory_space<vmem>> -> memref<384xi32, #tpu.memory_space<vmem>>
        %dma_start3A_330 = arith.constant 0 : i32
        %dma_start3A_331 = arith.constant 0 : i32
        %dma_start3A_332 = tpu.memref_slice %arg8[%arg0, %dma_start3A_330, %dma_start3A_331] : memref<2x10240x32xf32, #tpu.memory_space<hbm>> -> memref<1x10240x32xf32, #tpu.memory_space<hbm>>
        %dma_start3A_333 = tpu.memref_squeeze %dma_start3A_332 : memref<1x10240x32xf32, #tpu.memory_space<hbm>> -> memref<10240x32xf32, #tpu.memory_space<hbm>>
        %dma_start3A_334 = arith.constant 0 : i32
        %dma_start3A_335 = arith.constant 0 : i32
        %dma_start3A_336 = tpu.memref_slice %dma_start3A_333[%dma_start3A_334, %dma_start3A_335] : memref<10240x32xf32, #tpu.memory_space<hbm>> -> memref<10240x32xf32, #tpu.memory_space<hbm>>
        tpu.enqueue_indirect_dma source(%dma_start3A_336 : memref<10240x32xf32, #tpu.memory_space<hbm>>) target(%arg13 : memref<384x32xf32, #tpu.memory_space<vmem>>) offsets(%dma_start3A_329 : memref<384xi32, #tpu.memory_space<vmem>>) semaphore(%arg19 : memref<!tpu.dma_semaphore, #tpu.memory_space<semaphore_mem>>)
        %dma_wait3A_337 = arith.constant 0 : i32
        %dma_wait3A_338 = arith.constant 0 : i32
        %dma_wait3A_339 = tpu.memref_slice %arg10[%dma_wait3A_337, %dma_wait3A_338] : memref<54x384xi32, #tpu.memory_space<vmem>> -> memref<1x384xi32, #tpu.memory_space<vmem>>
        %dma_wait3A_340 = tpu.memref_squeeze %dma_wait3A_339 : memref<1x384xi32, #tpu.memory_space<vmem>> -> memref<384xi32, #tpu.memory_space<vmem>>
        %dma_wait3A_341 = arith.constant 0 : i32
        %dma_wait3A_342 = arith.constant 0 : i32
        %dma_wait3A_343 = tpu.memref_slice %arg8[%arg0, %dma_wait3A_341, %dma_wait3A_342] : memref<2x10240x32xf32, #tpu.memory_space<hbm>> -> memref<1x10240x32xf32, #tpu.memory_space<hbm>>
        %dma_wait3A_344 = tpu.memref_squeeze %dma_wait3A_343 : memref<1x10240x32xf32, #tpu.memory_space<hbm>> -> memref<10240x32xf32, #tpu.memory_space<hbm>>
        %dma_wait3A_345 = arith.constant 0 : i32
        %dma_wait3A_346 = arith.constant 0 : i32
        %dma_wait3A_347 = tpu.memref_slice %dma_wait3A_344[%dma_wait3A_345, %dma_wait3A_346] : memref<10240x32xf32, #tpu.memory_space<hbm>> -> memref<10240x32xf32, #tpu.memory_space<hbm>>
        tpu.wait_indirect_dma semaphore(%arg18 : memref<!tpu.dma_semaphore, #tpu.memory_space<semaphore_mem>>) src(%dma_wait3A_347 : memref<10240x32xf32, #tpu.memory_space<hbm>>) dst(%arg12 : memref<384x32xf32, #tpu.memory_space<vmem>>)
        %dma_start3A_348 = arith.constant 0 : i32
        %dma_start3A_349 = tpu.memref_slice %arg11[%add3A_317, %dma_start3A_348] : memref<54x384xi32, #tpu.memory_space<vmem>> -> memref<1x384xi32, #tpu.memory_space<vmem>>
        %dma_start3A_350 = tpu.memref_squeeze %dma_start3A_349 : memref<1x384xi32, #tpu.memory_space<vmem>> -> memref<384xi32, #tpu.memory_space<vmem>>
        %dma_start3A_351 = arith.constant 0 : i32
        %dma_start3A_352 = arith.constant 0 : i32
        %dma_start3A_353 = tpu.memref_slice %arg9[%dma_start3A_351, %dma_start3A_352] : memref<10240x32xf32, #tpu.memory_space<vmem_shared>> -> memref<10240x32xf32, #tpu.memory_space<vmem_shared>>
        tpu.enqueue_indirect_dma source(%arg12 : memref<384x32xf32, #tpu.memory_space<vmem>>) target(%dma_start3A_353 : memref<10240x32xf32, #tpu.memory_space<vmem_shared>>) offsets(%dma_start3A_350 : memref<384xi32, #tpu.memory_space<vmem>>) semaphore(%arg21 : memref<!tpu.dma_semaphore, #tpu.memory_space<semaphore_mem>>) {add = true}
        %add3A_354 = arith.constant 2 : i32
        %add3A_355 = arith.addi %add3A_277, %add3A_354 : i32
        %dma_wait3A_356 = arith.constant 0 : i32
        %dma_wait3A_357 = arith.constant 0 : i32
        %dma_wait3A_358 = tpu.memref_slice %arg11[%dma_wait3A_356, %dma_wait3A_357] : memref<54x384xi32, #tpu.memory_space<vmem>> -> memref<1x384xi32, #tpu.memory_space<vmem>>
        %dma_wait3A_359 = tpu.memref_squeeze %dma_wait3A_358 : memref<1x384xi32, #tpu.memory_space<vmem>> -> memref<384xi32, #tpu.memory_space<vmem>>
        %dma_wait3A_360 = arith.constant 0 : i32
        %dma_wait3A_361 = arith.constant 0 : i32
        %dma_wait3A_362 = tpu.memref_slice %arg9[%dma_wait3A_360, %dma_wait3A_361] : memref<10240x32xf32, #tpu.memory_space<vmem_shared>> -> memref<10240x32xf32, #tpu.memory_space<vmem_shared>>
        tpu.wait_indirect_dma semaphore(%arg23 : memref<!tpu.dma_semaphore, #tpu.memory_space<semaphore_mem>>) src(%arg14 : memref<384x32xf32, #tpu.memory_space<vmem>>) dst(%dma_wait3A_362 : memref<10240x32xf32, #tpu.memory_space<vmem_shared>>)
        %add3A_363 = arith.constant 1 : i32
        %add3A_364 = arith.addi %add3A_355, %add3A_363 : i32
        %dma_start3A_365 = arith.constant 0 : i32
        %dma_start3A_366 = tpu.memref_slice %arg10[%add3A_364, %dma_start3A_365] : memref<54x384xi32, #tpu.memory_space<vmem>> -> memref<1x384xi32, #tpu.memory_space<vmem>>
        %dma_start3A_367 = tpu.memref_squeeze %dma_start3A_366 : memref<1x384xi32, #tpu.memory_space<vmem>> -> memref<384xi32, #tpu.memory_space<vmem>>
        %dma_start3A_368 = arith.constant 0 : i32
        %dma_start3A_369 = arith.constant 0 : i32
        %dma_start3A_370 = tpu.memref_slice %arg8[%arg0, %dma_start3A_368, %dma_start3A_369] : memref<2x10240x32xf32, #tpu.memory_space<hbm>> -> memref<1x10240x32xf32, #tpu.memory_space<hbm>>
        %dma_start3A_371 = tpu.memref_squeeze %dma_start3A_370 : memref<1x10240x32xf32, #tpu.memory_space<hbm>> -> memref<10240x32xf32, #tpu.memory_space<hbm>>
        %dma_start3A_372 = arith.constant 0 : i32
        %dma_start3A_373 = arith.constant 0 : i32
        %dma_start3A_374 = tpu.memref_slice %dma_start3A_371[%dma_start3A_372, %dma_start3A_373] : memref<10240x32xf32, #tpu.memory_space<hbm>> -> memref<10240x32xf32, #tpu.memory_space<hbm>>
        tpu.enqueue_indirect_dma source(%dma_start3A_374 : memref<10240x32xf32, #tpu.memory_space<hbm>>) target(%arg14 : memref<384x32xf32, #tpu.memory_space<vmem>>) offsets(%dma_start3A_367 : memref<384xi32, #tpu.memory_space<vmem>>) semaphore(%arg20 : memref<!tpu.dma_semaphore, #tpu.memory_space<semaphore_mem>>)
        %dma_wait3A_375 = arith.constant 0 : i32
        %dma_wait3A_376 = arith.constant 0 : i32
        %dma_wait3A_377 = tpu.memref_slice %arg10[%dma_wait3A_375, %dma_wait3A_376] : memref<54x384xi32, #tpu.memory_space<vmem>> -> memref<1x384xi32, #tpu.memory_space<vmem>>
        %dma_wait3A_378 = tpu.memref_squeeze %dma_wait3A_377 : memref<1x384xi32, #tpu.memory_space<vmem>> -> memref<384xi32, #tpu.memory_space<vmem>>
        %dma_wait3A_379 = arith.constant 0 : i32
        %dma_wait3A_380 = arith.constant 0 : i32
        %dma_wait3A_381 = tpu.memref_slice %arg8[%arg0, %dma_wait3A_379, %dma_wait3A_380] : memref<2x10240x32xf32, #tpu.memory_space<hbm>> -> memref<1x10240x32xf32, #tpu.memory_space<hbm>>
        %dma_wait3A_382 = tpu.memref_squeeze %dma_wait3A_381 : memref<1x10240x32xf32, #tpu.memory_space<hbm>> -> memref<10240x32xf32, #tpu.memory_space<hbm>>
        %dma_wait3A_383 = arith.constant 0 : i32
        %dma_wait3A_384 = arith.constant 0 : i32
        %dma_wait3A_385 = tpu.memref_slice %dma_wait3A_382[%dma_wait3A_383, %dma_wait3A_384] : memref<10240x32xf32, #tpu.memory_space<hbm>> -> memref<10240x32xf32, #tpu.memory_space<hbm>>
        tpu.wait_indirect_dma semaphore(%arg19 : memref<!tpu.dma_semaphore, #tpu.memory_space<semaphore_mem>>) src(%dma_wait3A_385 : memref<10240x32xf32, #tpu.memory_space<hbm>>) dst(%arg13 : memref<384x32xf32, #tpu.memory_space<vmem>>)
        %dma_start3A_386 = arith.constant 0 : i32
        %dma_start3A_387 = tpu.memref_slice %arg11[%add3A_355, %dma_start3A_386] : memref<54x384xi32, #tpu.memory_space<vmem>> -> memref<1x384xi32, #tpu.memory_space<vmem>>
        %dma_start3A_388 = tpu.memref_squeeze %dma_start3A_387 : memref<1x384xi32, #tpu.memory_space<vmem>> -> memref<384xi32, #tpu.memory_space<vmem>>
        %dma_start3A_389 = arith.constant 0 : i32
        %dma_start3A_390 = arith.constant 0 : i32
        %dma_start3A_391 = tpu.memref_slice %arg9[%dma_start3A_389, %dma_start3A_390] : memref<10240x32xf32, #tpu.memory_space<vmem_shared>> -> memref<10240x32xf32, #tpu.memory_space<vmem_shared>>
        tpu.enqueue_indirect_dma source(%arg13 : memref<384x32xf32, #tpu.memory_space<vmem>>) target(%dma_start3A_391 : memref<10240x32xf32, #tpu.memory_space<vmem_shared>>) offsets(%dma_start3A_388 : memref<384xi32, #tpu.memory_space<vmem>>) semaphore(%arg22 : memref<!tpu.dma_semaphore, #tpu.memory_space<semaphore_mem>>) {add = true}
      }
      %scan3A_94 = arith.constant 17 : i32
      %dma_wait3A_95 = arith.constant 0 : i32
      %dma_wait3A_96 = arith.constant 0 : i32
      %dma_wait3A_97 = tpu.memref_slice %arg10[%dma_wait3A_95, %dma_wait3A_96] : memref<54x384xi32, #tpu.memory_space<vmem>> -> memref<1x384xi32, #tpu.memory_space<vmem>>
      %dma_wait3A_98 = tpu.memref_squeeze %dma_wait3A_97 : memref<1x384xi32, #tpu.memory_space<vmem>> -> memref<384xi32, #tpu.memory_space<vmem>>
      %dma_wait3A_99 = arith.constant 0 : i32
      %dma_wait3A_100 = arith.constant 0 : i32
      %dma_wait3A_101 = tpu.memref_slice %arg8[%arg0, %dma_wait3A_99, %dma_wait3A_100] : memref<2x10240x32xf32, #tpu.memory_space<hbm>> -> memref<1x10240x32xf32, #tpu.memory_space<hbm>>
      %dma_wait3A_102 = tpu.memref_squeeze %dma_wait3A_101 : memref<1x10240x32xf32, #tpu.memory_space<hbm>> -> memref<10240x32xf32, #tpu.memory_space<hbm>>
      %dma_wait3A_103 = arith.constant 0 : i32
      %dma_wait3A_104 = arith.constant 0 : i32
      %dma_wait3A_105 = tpu.memref_slice %dma_wait3A_102[%dma_wait3A_103, %dma_wait3A_104] : memref<10240x32xf32, #tpu.memory_space<hbm>> -> memref<10240x32xf32, #tpu.memory_space<hbm>>
      tpu.wait_indirect_dma semaphore(%arg20 : memref<!tpu.dma_semaphore, #tpu.memory_space<semaphore_mem>>) src(%dma_wait3A_105 : memref<10240x32xf32, #tpu.memory_space<hbm>>) dst(%arg14 : memref<384x32xf32, #tpu.memory_space<vmem>>)
      %dma_start3A_106 = arith.constant 53 : i32
      %dma_start3A_107 = arith.constant 0 : i32
      %dma_start3A_108 = tpu.memref_slice %arg11[%dma_start3A_106, %dma_start3A_107] : memref<54x384xi32, #tpu.memory_space<vmem>> -> memref<1x384xi32, #tpu.memory_space<vmem>>
      %dma_start3A_109 = tpu.memref_squeeze %dma_start3A_108 : memref<1x384xi32, #tpu.memory_space<vmem>> -> memref<384xi32, #tpu.memory_space<vmem>>
      %dma_start3A_110 = arith.constant 0 : i32
      %dma_start3A_111 = arith.constant 0 : i32
      %dma_start3A_112 = tpu.memref_slice %arg9[%dma_start3A_110, %dma_start3A_111] : memref<10240x32xf32, #tpu.memory_space<vmem_shared>> -> memref<10240x32xf32, #tpu.memory_space<vmem_shared>>
      tpu.enqueue_indirect_dma source(%arg14 : memref<384x32xf32, #tpu.memory_space<vmem>>) target(%dma_start3A_112 : memref<10240x32xf32, #tpu.memory_space<vmem_shared>>) offsets(%dma_start3A_109 : memref<384xi32, #tpu.memory_space<vmem>>) semaphore(%arg23 : memref<!tpu.dma_semaphore, #tpu.memory_space<semaphore_mem>>) {add = true}
      %dma_wait3A_113 = arith.constant 0 : i32
      %dma_wait3A_114 = arith.constant 0 : i32
      %dma_wait3A_115 = tpu.memref_slice %arg11[%dma_wait3A_113, %dma_wait3A_114] : memref<54x384xi32, #tpu.memory_space<vmem>> -> memref<1x384xi32, #tpu.memory_space<vmem>>
      %dma_wait3A_116 = tpu.memref_squeeze %dma_wait3A_115 : memref<1x384xi32, #tpu.memory_space<vmem>> -> memref<384xi32, #tpu.memory_space<vmem>>
      %dma_wait3A_117 = arith.constant 0 : i32
      %dma_wait3A_118 = arith.constant 0 : i32
      %dma_wait3A_119 = tpu.memref_slice %arg9[%dma_wait3A_117, %dma_wait3A_118] : memref<10240x32xf32, #tpu.memory_space<vmem_shared>> -> memref<10240x32xf32, #tpu.memory_space<vmem_shared>>
      tpu.wait_indirect_dma semaphore(%arg21 : memref<!tpu.dma_semaphore, #tpu.memory_space<semaphore_mem>>) src(%arg12 : memref<384x32xf32, #tpu.memory_space<vmem>>) dst(%dma_wait3A_119 : memref<10240x32xf32, #tpu.memory_space<vmem_shared>>)
      %dma_wait3A_120 = arith.constant 0 : i32
      %dma_wait3A_121 = arith.constant 0 : i32
      %dma_wait3A_122 = tpu.memref_slice %arg11[%dma_wait3A_120, %dma_wait3A_121] : memref<54x384xi32, #tpu.memory_space<vmem>> -> memref<1x384xi32, #tpu.memory_space<vmem>>
      %dma_wait3A_123 = tpu.memref_squeeze %dma_wait3A_122 : memref<1x384xi32, #tpu.memory_space<vmem>> -> memref<384xi32, #tpu.memory_space<vmem>>
      %dma_wait3A_124 = arith.constant 0 : i32
      %dma_wait3A_125 = arith.constant 0 : i32
      %dma_wait3A_126 = tpu.memref_slice %arg9[%dma_wait3A_124, %dma_wait3A_125] : memref<10240x32xf32, #tpu.memory_space<vmem_shared>> -> memref<10240x32xf32, #tpu.memory_space<vmem_shared>>
      tpu.wait_indirect_dma semaphore(%arg22 : memref<!tpu.dma_semaphore, #tpu.memory_space<semaphore_mem>>) src(%arg13 : memref<384x32xf32, #tpu.memory_space<vmem>>) dst(%dma_wait3A_126 : memref<10240x32xf32, #tpu.memory_space<vmem_shared>>)
      %dma_wait3A_127 = arith.constant 0 : i32
      %dma_wait3A_128 = arith.constant 0 : i32
      %dma_wait3A_129 = tpu.memref_slice %arg11[%dma_wait3A_127, %dma_wait3A_128] : memref<54x384xi32, #tpu.memory_space<vmem>> -> memref<1x384xi32, #tpu.memory_space<vmem>>
      %dma_wait3A_130 = tpu.memref_squeeze %dma_wait3A_129 : memref<1x384xi32, #tpu.memory_space<vmem>> -> memref<384xi32, #tpu.memory_space<vmem>>
      %dma_wait3A_131 = arith.constant 0 : i32
      %dma_wait3A_132 = arith.constant 0 : i32
      %dma_wait3A_133 = tpu.memref_slice %arg9[%dma_wait3A_131, %dma_wait3A_132] : memref<10240x32xf32, #tpu.memory_space<vmem_shared>> -> memref<10240x32xf32, #tpu.memory_space<vmem_shared>>
      tpu.wait_indirect_dma semaphore(%arg23 : memref<!tpu.dma_semaphore, #tpu.memory_space<semaphore_mem>>) src(%arg14 : memref<384x32xf32, #tpu.memory_space<vmem>>) dst(%dma_wait3A_133 : memref<10240x32xf32, #tpu.memory_space<vmem_shared>>)
      %barrier3A_134 = arith.constant 0 : index
      tpu.barrier barrier_id(%barrier3A_134)
      %scan3A_135 = arith.constant 0 : i32
      %scan3A_136 = arith.constant 5 : i32
      %scan3A_137 = arith.addi %scan3A_135, %scan3A_136 : i32
      %scan3A_138 = arith.constant 1 : i32
      scf.for %scan3A_269 = %scan3A_135 to %scan3A_137 step %scan3A_138  : i32 {
        %mul3A_270 = arith.constant 1 : i32
        %mul3A_271 = arith.muli %scan3A_269, %mul3A_270 : i32
        %add3A_272 = arith.constant 0 : i32
        %add3A_273 = arith.addi %add3A_272, %mul3A_271 : i32
        %mul3A_274 = arith.constant 128 : i32
        %mul3A_275 = arith.muli %add3A_273, %mul3A_274 : i32
        %add3A_276 = arith.addi %mul3A_0, %mul3A_275 : i32
        %gt3A = arith.constant 0 : i32
        %gt3A_277 = arith.cmpi sgt, %add3A_273, %gt3A : i32
        %convert_element_type3A = arith.extui %gt3A_277 : i1 to i32
        %cond3A = arith.constant 0 : i32
        %cond3A_278 = arith.cmpi ne, %convert_element_type3A, %cond3A : i32
        scf.if %cond3A_278 {
          %dma_wait3A_313 = arith.constant 0 : i32
          %dma_wait3A_314 = tpu.memref_slice %arg9[%mul3A_0, %dma_wait3A_313] : memref<10240x32xf32, #tpu.memory_space<vmem_shared>> -> memref<128x32xf32, #tpu.memory_space<vmem_shared>>
          %dma_wait3A_315 = arith.constant 0 : i32
          %dma_wait3A_316 = tpu.memref_slice %arg9[%mul3A_0, %dma_wait3A_315] : memref<10240x32xf32, #tpu.memory_space<vmem_shared>> -> memref<128x32xf32, #tpu.memory_space<vmem_shared>>
          tpu.wait_dma2 semaphore(%arg21 : memref<!tpu.dma_semaphore, #tpu.memory_space<semaphore_mem>>) src(%arg15 : memref<128x32xf32, #tpu.memory_space<vmem>>) dst(%dma_wait3A_316 : memref<128x32xf32, #tpu.memory_space<vmem_shared>>)
        } else {
        }
        %dma_start3A_279 = arith.constant 0 : i32
        %dma_start3A_280 = tpu.memref_slice %arg9[%add3A_276, %dma_start3A_279] : memref<10240x32xf32, #tpu.memory_space<vmem_shared>> -> memref<128x32xf32, #tpu.memory_space<vmem_shared>>
        %dma_start3A_281 = arith.constant 0 : i32
        %dma_start3A_282 = tpu.memref_slice %arg9[%add3A_276, %dma_start3A_281] : memref<10240x32xf32, #tpu.memory_space<vmem_shared>> -> memref<128x32xf32, #tpu.memory_space<vmem_shared>>
        tpu.enqueue_dma source(%dma_start3A_282 : memref<128x32xf32, #tpu.memory_space<vmem_shared>>) target(%arg15 : memref<128x32xf32, #tpu.memory_space<vmem>>) target_semaphore(%arg18 : memref<!tpu.dma_semaphore, #tpu.memory_space<semaphore_mem>>)
        %dma_start3A_283 = arith.constant 0 : i32
        %dma_start3A_284 = tpu.memref_slice %arg4[%arg0, %add3A_276, %dma_start3A_283] : memref<2x10240x32xf32, #tpu.memory_space<hbm>> -> memref<1x128x32xf32, #tpu.memory_space<hbm>>
        %dma_start3A_285 = tpu.memref_squeeze %dma_start3A_284 : memref<1x128x32xf32, #tpu.memory_space<hbm>> -> memref<128x32xf32, #tpu.memory_space<hbm>>
        %dma_start3A_286 = arith.constant 0 : i32
        %dma_start3A_287 = tpu.memref_slice %arg4[%arg0, %add3A_276, %dma_start3A_286] : memref<2x10240x32xf32, #tpu.memory_space<hbm>> -> memref<1x128x32xf32, #tpu.memory_space<hbm>>
        %dma_start3A_288 = tpu.memref_squeeze %dma_start3A_287 : memref<1x128x32xf32, #tpu.memory_space<hbm>> -> memref<128x32xf32, #tpu.memory_space<hbm>>
        tpu.enqueue_dma source(%dma_start3A_288 : memref<128x32xf32, #tpu.memory_space<hbm>>) target(%arg16 : memref<128x32xf32, #tpu.memory_space<vmem>>) target_semaphore(%arg19 : memref<!tpu.dma_semaphore, #tpu.memory_space<semaphore_mem>>)
        %dma_wait3A_289 = arith.constant 0 : i32
        %dma_wait3A_290 = tpu.memref_slice %arg9[%add3A_276, %dma_wait3A_289] : memref<10240x32xf32, #tpu.memory_space<vmem_shared>> -> memref<128x32xf32, #tpu.memory_space<vmem_shared>>
        %dma_wait3A_291 = arith.constant 0 : i32
        %dma_wait3A_292 = tpu.memref_slice %arg9[%add3A_276, %dma_wait3A_291] : memref<10240x32xf32, #tpu.memory_space<vmem_shared>> -> memref<128x32xf32, #tpu.memory_space<vmem_shared>>
        tpu.wait_dma2 semaphore(%arg18 : memref<!tpu.dma_semaphore, #tpu.memory_space<semaphore_mem>>) src(%dma_wait3A_292 : memref<128x32xf32, #tpu.memory_space<vmem_shared>>) dst(%arg15 : memref<128x32xf32, #tpu.memory_space<vmem>>)
        %dma_wait3A_293 = arith.constant 0 : i32
        %dma_wait3A_294 = tpu.memref_slice %arg4[%arg0, %add3A_276, %dma_wait3A_293] : memref<2x10240x32xf32, #tpu.memory_space<hbm>> -> memref<1x128x32xf32, #tpu.memory_space<hbm>>
        %dma_wait3A_295 = tpu.memref_squeeze %dma_wait3A_294 : memref<1x128x32xf32, #tpu.memory_space<hbm>> -> memref<128x32xf32, #tpu.memory_space<hbm>>
        %dma_wait3A_296 = arith.constant 0 : i32
        %dma_wait3A_297 = tpu.memref_slice %arg4[%arg0, %add3A_276, %dma_wait3A_296] : memref<2x10240x32xf32, #tpu.memory_space<hbm>> -> memref<1x128x32xf32, #tpu.memory_space<hbm>>
        %dma_wait3A_298 = tpu.memref_squeeze %dma_wait3A_297 : memref<1x128x32xf32, #tpu.memory_space<hbm>> -> memref<128x32xf32, #tpu.memory_space<hbm>>
        tpu.wait_dma2 semaphore(%arg19 : memref<!tpu.dma_semaphore, #tpu.memory_space<semaphore_mem>>) src(%dma_wait3A_298 : memref<128x32xf32, #tpu.memory_space<hbm>>) dst(%arg16 : memref<128x32xf32, #tpu.memory_space<vmem>>)
        %scan3A_299 = arith.constant 0 : i32
        %scan3A_300 = arith.constant 128 : i32
        %scan3A_301 = arith.addi %scan3A_299, %scan3A_300 : i32
        %scan3A_302 = arith.constant 1 : i32
        scf.for %scan3A_313 = %scan3A_299 to %scan3A_301 step %scan3A_302  : i32 {
          %mul3A_314 = arith.constant 1 : i32
          %mul3A_315 = arith.muli %scan3A_313, %mul3A_314 : i32
          %add3A_316 = arith.constant 0 : i32
          %add3A_317 = arith.addi %add3A_316, %mul3A_315 : i32
          %get3A = arith.index_cast %add3A_317 : i32 to index
          %get3A_318 = arith.constant 0 : index
          %get3A_319 = tpu.vector_load %arg15[%get3A, %get3A_318] {strides = array<i32>} : memref<128x32xf32, #tpu.memory_space<vmem>>, vector<1x16xf32>,
          %get3A_320 = vector.shape_cast %get3A_319 : vector<1x16xf32> to vector<16xf32>
          %get3A_321 = arith.index_cast %add3A_317 : i32 to index
          %get3A_322 = arith.constant 0 : index
          %get3A_323 = tpu.vector_load %arg16[%get3A_321, %get3A_322] {strides = array<i32>} : memref<128x32xf32, #tpu.memory_space<vmem>>, vector<1x16xf32>,
          %get3A_324 = vector.shape_cast %get3A_323 : vector<1x16xf32> to vector<16xf32>
          %mul3A_325 = arith.mulf %get3A_320, %get3A_324 : vector<16xf32>
          %swap3A = arith.index_cast %add3A_317 : i32 to index
          %swap3A_326 = arith.constant 0 : index
          %swap3A_327 = tpu.vector_load %arg15[%swap3A, %swap3A_326] {strides = array<i32>} : memref<128x32xf32, #tpu.memory_space<vmem>>, vector<1x16xf32>,
          %swap3A_328 = vector.shape_cast %swap3A_327 : vector<1x16xf32> to vector<16xf32>
          %swap3A_329 = vector.shape_cast %mul3A_325 : vector<16xf32> to vector<1x16xf32>
          tpu.vector_store %arg15[%swap3A, %swap3A_326], %swap3A_329 {strides = array<i32>} : memref<128x32xf32, #tpu.memory_space<vmem>>, vector<1x16xf32>,
          %get3A_330 = arith.index_cast %add3A_317 : i32 to index
          %get3A_331 = arith.constant 16 : index
          %get3A_332 = tpu.vector_load %arg15[%get3A_330, %get3A_331] {strides = array<i32>} : memref<128x32xf32, #tpu.memory_space<vmem>>, vector<1x16xf32>,
          %get3A_333 = vector.shape_cast %get3A_332 : vector<1x16xf32> to vector<16xf32>
          %get3A_334 = arith.index_cast %add3A_317 : i32 to index
          %get3A_335 = arith.constant 16 : index
          %get3A_336 = tpu.vector_load %arg16[%get3A_334, %get3A_335] {strides = array<i32>} : memref<128x32xf32, #tpu.memory_space<vmem>>, vector<1x16xf32>,
          %get3A_337 = vector.shape_cast %get3A_336 : vector<1x16xf32> to vector<16xf32>
          %mul3A_338 = arith.mulf %get3A_333, %get3A_337 : vector<16xf32>
          %swap3A_339 = arith.index_cast %add3A_317 : i32 to index
          %swap3A_340 = arith.constant 16 : index
          %swap3A_341 = tpu.vector_load %arg15[%swap3A_339, %swap3A_340] {strides = array<i32>} : memref<128x32xf32, #tpu.memory_space<vmem>>, vector<1x16xf32>,
          %swap3A_342 = vector.shape_cast %swap3A_341 : vector<1x16xf32> to vector<16xf32>
          %swap3A_343 = vector.shape_cast %mul3A_338 : vector<16xf32> to vector<1x16xf32>
          tpu.vector_store %arg15[%swap3A_339, %swap3A_340], %swap3A_343 {strides = array<i32>} : memref<128x32xf32, #tpu.memory_space<vmem>>, vector<1x16xf32>,
        }
        %scan3A_303 = arith.constant 128 : i32
        "tpu.region"() ({
          %run_scoped3A = tpu.sem_alloc : memref<!tpu.dma_semaphore, #tpu.memory_space<semaphore_mem>>
          %dma_start3A_313 = arith.constant 0 : i32
          %dma_start3A_314 = tpu.memref_slice %arg8[%arg0, %add3A_276, %dma_start3A_313] : memref<2x10240x32xf32, #tpu.memory_space<hbm>> -> memref<1x128x32xf32, #tpu.memory_space<hbm>>
          %dma_start3A_315 = tpu.memref_squeeze %dma_start3A_314 : memref<1x128x32xf32, #tpu.memory_space<hbm>> -> memref<128x32xf32, #tpu.memory_space<hbm>>
          %dma_start3A_316 = arith.constant 0 : i32
          %dma_start3A_317 = tpu.memref_slice %arg8[%arg0, %add3A_276, %dma_start3A_316] : memref<2x10240x32xf32, #tpu.memory_space<hbm>> -> memref<1x128x32xf32, #tpu.memory_space<hbm>>
          %dma_start3A_318 = tpu.memref_squeeze %dma_start3A_317 : memref<1x128x32xf32, #tpu.memory_space<hbm>> -> memref<128x32xf32, #tpu.memory_space<hbm>>
          tpu.enqueue_dma source(%arg15 : memref<128x32xf32, #tpu.memory_space<vmem>>) target(%dma_start3A_318 : memref<128x32xf32, #tpu.memory_space<hbm>>) target_semaphore(%run_scoped3A : memref<!tpu.dma_semaphore, #tpu.memory_space<semaphore_mem>>)
          %dma_wait3A_319 = arith.constant 0 : i32
          %dma_wait3A_320 = tpu.memref_slice %arg8[%arg0, %add3A_276, %dma_wait3A_319] : memref<2x10240x32xf32, #tpu.memory_space<hbm>> -> memref<1x128x32xf32, #tpu.memory_space<hbm>>
          %dma_wait3A_321 = tpu.memref_squeeze %dma_wait3A_320 : memref<1x128x32xf32, #tpu.memory_space<hbm>> -> memref<128x32xf32, #tpu.memory_space<hbm>>
          %dma_wait3A_322 = arith.constant 0 : i32
          %dma_wait3A_323 = tpu.memref_slice %arg8[%arg0, %add3A_276, %dma_wait3A_322] : memref<2x10240x32xf32, #tpu.memory_space<hbm>> -> memref<1x128x32xf32, #tpu.memory_space<hbm>>
          %dma_wait3A_324 = tpu.memref_squeeze %dma_wait3A_323 : memref<1x128x32xf32, #tpu.memory_space<hbm>> -> memref<128x32xf32, #tpu.memory_space<hbm>>
          tpu.wait_dma2 semaphore(%run_scoped3A : memref<!tpu.dma_semaphore, #tpu.memory_space<semaphore_mem>>) src(%arg15 : memref<128x32xf32, #tpu.memory_space<vmem>>) dst(%dma_wait3A_324 : memref<128x32xf32, #tpu.memory_space<hbm>>)
          tpu.yield
        }) : () -> ()
        %scan3A_304 = arith.constant 0 : i32
        %scan3A_305 = arith.constant 128 : i32
        %scan3A_306 = arith.addi %scan3A_304, %scan3A_305 : i32
        %scan3A_307 = arith.constant 1 : i32
        scf.for %scan3A_313 = %scan3A_304 to %scan3A_306 step %scan3A_307  : i32 {
          %mul3A_314 = arith.constant 1 : i32
          %mul3A_315 = arith.muli %scan3A_313, %mul3A_314 : i32
          %add3A_316 = arith.constant 0 : i32
          %add3A_317 = arith.addi %add3A_316, %mul3A_315 : i32
          %broadcast_in_dim3A = arith.constant 0.000000e+00 : f32
          %broadcast_in_dim3A_318 = vector.broadcast %broadcast_in_dim3A : f32 to vector<16xf32>
          %swap3A = arith.index_cast %add3A_317 : i32 to index
          %swap3A_319 = arith.constant 0 : index
          %swap3A_320 = tpu.vector_load %arg15[%swap3A, %swap3A_319] {strides = array<i32>} : memref<128x32xf32, #tpu.memory_space<vmem>>, vector<1x16xf32>,
          %swap3A_321 = vector.shape_cast %swap3A_320 : vector<1x16xf32> to vector<16xf32>
          %swap3A_322 = vector.shape_cast %broadcast_in_dim3A_318 : vector<16xf32> to vector<1x16xf32>
          tpu.vector_store %arg15[%swap3A, %swap3A_319], %swap3A_322 {strides = array<i32>} : memref<128x32xf32, #tpu.memory_space<vmem>>, vector<1x16xf32>,
          %broadcast_in_dim3A_323 = arith.constant 0.000000e+00 : f32
          %broadcast_in_dim3A_324 = vector.broadcast %broadcast_in_dim3A_323 : f32 to vector<16xf32>
          %swap3A_325 = arith.index_cast %add3A_317 : i32 to index
          %swap3A_326 = arith.constant 16 : index
          %swap3A_327 = tpu.vector_load %arg15[%swap3A_325, %swap3A_326] {strides = array<i32>} : memref<128x32xf32, #tpu.memory_space<vmem>>, vector<1x16xf32>,
          %swap3A_328 = vector.shape_cast %swap3A_327 : vector<1x16xf32> to vector<16xf32>
          %swap3A_329 = vector.shape_cast %broadcast_in_dim3A_324 : vector<16xf32> to vector<1x16xf32>
          tpu.vector_store %arg15[%swap3A_325, %swap3A_326], %swap3A_329 {strides = array<i32>} : memref<128x32xf32, #tpu.memory_space<vmem>>, vector<1x16xf32>,
        }
        %scan3A_308 = arith.constant 128 : i32
        %dma_start3A_309 = arith.constant 0 : i32
        %dma_start3A_310 = tpu.memref_slice %arg9[%add3A_276, %dma_start3A_309] : memref<10240x32xf32, #tpu.memory_space<vmem_shared>> -> memref<128x32xf32, #tpu.memory_space<vmem_shared>>
        %dma_start3A_311 = arith.constant 0 : i32
        %dma_start3A_312 = tpu.memref_slice %arg9[%add3A_276, %dma_start3A_311] : memref<10240x32xf32, #tpu.memory_space<vmem_shared>> -> memref<128x32xf32, #tpu.memory_space<vmem_shared>>
        tpu.enqueue_dma source(%arg15 : memref<128x32xf32, #tpu.memory_space<vmem>>) target(%dma_start3A_312 : memref<128x32xf32, #tpu.memory_space<vmem_shared>>) target_semaphore(%arg21 : memref<!tpu.dma_semaphore, #tpu.memory_space<semaphore_mem>>)
      }
      %scan3A_139 = arith.constant 5 : i32
      %dma_wait3A_140 = arith.constant 0 : i32
      %dma_wait3A_141 = tpu.memref_slice %arg9[%mul3A_0, %dma_wait3A_140] : memref<10240x32xf32, #tpu.memory_space<vmem_shared>> -> memref<128x32xf32, #tpu.memory_space<vmem_shared>>
      %dma_wait3A_142 = arith.constant 0 : i32
      %dma_wait3A_143 = tpu.memref_slice %arg9[%mul3A_0, %dma_wait3A_142] : memref<10240x32xf32, #tpu.memory_space<vmem_shared>> -> memref<128x32xf32, #tpu.memory_space<vmem_shared>>
      tpu.wait_dma2 semaphore(%arg21 : memref<!tpu.dma_semaphore, #tpu.memory_space<semaphore_mem>>) src(%arg15 : memref<128x32xf32, #tpu.memory_space<vmem>>) dst(%dma_wait3A_143 : memref<128x32xf32, #tpu.memory_space<vmem_shared>>)
      %barrier3A_144 = arith.constant 0 : index
      tpu.barrier barrier_id(%barrier3A_144)
      %dma_start3A_145 = arith.constant 0 : i32
      %dma_start3A_146 = arith.constant 0 : i32
      %dma_start3A_147 = tpu.memref_slice %arg10[%dma_start3A_145, %dma_start3A_146] : memref<54x384xi32, #tpu.memory_space<vmem>> -> memref<1x384xi32, #tpu.memory_space<vmem>>
      %dma_start3A_148 = tpu.memref_squeeze %dma_start3A_147 : memref<1x384xi32, #tpu.memory_space<vmem>> -> memref<384xi32, #tpu.memory_space<vmem>>
      %dma_start3A_149 = arith.constant 0 : i32
      %dma_start3A_150 = arith.constant 0 : i32
      %dma_start3A_151 = tpu.memref_slice %arg8[%arg0, %dma_start3A_149, %dma_start3A_150] : memref<2x10240x32xf32, #tpu.memory_space<hbm>> -> memref<1x10240x32xf32, #tpu.memory_space<hbm>>
      %dma_start3A_152 = tpu.memref_squeeze %dma_start3A_151 : memref<1x10240x32xf32, #tpu.memory_space<hbm>> -> memref<10240x32xf32, #tpu.memory_space<hbm>>
      %dma_start3A_153 = arith.constant 0 : i32
      %dma_start3A_154 = arith.constant 0 : i32
      %dma_start3A_155 = tpu.memref_slice %dma_start3A_152[%dma_start3A_153, %dma_start3A_154] : memref<10240x32xf32, #tpu.memory_space<hbm>> -> memref<10240x32xf32, #tpu.memory_space<hbm>>
      tpu.enqueue_indirect_dma source(%dma_start3A_155 : memref<10240x32xf32, #tpu.memory_space<hbm>>) target(%arg12 : memref<384x32xf32, #tpu.memory_space<vmem>>) offsets(%dma_start3A_148 : memref<384xi32, #tpu.memory_space<vmem>>) semaphore(%arg18 : memref<!tpu.dma_semaphore, #tpu.memory_space<semaphore_mem>>)
      %dma_start3A_156 = arith.constant 1 : i32
      %dma_start3A_157 = arith.constant 0 : i32
      %dma_start3A_158 = tpu.memref_slice %arg10[%dma_start3A_156, %dma_start3A_157] : memref<54x384xi32, #tpu.memory_space<vmem>> -> memref<1x384xi32, #tpu.memory_space<vmem>>
      %dma_start3A_159 = tpu.memref_squeeze %dma_start3A_158 : memref<1x384xi32, #tpu.memory_space<vmem>> -> memref<384xi32, #tpu.memory_space<vmem>>
      %dma_start3A_160 = arith.constant 0 : i32
      %dma_start3A_161 = arith.constant 0 : i32
      %dma_start3A_162 = tpu.memref_slice %arg8[%arg0, %dma_start3A_160, %dma_start3A_161] : memref<2x10240x32xf32, #tpu.memory_space<hbm>> -> memref<1x10240x32xf32, #tpu.memory_space<hbm>>
      %dma_start3A_163 = tpu.memref_squeeze %dma_start3A_162 : memref<1x10240x32xf32, #tpu.memory_space<hbm>> -> memref<10240x32xf32, #tpu.memory_space<hbm>>
      %dma_start3A_164 = arith.constant 0 : i32
      %dma_start3A_165 = arith.constant 0 : i32
      %dma_start3A_166 = tpu.memref_slice %dma_start3A_163[%dma_start3A_164, %dma_start3A_165] : memref<10240x32xf32, #tpu.memory_space<hbm>> -> memref<10240x32xf32, #tpu.memory_space<hbm>>
      tpu.enqueue_indirect_dma source(%dma_start3A_166 : memref<10240x32xf32, #tpu.memory_space<hbm>>) target(%arg13 : memref<384x32xf32, #tpu.memory_space<vmem>>) offsets(%dma_start3A_159 : memref<384xi32, #tpu.memory_space<vmem>>) semaphore(%arg19 : memref<!tpu.dma_semaphore, #tpu.memory_space<semaphore_mem>>)
      %dma_wait3A_167 = arith.constant 0 : i32
      %dma_wait3A_168 = arith.constant 0 : i32
      %dma_wait3A_169 = tpu.memref_slice %arg10[%dma_wait3A_167, %dma_wait3A_168] : memref<54x384xi32, #tpu.memory_space<vmem>> -> memref<1x384xi32, #tpu.memory_space<vmem>>
      %dma_wait3A_170 = tpu.memref_squeeze %dma_wait3A_169 : memref<1x384xi32, #tpu.memory_space<vmem>> -> memref<384xi32, #tpu.memory_space<vmem>>
      %dma_wait3A_171 = arith.constant 0 : i32
      %dma_wait3A_172 = arith.constant 0 : i32
      %dma_wait3A_173 = tpu.memref_slice %arg8[%arg0, %dma_wait3A_171, %dma_wait3A_172] : memref<2x10240x32xf32, #tpu.memory_space<hbm>> -> memref<1x10240x32xf32, #tpu.memory_space<hbm>>
      %dma_wait3A_174 = tpu.memref_squeeze %dma_wait3A_173 : memref<1x10240x32xf32, #tpu.memory_space<hbm>> -> memref<10240x32xf32, #tpu.memory_space<hbm>>
      %dma_wait3A_175 = arith.constant 0 : i32
      %dma_wait3A_176 = arith.constant 0 : i32
      %dma_wait3A_177 = tpu.memref_slice %dma_wait3A_174[%dma_wait3A_175, %dma_wait3A_176] : memref<10240x32xf32, #tpu.memory_space<hbm>> -> memref<10240x32xf32, #tpu.memory_space<hbm>>
      tpu.wait_indirect_dma semaphore(%arg18 : memref<!tpu.dma_semaphore, #tpu.memory_space<semaphore_mem>>) src(%dma_wait3A_177 : memref<10240x32xf32, #tpu.memory_space<hbm>>) dst(%arg12 : memref<384x32xf32, #tpu.memory_space<vmem>>)
      %dma_start3A_178 = arith.constant 0 : i32
      %dma_start3A_179 = arith.constant 0 : i32
      %dma_start3A_180 = tpu.memref_slice %arg11[%dma_start3A_178, %dma_start3A_179] : memref<54x384xi32, #tpu.memory_space<vmem>> -> memref<1x384xi32, #tpu.memory_space<vmem>>
      %dma_start3A_181 = tpu.memref_squeeze %dma_start3A_180 : memref<1x384xi32, #tpu.memory_space<vmem>> -> memref<384xi32, #tpu.memory_space<vmem>>
      %dma_start3A_182 = arith.constant 0 : i32
      %dma_start3A_183 = arith.constant 0 : i32
      %dma_start3A_184 = tpu.memref_slice %arg9[%dma_start3A_182, %dma_start3A_183] : memref<10240x32xf32, #tpu.memory_space<vmem_shared>> -> memref<10240x32xf32, #tpu.memory_space<vmem_shared>>
      tpu.enqueue_indirect_dma source(%arg12 : memref<384x32xf32, #tpu.memory_space<vmem>>) target(%dma_start3A_184 : memref<10240x32xf32, #tpu.memory_space<vmem_shared>>) offsets(%dma_start3A_181 : memref<384xi32, #tpu.memory_space<vmem>>) semaphore(%arg21 : memref<!tpu.dma_semaphore, #tpu.memory_space<semaphore_mem>>) {add = true}
      %dma_start3A_185 = arith.constant 2 : i32
      %dma_start3A_186 = arith.constant 0 : i32
      %dma_start3A_187 = tpu.memref_slice %arg10[%dma_start3A_185, %dma_start3A_186] : memref<54x384xi32, #tpu.memory_space<vmem>> -> memref<1x384xi32, #tpu.memory_space<vmem>>
      %dma_start3A_188 = tpu.memref_squeeze %dma_start3A_187 : memref<1x384xi32, #tpu.memory_space<vmem>> -> memref<384xi32, #tpu.memory_space<vmem>>
      %dma_start3A_189 = arith.constant 0 : i32
      %dma_start3A_190 = arith.constant 0 : i32
      %dma_start3A_191 = tpu.memref_slice %arg8[%arg0, %dma_start3A_189, %dma_start3A_190] : memref<2x10240x32xf32, #tpu.memory_space<hbm>> -> memref<1x10240x32xf32, #tpu.memory_space<hbm>>
      %dma_start3A_192 = tpu.memref_squeeze %dma_start3A_191 : memref<1x10240x32xf32, #tpu.memory_space<hbm>> -> memref<10240x32xf32, #tpu.memory_space<hbm>>
      %dma_start3A_193 = arith.constant 0 : i32
      %dma_start3A_194 = arith.constant 0 : i32
      %dma_start3A_195 = tpu.memref_slice %dma_start3A_192[%dma_start3A_193, %dma_start3A_194] : memref<10240x32xf32, #tpu.memory_space<hbm>> -> memref<10240x32xf32, #tpu.memory_space<hbm>>
      tpu.enqueue_indirect_dma source(%dma_start3A_195 : memref<10240x32xf32, #tpu.memory_space<hbm>>) target(%arg14 : memref<384x32xf32, #tpu.memory_space<vmem>>) offsets(%dma_start3A_188 : memref<384xi32, #tpu.memory_space<vmem>>) semaphore(%arg20 : memref<!tpu.dma_semaphore, #tpu.memory_space<semaphore_mem>>)
      %dma_wait3A_196 = arith.constant 0 : i32
      %dma_wait3A_197 = arith.constant 0 : i32
      %dma_wait3A_198 = tpu.memref_slice %arg10[%dma_wait3A_196, %dma_wait3A_197] : memref<54x384xi32, #tpu.memory_space<vmem>> -> memref<1x384xi32, #tpu.memory_space<vmem>>
      %dma_wait3A_199 = tpu.memref_squeeze %dma_wait3A_198 : memref<1x384xi32, #tpu.memory_space<vmem>> -> memref<384xi32, #tpu.memory_space<vmem>>
      %dma_wait3A_200 = arith.constant 0 : i32
      %dma_wait3A_201 = arith.constant 0 : i32
      %dma_wait3A_202 = tpu.memref_slice %arg8[%arg0, %dma_wait3A_200, %dma_wait3A_201] : memref<2x10240x32xf32, #tpu.memory_space<hbm>> -> memref<1x10240x32xf32, #tpu.memory_space<hbm>>
      %dma_wait3A_203 = tpu.memref_squeeze %dma_wait3A_202 : memref<1x10240x32xf32, #tpu.memory_space<hbm>> -> memref<10240x32xf32, #tpu.memory_space<hbm>>
      %dma_wait3A_204 = arith.constant 0 : i32
      %dma_wait3A_205 = arith.constant 0 : i32
      %dma_wait3A_206 = tpu.memref_slice %dma_wait3A_203[%dma_wait3A_204, %dma_wait3A_205] : memref<10240x32xf32, #tpu.memory_space<hbm>> -> memref<10240x32xf32, #tpu.memory_space<hbm>>
      tpu.wait_indirect_dma semaphore(%arg19 : memref<!tpu.dma_semaphore, #tpu.memory_space<semaphore_mem>>) src(%dma_wait3A_206 : memref<10240x32xf32, #tpu.memory_space<hbm>>) dst(%arg13 : memref<384x32xf32, #tpu.memory_space<vmem>>)
      %dma_start3A_207 = arith.constant 1 : i32
      %dma_start3A_208 = arith.constant 0 : i32
      %dma_start3A_209 = tpu.memref_slice %arg11[%dma_start3A_207, %dma_start3A_208] : memref<54x384xi32, #tpu.memory_space<vmem>> -> memref<1x384xi32, #tpu.memory_space<vmem>>
      %dma_start3A_210 = tpu.memref_squeeze %dma_start3A_209 : memref<1x384xi32, #tpu.memory_space<vmem>> -> memref<384xi32, #tpu.memory_space<vmem>>
      %dma_start3A_211 = arith.constant 0 : i32
      %dma_start3A_212 = arith.constant 0 : i32
      %dma_start3A_213 = tpu.memref_slice %arg9[%dma_start3A_211, %dma_start3A_212] : memref<10240x32xf32, #tpu.memory_space<vmem_shared>> -> memref<10240x32xf32, #tpu.memory_space<vmem_shared>>
      tpu.enqueue_indirect_dma source(%arg13 : memref<384x32xf32, #tpu.memory_space<vmem>>) target(%dma_start3A_213 : memref<10240x32xf32, #tpu.memory_space<vmem_shared>>) offsets(%dma_start3A_210 : memref<384xi32, #tpu.memory_space<vmem>>) semaphore(%arg22 : memref<!tpu.dma_semaphore, #tpu.memory_space<semaphore_mem>>) {add = true}
      %scan3A_214 = arith.constant 0 : i32
      %scan3A_215 = arith.constant 17 : i32
      %scan3A_216 = arith.addi %scan3A_214, %scan3A_215 : i32
      %scan3A_217 = arith.constant 1 : i32
      scf.for %scan3A_269 = %scan3A_214 to %scan3A_216 step %scan3A_217  : i32 {
        %mul3A_270 = arith.constant 1 : i32
        %mul3A_271 = arith.muli %scan3A_269, %mul3A_270 : i32
        %add3A_272 = arith.constant 0 : i32
        %add3A_273 = arith.addi %add3A_272, %mul3A_271 : i32
        %mul3A_274 = arith.constant 3 : i32
        %mul3A_275 = arith.muli %add3A_273, %mul3A_274 : i32
        %add3A_276 = arith.constant 2 : i32
        %add3A_277 = arith.addi %add3A_276, %mul3A_275 : i32
        %add3A_278 = arith.constant 0 : i32
        %add3A_279 = arith.addi %add3A_277, %add3A_278 : i32
        %dma_wait3A_280 = arith.constant 0 : i32
        %dma_wait3A_281 = arith.constant 0 : i32
        %dma_wait3A_282 = tpu.memref_slice %arg11[%dma_wait3A_280, %dma_wait3A_281] : memref<54x384xi32, #tpu.memory_space<vmem>> -> memref<1x384xi32, #tpu.memory_space<vmem>>
        %dma_wait3A_283 = tpu.memref_squeeze %dma_wait3A_282 : memref<1x384xi32, #tpu.memory_space<vmem>> -> memref<384xi32, #tpu.memory_space<vmem>>
        %dma_wait3A_284 = arith.constant 0 : i32
        %dma_wait3A_285 = arith.constant 0 : i32
        %dma_wait3A_286 = tpu.memref_slice %arg9[%dma_wait3A_284, %dma_wait3A_285] : memref<10240x32xf32, #tpu.memory_space<vmem_shared>> -> memref<10240x32xf32, #tpu.memory_space<vmem_shared>>
        tpu.wait_indirect_dma semaphore(%arg21 : memref<!tpu.dma_semaphore, #tpu.memory_space<semaphore_mem>>) src(%arg12 : memref<384x32xf32, #tpu.memory_space<vmem>>) dst(%dma_wait3A_286 : memref<10240x32xf32, #tpu.memory_space<vmem_shared>>)
        %add3A_287 = arith.constant 1 : i32
        %add3A_288 = arith.addi %add3A_279, %add3A_287 : i32
        %dma_start3A_289 = arith.constant 0 : i32
        %dma_start3A_290 = tpu.memref_slice %arg10[%add3A_288, %dma_start3A_289] : memref<54x384xi32, #tpu.memory_space<vmem>> -> memref<1x384xi32, #tpu.memory_space<vmem>>
        %dma_start3A_291 = tpu.memref_squeeze %dma_start3A_290 : memref<1x384xi32, #tpu.memory_space<vmem>> -> memref<384xi32, #tpu.memory_space<vmem>>
        %dma_start3A_292 = arith.constant 0 : i32
        %dma_start3A_293 = arith.constant 0 : i32
        %dma_start3A_294 = tpu.memref_slice %arg8[%arg0, %dma_start3A_292, %dma_start3A_293] : memref<2x10240x32xf32, #tpu.memory_space<hbm>> -> memref<1x10240x32xf32, #tpu.memory_space<hbm>>
        %dma_start3A_295 = tpu.memref_squeeze %dma_start3A_294 : memref<1x10240x32xf32, #tpu.memory_space<hbm>> -> memref<10240x32xf32, #tpu.memory_space<hbm>>
        %dma_start3A_296 = arith.constant 0 : i32
        %dma_start3A_297 = arith.constant 0 : i32
        %dma_start3A_298 = tpu.memref_slice %dma_start3A_295[%dma_start3A_296, %dma_start3A_297] : memref<10240x32xf32, #tpu.memory_space<hbm>> -> memref<10240x32xf32, #tpu.memory_space<hbm>>
        tpu.enqueue_indirect_dma source(%dma_start3A_298 : memref<10240x32xf32, #tpu.memory_space<hbm>>) target(%arg12 : memref<384x32xf32, #tpu.memory_space<vmem>>) offsets(%dma_start3A_291 : memref<384xi32, #tpu.memory_space<vmem>>) semaphore(%arg18 : memref<!tpu.dma_semaphore, #tpu.memory_space<semaphore_mem>>)
        %dma_wait3A_299 = arith.constant 0 : i32
        %dma_wait3A_300 = arith.constant 0 : i32
        %dma_wait3A_301 = tpu.memref_slice %arg10[%dma_wait3A_299, %dma_wait3A_300] : memref<54x384xi32, #tpu.memory_space<vmem>> -> memref<1x384xi32, #tpu.memory_space<vmem>>
        %dma_wait3A_302 = tpu.memref_squeeze %dma_wait3A_301 : memref<1x384xi32, #tpu.memory_space<vmem>> -> memref<384xi32, #tpu.memory_space<vmem>>
        %dma_wait3A_303 = arith.constant 0 : i32
        %dma_wait3A_304 = arith.constant 0 : i32
        %dma_wait3A_305 = tpu.memref_slice %arg8[%arg0, %dma_wait3A_303, %dma_wait3A_304] : memref<2x10240x32xf32, #tpu.memory_space<hbm>> -> memref<1x10240x32xf32, #tpu.memory_space<hbm>>
        %dma_wait3A_306 = tpu.memref_squeeze %dma_wait3A_305 : memref<1x10240x32xf32, #tpu.memory_space<hbm>> -> memref<10240x32xf32, #tpu.memory_space<hbm>>
        %dma_wait3A_307 = arith.constant 0 : i32
        %dma_wait3A_308 = arith.constant 0 : i32
        %dma_wait3A_309 = tpu.memref_slice %dma_wait3A_306[%dma_wait3A_307, %dma_wait3A_308] : memref<10240x32xf32, #tpu.memory_space<hbm>> -> memref<10240x32xf32, #tpu.memory_space<hbm>>
        tpu.wait_indirect_dma semaphore(%arg20 : memref<!tpu.dma_semaphore, #tpu.memory_space<semaphore_mem>>) src(%dma_wait3A_309 : memref<10240x32xf32, #tpu.memory_space<hbm>>) dst(%arg14 : memref<384x32xf32, #tpu.memory_space<vmem>>)
        %dma_start3A_310 = arith.constant 0 : i32
        %dma_start3A_311 = tpu.memref_slice %arg11[%add3A_279, %dma_start3A_310] : memref<54x384xi32, #tpu.memory_space<vmem>> -> memref<1x384xi32, #tpu.memory_space<vmem>>
        %dma_start3A_312 = tpu.memref_squeeze %dma_start3A_311 : memref<1x384xi32, #tpu.memory_space<vmem>> -> memref<384xi32, #tpu.memory_space<vmem>>
        %dma_start3A_313 = arith.constant 0 : i32
        %dma_start3A_314 = arith.constant 0 : i32
        %dma_start3A_315 = tpu.memref_slice %arg9[%dma_start3A_313, %dma_start3A_314] : memref<10240x32xf32, #tpu.memory_space<vmem_shared>> -> memref<10240x32xf32, #tpu.memory_space<vmem_shared>>
        tpu.enqueue_indirect_dma source(%arg14 : memref<384x32xf32, #tpu.memory_space<vmem>>) target(%dma_start3A_315 : memref<10240x32xf32, #tpu.memory_space<vmem_shared>>) offsets(%dma_start3A_312 : memref<384xi32, #tpu.memory_space<vmem>>) semaphore(%arg23 : memref<!tpu.dma_semaphore, #tpu.memory_space<semaphore_mem>>) {add = true}
        %add3A_316 = arith.constant 1 : i32
        %add3A_317 = arith.addi %add3A_277, %add3A_316 : i32
        %dma_wait3A_318 = arith.constant 0 : i32
        %dma_wait3A_319 = arith.constant 0 : i32
        %dma_wait3A_320 = tpu.memref_slice %arg11[%dma_wait3A_318, %dma_wait3A_319] : memref<54x384xi32, #tpu.memory_space<vmem>> -> memref<1x384xi32, #tpu.memory_space<vmem>>
        %dma_wait3A_321 = tpu.memref_squeeze %dma_wait3A_320 : memref<1x384xi32, #tpu.memory_space<vmem>> -> memref<384xi32, #tpu.memory_space<vmem>>
        %dma_wait3A_322 = arith.constant 0 : i32
        %dma_wait3A_323 = arith.constant 0 : i32
        %dma_wait3A_324 = tpu.memref_slice %arg9[%dma_wait3A_322, %dma_wait3A_323] : memref<10240x32xf32, #tpu.memory_space<vmem_shared>> -> memref<10240x32xf32, #tpu.memory_space<vmem_shared>>
        tpu.wait_indirect_dma semaphore(%arg22 : memref<!tpu.dma_semaphore, #tpu.memory_space<semaphore_mem>>) src(%arg13 : memref<384x32xf32, #tpu.memory_space<vmem>>) dst(%dma_wait3A_324 : memref<10240x32xf32, #tpu.memory_space<vmem_shared>>)
        %add3A_325 = arith.constant 1 : i32
        %add3A_326 = arith.addi %add3A_317, %add3A_325 : i32
        %dma_start3A_327 = arith.constant 0 : i32
        %dma_start3A_328 = tpu.memref_slice %arg10[%add3A_326, %dma_start3A_327] : memref<54x384xi32, #tpu.memory_space<vmem>> -> memref<1x384xi32, #tpu.memory_space<vmem>>
        %dma_start3A_329 = tpu.memref_squeeze %dma_start3A_328 : memref<1x384xi32, #tpu.memory_space<vmem>> -> memref<384xi32, #tpu.memory_space<vmem>>
        %dma_start3A_330 = arith.constant 0 : i32
        %dma_start3A_331 = arith.constant 0 : i32
        %dma_start3A_332 = tpu.memref_slice %arg8[%arg0, %dma_start3A_330, %dma_start3A_331] : memref<2x10240x32xf32, #tpu.memory_space<hbm>> -> memref<1x10240x32xf32, #tpu.memory_space<hbm>>
        %dma_start3A_333 = tpu.memref_squeeze %dma_start3A_332 : memref<1x10240x32xf32, #tpu.memory_space<hbm>> -> memref<10240x32xf32, #tpu.memory_space<hbm>>
        %dma_start3A_334 = arith.constant 0 : i32
        %dma_start3A_335 = arith.constant 0 : i32
        %dma_start3A_336 = tpu.memref_slice %dma_start3A_333[%dma_start3A_334, %dma_start3A_335] : memref<10240x32xf32, #tpu.memory_space<hbm>> -> memref<10240x32xf32, #tpu.memory_space<hbm>>
        tpu.enqueue_indirect_dma source(%dma_start3A_336 : memref<10240x32xf32, #tpu.memory_space<hbm>>) target(%arg13 : memref<384x32xf32, #tpu.memory_space<vmem>>) offsets(%dma_start3A_329 : memref<384xi32, #tpu.memory_space<vmem>>) semaphore(%arg19 : memref<!tpu.dma_semaphore, #tpu.memory_space<semaphore_mem>>)
        %dma_wait3A_337 = arith.constant 0 : i32
        %dma_wait3A_338 = arith.constant 0 : i32
        %dma_wait3A_339 = tpu.memref_slice %arg10[%dma_wait3A_337, %dma_wait3A_338] : memref<54x384xi32, #tpu.memory_space<vmem>> -> memref<1x384xi32, #tpu.memory_space<vmem>>
        %dma_wait3A_340 = tpu.memref_squeeze %dma_wait3A_339 : memref<1x384xi32, #tpu.memory_space<vmem>> -> memref<384xi32, #tpu.memory_space<vmem>>
        %dma_wait3A_341 = arith.constant 0 : i32
        %dma_wait3A_342 = arith.constant 0 : i32
        %dma_wait3A_343 = tpu.memref_slice %arg8[%arg0, %dma_wait3A_341, %dma_wait3A_342] : memref<2x10240x32xf32, #tpu.memory_space<hbm>> -> memref<1x10240x32xf32, #tpu.memory_space<hbm>>
        %dma_wait3A_344 = tpu.memref_squeeze %dma_wait3A_343 : memref<1x10240x32xf32, #tpu.memory_space<hbm>> -> memref<10240x32xf32, #tpu.memory_space<hbm>>
        %dma_wait3A_345 = arith.constant 0 : i32
        %dma_wait3A_346 = arith.constant 0 : i32
        %dma_wait3A_347 = tpu.memref_slice %dma_wait3A_344[%dma_wait3A_345, %dma_wait3A_346] : memref<10240x32xf32, #tpu.memory_space<hbm>> -> memref<10240x32xf32, #tpu.memory_space<hbm>>
        tpu.wait_indirect_dma semaphore(%arg18 : memref<!tpu.dma_semaphore, #tpu.memory_space<semaphore_mem>>) src(%dma_wait3A_347 : memref<10240x32xf32, #tpu.memory_space<hbm>>) dst(%arg12 : memref<384x32xf32, #tpu.memory_space<vmem>>)
        %dma_start3A_348 = arith.constant 0 : i32
        %dma_start3A_349 = tpu.memref_slice %arg11[%add3A_317, %dma_start3A_348] : memref<54x384xi32, #tpu.memory_space<vmem>> -> memref<1x384xi32, #tpu.memory_space<vmem>>
        %dma_start3A_350 = tpu.memref_squeeze %dma_start3A_349 : memref<1x384xi32, #tpu.memory_space<vmem>> -> memref<384xi32, #tpu.memory_space<vmem>>
        %dma_start3A_351 = arith.constant 0 : i32
        %dma_start3A_352 = arith.constant 0 : i32
        %dma_start3A_353 = tpu.memref_slice %arg9[%dma_start3A_351, %dma_start3A_352] : memref<10240x32xf32, #tpu.memory_space<vmem_shared>> -> memref<10240x32xf32, #tpu.memory_space<vmem_shared>>
        tpu.enqueue_indirect_dma source(%arg12 : memref<384x32xf32, #tpu.memory_space<vmem>>) target(%dma_start3A_353 : memref<10240x32xf32, #tpu.memory_space<vmem_shared>>) offsets(%dma_start3A_350 : memref<384xi32, #tpu.memory_space<vmem>>) semaphore(%arg21 : memref<!tpu.dma_semaphore, #tpu.memory_space<semaphore_mem>>) {add = true}
        %add3A_354 = arith.constant 2 : i32
        %add3A_355 = arith.addi %add3A_277, %add3A_354 : i32
        %dma_wait3A_356 = arith.constant 0 : i32
        %dma_wait3A_357 = arith.constant 0 : i32
        %dma_wait3A_358 = tpu.memref_slice %arg11[%dma_wait3A_356, %dma_wait3A_357] : memref<54x384xi32, #tpu.memory_space<vmem>> -> memref<1x384xi32, #tpu.memory_space<vmem>>
        %dma_wait3A_359 = tpu.memref_squeeze %dma_wait3A_358 : memref<1x384xi32, #tpu.memory_space<vmem>> -> memref<384xi32, #tpu.memory_space<vmem>>
        %dma_wait3A_360 = arith.constant 0 : i32
        %dma_wait3A_361 = arith.constant 0 : i32
        %dma_wait3A_362 = tpu.memref_slice %arg9[%dma_wait3A_360, %dma_wait3A_361] : memref<10240x32xf32, #tpu.memory_space<vmem_shared>> -> memref<10240x32xf32, #tpu.memory_space<vmem_shared>>
        tpu.wait_indirect_dma semaphore(%arg23 : memref<!tpu.dma_semaphore, #tpu.memory_space<semaphore_mem>>) src(%arg14 : memref<384x32xf32, #tpu.memory_space<vmem>>) dst(%dma_wait3A_362 : memref<10240x32xf32, #tpu.memory_space<vmem_shared>>)
        %add3A_363 = arith.constant 1 : i32
        %add3A_364 = arith.addi %add3A_355, %add3A_363 : i32
        %dma_start3A_365 = arith.constant 0 : i32
        %dma_start3A_366 = tpu.memref_slice %arg10[%add3A_364, %dma_start3A_365] : memref<54x384xi32, #tpu.memory_space<vmem>> -> memref<1x384xi32, #tpu.memory_space<vmem>>
        %dma_start3A_367 = tpu.memref_squeeze %dma_start3A_366 : memref<1x384xi32, #tpu.memory_space<vmem>> -> memref<384xi32, #tpu.memory_space<vmem>>
        %dma_start3A_368 = arith.constant 0 : i32
        %dma_start3A_369 = arith.constant 0 : i32
        %dma_start3A_370 = tpu.memref_slice %arg8[%arg0, %dma_start3A_368, %dma_start3A_369] : memref<2x10240x32xf32, #tpu.memory_space<hbm>> -> memref<1x10240x32xf32, #tpu.memory_space<hbm>>
        %dma_start3A_371 = tpu.memref_squeeze %dma_start3A_370 : memref<1x10240x32xf32, #tpu.memory_space<hbm>> -> memref<10240x32xf32, #tpu.memory_space<hbm>>
        %dma_start3A_372 = arith.constant 0 : i32
        %dma_start3A_373 = arith.constant 0 : i32
        %dma_start3A_374 = tpu.memref_slice %dma_start3A_371[%dma_start3A_372, %dma_start3A_373] : memref<10240x32xf32, #tpu.memory_space<hbm>> -> memref<10240x32xf32, #tpu.memory_space<hbm>>
        tpu.enqueue_indirect_dma source(%dma_start3A_374 : memref<10240x32xf32, #tpu.memory_space<hbm>>) target(%arg14 : memref<384x32xf32, #tpu.memory_space<vmem>>) offsets(%dma_start3A_367 : memref<384xi32, #tpu.memory_space<vmem>>) semaphore(%arg20 : memref<!tpu.dma_semaphore, #tpu.memory_space<semaphore_mem>>)
        %dma_wait3A_375 = arith.constant 0 : i32
        %dma_wait3A_376 = arith.constant 0 : i32
        %dma_wait3A_377 = tpu.memref_slice %arg10[%dma_wait3A_375, %dma_wait3A_376] : memref<54x384xi32, #tpu.memory_space<vmem>> -> memref<1x384xi32, #tpu.memory_space<vmem>>
        %dma_wait3A_378 = tpu.memref_squeeze %dma_wait3A_377 : memref<1x384xi32, #tpu.memory_space<vmem>> -> memref<384xi32, #tpu.memory_space<vmem>>
        %dma_wait3A_379 = arith.constant 0 : i32
        %dma_wait3A_380 = arith.constant 0 : i32
        %dma_wait3A_381 = tpu.memref_slice %arg8[%arg0, %dma_wait3A_379, %dma_wait3A_380] : memref<2x10240x32xf32, #tpu.memory_space<hbm>> -> memref<1x10240x32xf32, #tpu.memory_space<hbm>>
        %dma_wait3A_382 = tpu.memref_squeeze %dma_wait3A_381 : memref<1x10240x32xf32, #tpu.memory_space<hbm>> -> memref<10240x32xf32, #tpu.memory_space<hbm>>
        %dma_wait3A_383 = arith.constant 0 : i32
        %dma_wait3A_384 = arith.constant 0 : i32
        %dma_wait3A_385 = tpu.memref_slice %dma_wait3A_382[%dma_wait3A_383, %dma_wait3A_384] : memref<10240x32xf32, #tpu.memory_space<hbm>> -> memref<10240x32xf32, #tpu.memory_space<hbm>>
        tpu.wait_indirect_dma semaphore(%arg19 : memref<!tpu.dma_semaphore, #tpu.memory_space<semaphore_mem>>) src(%dma_wait3A_385 : memref<10240x32xf32, #tpu.memory_space<hbm>>) dst(%arg13 : memref<384x32xf32, #tpu.memory_space<vmem>>)
        %dma_start3A_386 = arith.constant 0 : i32
        %dma_start3A_387 = tpu.memref_slice %arg11[%add3A_355, %dma_start3A_386] : memref<54x384xi32, #tpu.memory_space<vmem>> -> memref<1x384xi32, #tpu.memory_space<vmem>>
        %dma_start3A_388 = tpu.memref_squeeze %dma_start3A_387 : memref<1x384xi32, #tpu.memory_space<vmem>> -> memref<384xi32, #tpu.memory_space<vmem>>
        %dma_start3A_389 = arith.constant 0 : i32
        %dma_start3A_390 = arith.constant 0 : i32
        %dma_start3A_391 = tpu.memref_slice %arg9[%dma_start3A_389, %dma_start3A_390] : memref<10240x32xf32, #tpu.memory_space<vmem_shared>> -> memref<10240x32xf32, #tpu.memory_space<vmem_shared>>
        tpu.enqueue_indirect_dma source(%arg13 : memref<384x32xf32, #tpu.memory_space<vmem>>) target(%dma_start3A_391 : memref<10240x32xf32, #tpu.memory_space<vmem_shared>>) offsets(%dma_start3A_388 : memref<384xi32, #tpu.memory_space<vmem>>) semaphore(%arg22 : memref<!tpu.dma_semaphore, #tpu.memory_space<semaphore_mem>>) {add = true}
      }
      %scan3A_218 = arith.constant 17 : i32
      %dma_wait3A_219 = arith.constant 0 : i32
      %dma_wait3A_220 = arith.constant 0 : i32
      %dma_wait3A_221 = tpu.memref_slice %arg10[%dma_wait3A_219, %dma_wait3A_220] : memref<54x384xi32, #tpu.memory_space<vmem>> -> memref<1x384xi32, #tpu.memory_space<vmem>>
      %dma_wait3A_222 = tpu.memref_squeeze %dma_wait3A_221 : memref<1x384xi32, #tpu.memory_space<vmem>> -> memref<384xi32, #tpu.memory_space<vmem>>
      %dma_wait3A_223 = arith.constant 0 : i32
      %dma_wait3A_224 = arith.constant 0 : i32
      %dma_wait3A_225 = tpu.memref_slice %arg8[%arg0, %dma_wait3A_223, %dma_wait3A_224] : memref<2x10240x32xf32, #tpu.memory_space<hbm>> -> memref<1x10240x32xf32, #tpu.memory_space<hbm>>
      %dma_wait3A_226 = tpu.memref_squeeze %dma_wait3A_225 : memref<1x10240x32xf32, #tpu.memory_space<hbm>> -> memref<10240x32xf32, #tpu.memory_space<hbm>>
      %dma_wait3A_227 = arith.constant 0 : i32
      %dma_wait3A_228 = arith.constant 0 : i32
      %dma_wait3A_229 = tpu.memref_slice %dma_wait3A_226[%dma_wait3A_227, %dma_wait3A_228] : memref<10240x32xf32, #tpu.memory_space<hbm>> -> memref<10240x32xf32, #tpu.memory_space<hbm>>
      tpu.wait_indirect_dma semaphore(%arg20 : memref<!tpu.dma_semaphore, #tpu.memory_space<semaphore_mem>>) src(%dma_wait3A_229 : memref<10240x32xf32, #tpu.memory_space<hbm>>) dst(%arg14 : memref<384x32xf32, #tpu.memory_space<vmem>>)
      %dma_start3A_230 = arith.constant 53 : i32
      %dma_start3A_231 = arith.constant 0 : i32
      %dma_start3A_232 = tpu.memref_slice %arg11[%dma_start3A_230, %dma_start3A_231] : memref<54x384xi32, #tpu.memory_space<vmem>> -> memref<1x384xi32, #tpu.memory_space<vmem>>
      %dma_start3A_233 = tpu.memref_squeeze %dma_start3A_232 : memref<1x384xi32, #tpu.memory_space<vmem>> -> memref<384xi32, #tpu.memory_space<vmem>>
      %dma_start3A_234 = arith.constant 0 : i32
      %dma_start3A_235 = arith.constant 0 : i32
      %dma_start3A_236 = tpu.memref_slice %arg9[%dma_start3A_234, %dma_start3A_235] : memref<10240x32xf32, #tpu.memory_space<vmem_shared>> -> memref<10240x32xf32, #tpu.memory_space<vmem_shared>>
      tpu.enqueue_indirect_dma source(%arg14 : memref<384x32xf32, #tpu.memory_space<vmem>>) target(%dma_start3A_236 : memref<10240x32xf32, #tpu.memory_space<vmem_shared>>) offsets(%dma_start3A_233 : memref<384xi32, #tpu.memory_space<vmem>>) semaphore(%arg23 : memref<!tpu.dma_semaphore, #tpu.memory_space<semaphore_mem>>) {add = true}
      %dma_wait3A_237 = arith.constant 0 : i32
      %dma_wait3A_238 = arith.constant 0 : i32
      %dma_wait3A_239 = tpu.memref_slice %arg11[%dma_wait3A_237, %dma_wait3A_238] : memref<54x384xi32, #tpu.memory_space<vmem>> -> memref<1x384xi32, #tpu.memory_space<vmem>>
      %dma_wait3A_240 = tpu.memref_squeeze %dma_wait3A_239 : memref<1x384xi32, #tpu.memory_space<vmem>> -> memref<384xi32, #tpu.memory_space<vmem>>
      %dma_wait3A_241 = arith.constant 0 : i32
      %dma_wait3A_242 = arith.constant 0 : i32
      %dma_wait3A_243 = tpu.memref_slice %arg9[%dma_wait3A_241, %dma_wait3A_242] : memref<10240x32xf32, #tpu.memory_space<vmem_shared>> -> memref<10240x32xf32, #tpu.memory_space<vmem_shared>>
      tpu.wait_indirect_dma semaphore(%arg21 : memref<!tpu.dma_semaphore, #tpu.memory_space<semaphore_mem>>) src(%arg12 : memref<384x32xf32, #tpu.memory_space<vmem>>) dst(%dma_wait3A_243 : memref<10240x32xf32, #tpu.memory_space<vmem_shared>>)
      %dma_wait3A_244 = arith.constant 0 : i32
      %dma_wait3A_245 = arith.constant 0 : i32
      %dma_wait3A_246 = tpu.memref_slice %arg11[%dma_wait3A_244, %dma_wait3A_245] : memref<54x384xi32, #tpu.memory_space<vmem>> -> memref<1x384xi32, #tpu.memory_space<vmem>>
      %dma_wait3A_247 = tpu.memref_squeeze %dma_wait3A_246 : memref<1x384xi32, #tpu.memory_space<vmem>> -> memref<384xi32, #tpu.memory_space<vmem>>
      %dma_wait3A_248 = arith.constant 0 : i32
      %dma_wait3A_249 = arith.constant 0 : i32
      %dma_wait3A_250 = tpu.memref_slice %arg9[%dma_wait3A_248, %dma_wait3A_249] : memref<10240x32xf32, #tpu.memory_space<vmem_shared>> -> memref<10240x32xf32, #tpu.memory_space<vmem_shared>>
      tpu.wait_indirect_dma semaphore(%arg22 : memref<!tpu.dma_semaphore, #tpu.memory_space<semaphore_mem>>) src(%arg13 : memref<384x32xf32, #tpu.memory_space<vmem>>) dst(%dma_wait3A_250 : memref<10240x32xf32, #tpu.memory_space<vmem_shared>>)
      %dma_wait3A_251 = arith.constant 0 : i32
      %dma_wait3A_252 = arith.constant 0 : i32
      %dma_wait3A_253 = tpu.memref_slice %arg11[%dma_wait3A_251, %dma_wait3A_252] : memref<54x384xi32, #tpu.memory_space<vmem>> -> memref<1x384xi32, #tpu.memory_space<vmem>>
      %dma_wait3A_254 = tpu.memref_squeeze %dma_wait3A_253 : memref<1x384xi32, #tpu.memory_space<vmem>> -> memref<384xi32, #tpu.memory_space<vmem>>
      %dma_wait3A_255 = arith.constant 0 : i32
      %dma_wait3A_256 = arith.constant 0 : i32
      %dma_wait3A_257 = tpu.memref_slice %arg9[%dma_wait3A_255, %dma_wait3A_256] : memref<10240x32xf32, #tpu.memory_space<vmem_shared>> -> memref<10240x32xf32, #tpu.memory_space<vmem_shared>>
      tpu.wait_indirect_dma semaphore(%arg23 : memref<!tpu.dma_semaphore, #tpu.memory_space<semaphore_mem>>) src(%arg14 : memref<384x32xf32, #tpu.memory_space<vmem>>) dst(%dma_wait3A_257 : memref<10240x32xf32, #tpu.memory_space<vmem_shared>>)
      %barrier3A_258 = arith.constant 0 : index
      tpu.barrier barrier_id(%barrier3A_258)
      %scan3A_259 = arith.constant 0 : i32
      %scan3A_260 = arith.constant 5 : i32
      %scan3A_261 = arith.addi %scan3A_259, %scan3A_260 : i32
      %scan3A_262 = arith.constant 1 : i32
      scf.for %scan3A_269 = %scan3A_259 to %scan3A_261 step %scan3A_262  : i32 {
        %mul3A_270 = arith.constant 1 : i32
        %mul3A_271 = arith.muli %scan3A_269, %mul3A_270 : i32
        %add3A_272 = arith.constant 0 : i32
        %add3A_273 = arith.addi %add3A_272, %mul3A_271 : i32
        %mul3A_274 = arith.constant 128 : i32
        %mul3A_275 = arith.muli %add3A_273, %mul3A_274 : i32
        %add3A_276 = arith.addi %mul3A_0, %mul3A_275 : i32
        %gt3A = arith.constant 0 : i32
        %gt3A_277 = arith.cmpi sgt, %add3A_273, %gt3A : i32
        %convert_element_type3A = arith.extui %gt3A_277 : i1 to i32
        %cond3A = arith.constant 0 : i32
        %cond3A_278 = arith.cmpi ne, %convert_element_type3A, %cond3A : i32
        scf.if %cond3A_278 {
          %dma_wait3A_325 = arith.constant 0 : i32
          %dma_wait3A_326 = tpu.memref_slice %arg9[%mul3A_0, %dma_wait3A_325] : memref<10240x32xf32, #tpu.memory_space<vmem_shared>> -> memref<128x32xf32, #tpu.memory_space<vmem_shared>>
          %dma_wait3A_327 = arith.constant 0 : i32
          %dma_wait3A_328 = tpu.memref_slice %arg9[%mul3A_0, %dma_wait3A_327] : memref<10240x32xf32, #tpu.memory_space<vmem_shared>> -> memref<128x32xf32, #tpu.memory_space<vmem_shared>>
          tpu.wait_dma2 semaphore(%arg21 : memref<!tpu.dma_semaphore, #tpu.memory_space<semaphore_mem>>) src(%arg15 : memref<128x32xf32, #tpu.memory_space<vmem>>) dst(%dma_wait3A_328 : memref<128x32xf32, #tpu.memory_space<vmem_shared>>)
        } else {
        }
        %dma_start3A_279 = arith.constant 0 : i32
        %dma_start3A_280 = tpu.memref_slice %arg9[%add3A_276, %dma_start3A_279] : memref<10240x32xf32, #tpu.memory_space<vmem_shared>> -> memref<128x32xf32, #tpu.memory_space<vmem_shared>>
        %dma_start3A_281 = arith.constant 0 : i32
        %dma_start3A_282 = tpu.memref_slice %arg9[%add3A_276, %dma_start3A_281] : memref<10240x32xf32, #tpu.memory_space<vmem_shared>> -> memref<128x32xf32, #tpu.memory_space<vmem_shared>>
        tpu.enqueue_dma source(%dma_start3A_282 : memref<128x32xf32, #tpu.memory_space<vmem_shared>>) target(%arg15 : memref<128x32xf32, #tpu.memory_space<vmem>>) target_semaphore(%arg18 : memref<!tpu.dma_semaphore, #tpu.memory_space<semaphore_mem>>)
        %dma_start3A_283 = arith.constant 0 : i32
        %dma_start3A_284 = tpu.memref_slice %arg4[%arg0, %add3A_276, %dma_start3A_283] : memref<2x10240x32xf32, #tpu.memory_space<hbm>> -> memref<1x128x32xf32, #tpu.memory_space<hbm>>
        %dma_start3A_285 = tpu.memref_squeeze %dma_start3A_284 : memref<1x128x32xf32, #tpu.memory_space<hbm>> -> memref<128x32xf32, #tpu.memory_space<hbm>>
        %dma_start3A_286 = arith.constant 0 : i32
        %dma_start3A_287 = tpu.memref_slice %arg4[%arg0, %add3A_276, %dma_start3A_286] : memref<2x10240x32xf32, #tpu.memory_space<hbm>> -> memref<1x128x32xf32, #tpu.memory_space<hbm>>
        %dma_start3A_288 = tpu.memref_squeeze %dma_start3A_287 : memref<1x128x32xf32, #tpu.memory_space<hbm>> -> memref<128x32xf32, #tpu.memory_space<hbm>>
        tpu.enqueue_dma source(%dma_start3A_288 : memref<128x32xf32, #tpu.memory_space<hbm>>) target(%arg16 : memref<128x32xf32, #tpu.memory_space<vmem>>) target_semaphore(%arg19 : memref<!tpu.dma_semaphore, #tpu.memory_space<semaphore_mem>>)
        %dma_start3A_289 = arith.constant 0 : i32
        %dma_start3A_290 = tpu.memref_slice %arg5[%arg0, %add3A_276, %dma_start3A_289] : memref<2x10240x32xf32, #tpu.memory_space<hbm>> -> memref<1x128x32xf32, #tpu.memory_space<hbm>>
        %dma_start3A_291 = tpu.memref_squeeze %dma_start3A_290 : memref<1x128x32xf32, #tpu.memory_space<hbm>> -> memref<128x32xf32, #tpu.memory_space<hbm>>
        %dma_start3A_292 = arith.constant 0 : i32
        %dma_start3A_293 = tpu.memref_slice %arg5[%arg0, %add3A_276, %dma_start3A_292] : memref<2x10240x32xf32, #tpu.memory_space<hbm>> -> memref<1x128x32xf32, #tpu.memory_space<hbm>>
        %dma_start3A_294 = tpu.memref_squeeze %dma_start3A_293 : memref<1x128x32xf32, #tpu.memory_space<hbm>> -> memref<128x32xf32, #tpu.memory_space<hbm>>
        tpu.enqueue_dma source(%dma_start3A_294 : memref<128x32xf32, #tpu.memory_space<hbm>>) target(%arg17 : memref<128x32xf32, #tpu.memory_space<vmem>>) target_semaphore(%arg20 : memref<!tpu.dma_semaphore, #tpu.memory_space<semaphore_mem>>)
        %dma_wait3A_295 = arith.constant 0 : i32
        %dma_wait3A_296 = tpu.memref_slice %arg9[%add3A_276, %dma_wait3A_295] : memref<10240x32xf32, #tpu.memory_space<vmem_shared>> -> memref<128x32xf32, #tpu.memory_space<vmem_shared>>
        %dma_wait3A_297 = arith.constant 0 : i32
        %dma_wait3A_298 = tpu.memref_slice %arg9[%add3A_276, %dma_wait3A_297] : memref<10240x32xf32, #tpu.memory_space<vmem_shared>> -> memref<128x32xf32, #tpu.memory_space<vmem_shared>>
        tpu.wait_dma2 semaphore(%arg18 : memref<!tpu.dma_semaphore, #tpu.memory_space<semaphore_mem>>) src(%dma_wait3A_298 : memref<128x32xf32, #tpu.memory_space<vmem_shared>>) dst(%arg15 : memref<128x32xf32, #tpu.memory_space<vmem>>)
        %dma_wait3A_299 = arith.constant 0 : i32
        %dma_wait3A_300 = tpu.memref_slice %arg4[%arg0, %add3A_276, %dma_wait3A_299] : memref<2x10240x32xf32, #tpu.memory_space<hbm>> -> memref<1x128x32xf32, #tpu.memory_space<hbm>>
        %dma_wait3A_301 = tpu.memref_squeeze %dma_wait3A_300 : memref<1x128x32xf32, #tpu.memory_space<hbm>> -> memref<128x32xf32, #tpu.memory_space<hbm>>
        %dma_wait3A_302 = arith.constant 0 : i32
        %dma_wait3A_303 = tpu.memref_slice %arg4[%arg0, %add3A_276, %dma_wait3A_302] : memref<2x10240x32xf32, #tpu.memory_space<hbm>> -> memref<1x128x32xf32, #tpu.memory_space<hbm>>
        %dma_wait3A_304 = tpu.memref_squeeze %dma_wait3A_303 : memref<1x128x32xf32, #tpu.memory_space<hbm>> -> memref<128x32xf32, #tpu.memory_space<hbm>>
        tpu.wait_dma2 semaphore(%arg19 : memref<!tpu.dma_semaphore, #tpu.memory_space<semaphore_mem>>) src(%dma_wait3A_304 : memref<128x32xf32, #tpu.memory_space<hbm>>) dst(%arg16 : memref<128x32xf32, #tpu.memory_space<vmem>>)
        %dma_wait3A_305 = arith.constant 0 : i32
        %dma_wait3A_306 = tpu.memref_slice %arg5[%arg0, %add3A_276, %dma_wait3A_305] : memref<2x10240x32xf32, #tpu.memory_space<hbm>> -> memref<1x128x32xf32, #tpu.memory_space<hbm>>
        %dma_wait3A_307 = tpu.memref_squeeze %dma_wait3A_306 : memref<1x128x32xf32, #tpu.memory_space<hbm>> -> memref<128x32xf32, #tpu.memory_space<hbm>>
        %dma_wait3A_308 = arith.constant 0 : i32
        %dma_wait3A_309 = tpu.memref_slice %arg5[%arg0, %add3A_276, %dma_wait3A_308] : memref<2x10240x32xf32, #tpu.memory_space<hbm>> -> memref<1x128x32xf32, #tpu.memory_space<hbm>>
        %dma_wait3A_310 = tpu.memref_squeeze %dma_wait3A_309 : memref<1x128x32xf32, #tpu.memory_space<hbm>> -> memref<128x32xf32, #tpu.memory_space<hbm>>
        tpu.wait_dma2 semaphore(%arg20 : memref<!tpu.dma_semaphore, #tpu.memory_space<semaphore_mem>>) src(%dma_wait3A_310 : memref<128x32xf32, #tpu.memory_space<hbm>>) dst(%arg17 : memref<128x32xf32, #tpu.memory_space<vmem>>)
        %scan3A_311 = arith.constant 0 : i32
        %scan3A_312 = arith.constant 128 : i32
        %scan3A_313 = arith.addi %scan3A_311, %scan3A_312 : i32
        %scan3A_314 = arith.constant 1 : i32
        scf.for %scan3A_325 = %scan3A_311 to %scan3A_313 step %scan3A_314  : i32 {
          %mul3A_326 = arith.constant 1 : i32
          %mul3A_327 = arith.muli %scan3A_325, %mul3A_326 : i32
          %add3A_328 = arith.constant 0 : i32
          %add3A_329 = arith.addi %add3A_328, %mul3A_327 : i32
          %get3A = arith.index_cast %add3A_329 : i32 to index
          %get3A_330 = arith.constant 0 : index
          %get3A_331 = tpu.vector_load %arg15[%get3A, %get3A_330] {strides = array<i32>} : memref<128x32xf32, #tpu.memory_space<vmem>>, vector<1x16xf32>,
          %get3A_332 = vector.shape_cast %get3A_331 : vector<1x16xf32> to vector<16xf32>
          %get3A_333 = arith.index_cast %add3A_329 : i32 to index
          %get3A_334 = arith.constant 0 : index
          %get3A_335 = tpu.vector_load %arg16[%get3A_333, %get3A_334] {strides = array<i32>} : memref<128x32xf32, #tpu.memory_space<vmem>>, vector<1x16xf32>,
          %get3A_336 = vector.shape_cast %get3A_335 : vector<1x16xf32> to vector<16xf32>
          %mul3A_337 = arith.mulf %get3A_332, %get3A_336 : vector<16xf32>
          %mul3A_338 = arith.constant 0.899999976 : f32
          %mul3A_339 = vector.broadcast %mul3A_338 : f32 to vector<16xf32>
          %mul3A_340 = arith.mulf %mul3A_337, %mul3A_339 : vector<16xf32>
          %get3A_341 = arith.index_cast %add3A_329 : i32 to index
          %get3A_342 = arith.constant 0 : index
          %get3A_343 = tpu.vector_load %arg17[%get3A_341, %get3A_342] {strides = array<i32>} : memref<128x32xf32, #tpu.memory_space<vmem>>, vector<1x16xf32>,
          %get3A_344 = vector.shape_cast %get3A_343 : vector<1x16xf32> to vector<16xf32>
          %add3A_345 = arith.addf %mul3A_340, %get3A_344 : vector<16xf32>
          %swap3A = arith.index_cast %add3A_329 : i32 to index
          %swap3A_346 = arith.constant 0 : index
          %swap3A_347 = tpu.vector_load %arg15[%swap3A, %swap3A_346] {strides = array<i32>} : memref<128x32xf32, #tpu.memory_space<vmem>>, vector<1x16xf32>,
          %swap3A_348 = vector.shape_cast %swap3A_347 : vector<1x16xf32> to vector<16xf32>
          %swap3A_349 = vector.shape_cast %add3A_345 : vector<16xf32> to vector<1x16xf32>
          tpu.vector_store %arg15[%swap3A, %swap3A_346], %swap3A_349 {strides = array<i32>} : memref<128x32xf32, #tpu.memory_space<vmem>>, vector<1x16xf32>,
          %get3A_350 = arith.index_cast %add3A_329 : i32 to index
          %get3A_351 = arith.constant 16 : index
          %get3A_352 = tpu.vector_load %arg15[%get3A_350, %get3A_351] {strides = array<i32>} : memref<128x32xf32, #tpu.memory_space<vmem>>, vector<1x16xf32>,
          %get3A_353 = vector.shape_cast %get3A_352 : vector<1x16xf32> to vector<16xf32>
          %get3A_354 = arith.index_cast %add3A_329 : i32 to index
          %get3A_355 = arith.constant 16 : index
          %get3A_356 = tpu.vector_load %arg16[%get3A_354, %get3A_355] {strides = array<i32>} : memref<128x32xf32, #tpu.memory_space<vmem>>, vector<1x16xf32>,
          %get3A_357 = vector.shape_cast %get3A_356 : vector<1x16xf32> to vector<16xf32>
          %mul3A_358 = arith.mulf %get3A_353, %get3A_357 : vector<16xf32>
          %mul3A_359 = arith.constant 0.899999976 : f32
          %mul3A_360 = vector.broadcast %mul3A_359 : f32 to vector<16xf32>
          %mul3A_361 = arith.mulf %mul3A_358, %mul3A_360 : vector<16xf32>
          %get3A_362 = arith.index_cast %add3A_329 : i32 to index
          %get3A_363 = arith.constant 16 : index
          %get3A_364 = tpu.vector_load %arg17[%get3A_362, %get3A_363] {strides = array<i32>} : memref<128x32xf32, #tpu.memory_space<vmem>>, vector<1x16xf32>,
          %get3A_365 = vector.shape_cast %get3A_364 : vector<1x16xf32> to vector<16xf32>
          %add3A_366 = arith.addf %mul3A_361, %get3A_365 : vector<16xf32>
          %swap3A_367 = arith.index_cast %add3A_329 : i32 to index
          %swap3A_368 = arith.constant 16 : index
          %swap3A_369 = tpu.vector_load %arg15[%swap3A_367, %swap3A_368] {strides = array<i32>} : memref<128x32xf32, #tpu.memory_space<vmem>>, vector<1x16xf32>,
          %swap3A_370 = vector.shape_cast %swap3A_369 : vector<1x16xf32> to vector<16xf32>
          %swap3A_371 = vector.shape_cast %add3A_366 : vector<16xf32> to vector<1x16xf32>
          tpu.vector_store %arg15[%swap3A_367, %swap3A_368], %swap3A_371 {strides = array<i32>} : memref<128x32xf32, #tpu.memory_space<vmem>>, vector<1x16xf32>,
        }
        %scan3A_315 = arith.constant 128 : i32
        "tpu.region"() ({
          %run_scoped3A = tpu.sem_alloc : memref<!tpu.dma_semaphore, #tpu.memory_space<semaphore_mem>>
          %dma_start3A_325 = arith.constant 0 : i32
          %dma_start3A_326 = tpu.memref_slice %arg8[%arg0, %add3A_276, %dma_start3A_325] : memref<2x10240x32xf32, #tpu.memory_space<hbm>> -> memref<1x128x32xf32, #tpu.memory_space<hbm>>
          %dma_start3A_327 = tpu.memref_squeeze %dma_start3A_326 : memref<1x128x32xf32, #tpu.memory_space<hbm>> -> memref<128x32xf32, #tpu.memory_space<hbm>>
          %dma_start3A_328 = arith.constant 0 : i32
          %dma_start3A_329 = tpu.memref_slice %arg8[%arg0, %add3A_276, %dma_start3A_328] : memref<2x10240x32xf32, #tpu.memory_space<hbm>> -> memref<1x128x32xf32, #tpu.memory_space<hbm>>
          %dma_start3A_330 = tpu.memref_squeeze %dma_start3A_329 : memref<1x128x32xf32, #tpu.memory_space<hbm>> -> memref<128x32xf32, #tpu.memory_space<hbm>>
          tpu.enqueue_dma source(%arg15 : memref<128x32xf32, #tpu.memory_space<vmem>>) target(%dma_start3A_330 : memref<128x32xf32, #tpu.memory_space<hbm>>) target_semaphore(%run_scoped3A : memref<!tpu.dma_semaphore, #tpu.memory_space<semaphore_mem>>)
          %dma_wait3A_331 = arith.constant 0 : i32
          %dma_wait3A_332 = tpu.memref_slice %arg8[%arg0, %add3A_276, %dma_wait3A_331] : memref<2x10240x32xf32, #tpu.memory_space<hbm>> -> memref<1x128x32xf32, #tpu.memory_space<hbm>>
          %dma_wait3A_333 = tpu.memref_squeeze %dma_wait3A_332 : memref<1x128x32xf32, #tpu.memory_space<hbm>> -> memref<128x32xf32, #tpu.memory_space<hbm>>
          %dma_wait3A_334 = arith.constant 0 : i32
          %dma_wait3A_335 = tpu.memref_slice %arg8[%arg0, %add3A_276, %dma_wait3A_334] : memref<2x10240x32xf32, #tpu.memory_space<hbm>> -> memref<1x128x32xf32, #tpu.memory_space<hbm>>
          %dma_wait3A_336 = tpu.memref_squeeze %dma_wait3A_335 : memref<1x128x32xf32, #tpu.memory_space<hbm>> -> memref<128x32xf32, #tpu.memory_space<hbm>>
          tpu.wait_dma2 semaphore(%run_scoped3A : memref<!tpu.dma_semaphore, #tpu.memory_space<semaphore_mem>>) src(%arg15 : memref<128x32xf32, #tpu.memory_space<vmem>>) dst(%dma_wait3A_336 : memref<128x32xf32, #tpu.memory_space<hbm>>)
          tpu.yield
        }) : () -> ()
        %scan3A_316 = arith.constant 0 : i32
        %scan3A_317 = arith.constant 128 : i32
        %scan3A_318 = arith.addi %scan3A_316, %scan3A_317 : i32
        %scan3A_319 = arith.constant 1 : i32
        scf.for %scan3A_325 = %scan3A_316 to %scan3A_318 step %scan3A_319  : i32 {
          %mul3A_326 = arith.constant 1 : i32
          %mul3A_327 = arith.muli %scan3A_325, %mul3A_326 : i32
          %add3A_328 = arith.constant 0 : i32
          %add3A_329 = arith.addi %add3A_328, %mul3A_327 : i32
          %broadcast_in_dim3A = arith.constant 0.000000e+00 : f32
          %broadcast_in_dim3A_330 = vector.broadcast %broadcast_in_dim3A : f32 to vector<16xf32>
          %swap3A = arith.index_cast %add3A_329 : i32 to index
          %swap3A_331 = arith.constant 0 : index
          %swap3A_332 = tpu.vector_load %arg15[%swap3A, %swap3A_331] {strides = array<i32>} : memref<128x32xf32, #tpu.memory_space<vmem>>, vector<1x16xf32>,
          %swap3A_333 = vector.shape_cast %swap3A_332 : vector<1x16xf32> to vector<16xf32>
          %swap3A_334 = vector.shape_cast %broadcast_in_dim3A_330 : vector<16xf32> to vector<1x16xf32>
          tpu.vector_store %arg15[%swap3A, %swap3A_331], %swap3A_334 {strides = array<i32>} : memref<128x32xf32, #tpu.memory_space<vmem>>, vector<1x16xf32>,
          %broadcast_in_dim3A_335 = arith.constant 0.000000e+00 : f32
          %broadcast_in_dim3A_336 = vector.broadcast %broadcast_in_dim3A_335 : f32 to vector<16xf32>
          %swap3A_337 = arith.index_cast %add3A_329 : i32 to index
          %swap3A_338 = arith.constant 16 : index
          %swap3A_339 = tpu.vector_load %arg15[%swap3A_337, %swap3A_338] {strides = array<i32>} : memref<128x32xf32, #tpu.memory_space<vmem>>, vector<1x16xf32>,
          %swap3A_340 = vector.shape_cast %swap3A_339 : vector<1x16xf32> to vector<16xf32>
          %swap3A_341 = vector.shape_cast %broadcast_in_dim3A_336 : vector<16xf32> to vector<1x16xf32>
          tpu.vector_store %arg15[%swap3A_337, %swap3A_338], %swap3A_341 {strides = array<i32>} : memref<128x32xf32, #tpu.memory_space<vmem>>, vector<1x16xf32>,
        }
        %scan3A_320 = arith.constant 128 : i32
        %dma_start3A_321 = arith.constant 0 : i32
        %dma_start3A_322 = tpu.memref_slice %arg9[%add3A_276, %dma_start3A_321] : memref<10240x32xf32, #tpu.memory_space<vmem_shared>> -> memref<128x32xf32, #tpu.memory_space<vmem_shared>>
        %dma_start3A_323 = arith.constant 0 : i32
        %dma_start3A_324 = tpu.memref_slice %arg9[%add3A_276, %dma_start3A_323] : memref<10240x32xf32, #tpu.memory_space<vmem_shared>> -> memref<128x32xf32, #tpu.memory_space<vmem_shared>>
        tpu.enqueue_dma source(%arg15 : memref<128x32xf32, #tpu.memory_space<vmem>>) target(%dma_start3A_324 : memref<128x32xf32, #tpu.memory_space<vmem_shared>>) target_semaphore(%arg21 : memref<!tpu.dma_semaphore, #tpu.memory_space<semaphore_mem>>)
      }
      %scan3A_263 = arith.constant 5 : i32
      %dma_wait3A_264 = arith.constant 0 : i32
      %dma_wait3A_265 = tpu.memref_slice %arg9[%mul3A_0, %dma_wait3A_264] : memref<10240x32xf32, #tpu.memory_space<vmem_shared>> -> memref<128x32xf32, #tpu.memory_space<vmem_shared>>
      %dma_wait3A_266 = arith.constant 0 : i32
      %dma_wait3A_267 = tpu.memref_slice %arg9[%mul3A_0, %dma_wait3A_266] : memref<10240x32xf32, #tpu.memory_space<vmem_shared>> -> memref<128x32xf32, #tpu.memory_space<vmem_shared>>
      tpu.wait_dma2 semaphore(%arg21 : memref<!tpu.dma_semaphore, #tpu.memory_space<semaphore_mem>>) src(%arg15 : memref<128x32xf32, #tpu.memory_space<vmem>>) dst(%dma_wait3A_267 : memref<128x32xf32, #tpu.memory_space<vmem_shared>>)
      %barrier3A_268 = arith.constant 0 : index
      tpu.barrier barrier_id(%barrier3A_268)
    }
    %scan3A_12 = arith.constant 50 : i32
    %scan3A_13 = arith.constant 0 : i32
    %scan3A_14 = arith.constant 5 : i32
    %scan3A_15 = arith.addi %scan3A_13, %scan3A_14 : i32
    %scan3A_16 = arith.constant 1 : i32
    scf.for %scan3A_18 = %scan3A_13 to %scan3A_15 step %scan3A_16  : i32 {
      %mul3A_19 = arith.constant 1 : i32
      %mul3A_20 = arith.muli %scan3A_18, %mul3A_19 : i32
      %add3A = arith.constant 0 : i32
      %add3A_21 = arith.addi %add3A, %mul3A_20 : i32
      %mul3A_22 = arith.constant 128 : i32
      %mul3A_23 = arith.muli %add3A_21, %mul3A_22 : i32
      %add3A_24 = arith.addi %mul3A_0, %mul3A_23 : i32
      "tpu.region"() ({
        %run_scoped3A = tpu.sem_alloc : memref<!tpu.dma_semaphore, #tpu.memory_space<semaphore_mem>>
        %dma_start3A = arith.constant 0 : i32
        %dma_start3A_30 = tpu.memref_slice %arg8[%arg0, %add3A_24, %dma_start3A] : memref<2x10240x32xf32, #tpu.memory_space<hbm>> -> memref<1x128x32xf32, #tpu.memory_space<hbm>>
        %dma_start3A_31 = tpu.memref_squeeze %dma_start3A_30 : memref<1x128x32xf32, #tpu.memory_space<hbm>> -> memref<128x32xf32, #tpu.memory_space<hbm>>
        %dma_start3A_32 = arith.constant 0 : i32
        %dma_start3A_33 = tpu.memref_slice %arg8[%arg0, %add3A_24, %dma_start3A_32] : memref<2x10240x32xf32, #tpu.memory_space<hbm>> -> memref<1x128x32xf32, #tpu.memory_space<hbm>>
        %dma_start3A_34 = tpu.memref_squeeze %dma_start3A_33 : memref<1x128x32xf32, #tpu.memory_space<hbm>> -> memref<128x32xf32, #tpu.memory_space<hbm>>
        tpu.enqueue_dma source(%dma_start3A_34 : memref<128x32xf32, #tpu.memory_space<hbm>>) target(%arg15 : memref<128x32xf32, #tpu.memory_space<vmem>>) target_semaphore(%run_scoped3A : memref<!tpu.dma_semaphore, #tpu.memory_space<semaphore_mem>>)
        %dma_wait3A_35 = arith.constant 0 : i32
        %dma_wait3A_36 = tpu.memref_slice %arg8[%arg0, %add3A_24, %dma_wait3A_35] : memref<2x10240x32xf32, #tpu.memory_space<hbm>> -> memref<1x128x32xf32, #tpu.memory_space<hbm>>
        %dma_wait3A_37 = tpu.memref_squeeze %dma_wait3A_36 : memref<1x128x32xf32, #tpu.memory_space<hbm>> -> memref<128x32xf32, #tpu.memory_space<hbm>>
        %dma_wait3A_38 = arith.constant 0 : i32
        %dma_wait3A_39 = tpu.memref_slice %arg8[%arg0, %add3A_24, %dma_wait3A_38] : memref<2x10240x32xf32, #tpu.memory_space<hbm>> -> memref<1x128x32xf32, #tpu.memory_space<hbm>>
        %dma_wait3A_40 = tpu.memref_squeeze %dma_wait3A_39 : memref<1x128x32xf32, #tpu.memory_space<hbm>> -> memref<128x32xf32, #tpu.memory_space<hbm>>
        tpu.wait_dma2 semaphore(%run_scoped3A : memref<!tpu.dma_semaphore, #tpu.memory_space<semaphore_mem>>) src(%dma_wait3A_40 : memref<128x32xf32, #tpu.memory_space<hbm>>) dst(%arg15 : memref<128x32xf32, #tpu.memory_space<vmem>>)
        tpu.yield
      }) : () -> ()
      "tpu.region"() ({
        %run_scoped3A = tpu.sem_alloc : memref<!tpu.dma_semaphore, #tpu.memory_space<semaphore_mem>>
        %dma_start3A = arith.constant 0 : i32
        %dma_start3A_30 = tpu.memref_slice %arg6[%arg0, %add3A_24, %dma_start3A] : memref<2x10240x32xf32, #tpu.memory_space<hbm>> -> memref<1x128x32xf32, #tpu.memory_space<hbm>>
        %dma_start3A_31 = tpu.memref_squeeze %dma_start3A_30 : memref<1x128x32xf32, #tpu.memory_space<hbm>> -> memref<128x32xf32, #tpu.memory_space<hbm>>
        %dma_start3A_32 = arith.constant 0 : i32
        %dma_start3A_33 = tpu.memref_slice %arg6[%arg0, %add3A_24, %dma_start3A_32] : memref<2x10240x32xf32, #tpu.memory_space<hbm>> -> memref<1x128x32xf32, #tpu.memory_space<hbm>>
        %dma_start3A_34 = tpu.memref_squeeze %dma_start3A_33 : memref<1x128x32xf32, #tpu.memory_space<hbm>> -> memref<128x32xf32, #tpu.memory_space<hbm>>
        tpu.enqueue_dma source(%dma_start3A_34 : memref<128x32xf32, #tpu.memory_space<hbm>>) target(%arg16 : memref<128x32xf32, #tpu.memory_space<vmem>>) target_semaphore(%run_scoped3A : memref<!tpu.dma_semaphore, #tpu.memory_space<semaphore_mem>>)
        %dma_wait3A_35 = arith.constant 0 : i32
        %dma_wait3A_36 = tpu.memref_slice %arg6[%arg0, %add3A_24, %dma_wait3A_35] : memref<2x10240x32xf32, #tpu.memory_space<hbm>> -> memref<1x128x32xf32, #tpu.memory_space<hbm>>
        %dma_wait3A_37 = tpu.memref_squeeze %dma_wait3A_36 : memref<1x128x32xf32, #tpu.memory_space<hbm>> -> memref<128x32xf32, #tpu.memory_space<hbm>>
        %dma_wait3A_38 = arith.constant 0 : i32
        %dma_wait3A_39 = tpu.memref_slice %arg6[%arg0, %add3A_24, %dma_wait3A_38] : memref<2x10240x32xf32, #tpu.memory_space<hbm>> -> memref<1x128x32xf32, #tpu.memory_space<hbm>>
        %dma_wait3A_40 = tpu.memref_squeeze %dma_wait3A_39 : memref<1x128x32xf32, #tpu.memory_space<hbm>> -> memref<128x32xf32, #tpu.memory_space<hbm>>
        tpu.wait_dma2 semaphore(%run_scoped3A : memref<!tpu.dma_semaphore, #tpu.memory_space<semaphore_mem>>) src(%dma_wait3A_40 : memref<128x32xf32, #tpu.memory_space<hbm>>) dst(%arg16 : memref<128x32xf32, #tpu.memory_space<vmem>>)
        tpu.yield
      }) : () -> ()
      %scan3A_25 = arith.constant 0 : i32
      %scan3A_26 = arith.constant 128 : i32
      %scan3A_27 = arith.addi %scan3A_25, %scan3A_26 : i32
      %scan3A_28 = arith.constant 1 : i32
      scf.for %scan3A_30 = %scan3A_25 to %scan3A_27 step %scan3A_28  : i32 {
        %mul3A_31 = arith.constant 1 : i32
        %mul3A_32 = arith.muli %scan3A_30, %mul3A_31 : i32
        %add3A_33 = arith.constant 0 : i32
        %add3A_34 = arith.addi %add3A_33, %mul3A_32 : i32
        %get3A = arith.index_cast %add3A_34 : i32 to index
        %get3A_35 = arith.constant 0 : index
        %get3A_36 = tpu.vector_load %arg15[%get3A, %get3A_35] {strides = array<i32>} : memref<128x32xf32, #tpu.memory_space<vmem>>, vector<1x16xf32>,
        %get3A_37 = vector.shape_cast %get3A_36 : vector<1x16xf32> to vector<16xf32>
        %get3A_38 = arith.index_cast %add3A_34 : i32 to index
        %get3A_39 = arith.constant 0 : index
        %get3A_40 = tpu.vector_load %arg16[%get3A_38, %get3A_39] {strides = array<i32>} : memref<128x32xf32, #tpu.memory_space<vmem>>, vector<1x16xf32>,
        %get3A_41 = vector.shape_cast %get3A_40 : vector<1x16xf32> to vector<16xf32>
        %mul3A_42 = arith.mulf %get3A_37, %get3A_41 : vector<16xf32>
        %swap3A = arith.index_cast %add3A_34 : i32 to index
        %swap3A_43 = arith.constant 0 : index
        %swap3A_44 = tpu.vector_load %arg15[%swap3A, %swap3A_43] {strides = array<i32>} : memref<128x32xf32, #tpu.memory_space<vmem>>, vector<1x16xf32>,
        %swap3A_45 = vector.shape_cast %swap3A_44 : vector<1x16xf32> to vector<16xf32>
        %swap3A_46 = vector.shape_cast %mul3A_42 : vector<16xf32> to vector<1x16xf32>
        tpu.vector_store %arg15[%swap3A, %swap3A_43], %swap3A_46 {strides = array<i32>} : memref<128x32xf32, #tpu.memory_space<vmem>>, vector<1x16xf32>,
        %get3A_47 = arith.index_cast %add3A_34 : i32 to index
        %get3A_48 = arith.constant 16 : index
        %get3A_49 = tpu.vector_load %arg15[%get3A_47, %get3A_48] {strides = array<i32>} : memref<128x32xf32, #tpu.memory_space<vmem>>, vector<1x16xf32>,
        %get3A_50 = vector.shape_cast %get3A_49 : vector<1x16xf32> to vector<16xf32>
        %get3A_51 = arith.index_cast %add3A_34 : i32 to index
        %get3A_52 = arith.constant 16 : index
        %get3A_53 = tpu.vector_load %arg16[%get3A_51, %get3A_52] {strides = array<i32>} : memref<128x32xf32, #tpu.memory_space<vmem>>, vector<1x16xf32>,
        %get3A_54 = vector.shape_cast %get3A_53 : vector<1x16xf32> to vector<16xf32>
        %mul3A_55 = arith.mulf %get3A_50, %get3A_54 : vector<16xf32>
        %swap3A_56 = arith.index_cast %add3A_34 : i32 to index
        %swap3A_57 = arith.constant 16 : index
        %swap3A_58 = tpu.vector_load %arg15[%swap3A_56, %swap3A_57] {strides = array<i32>} : memref<128x32xf32, #tpu.memory_space<vmem>>, vector<1x16xf32>,
        %swap3A_59 = vector.shape_cast %swap3A_58 : vector<1x16xf32> to vector<16xf32>
        %swap3A_60 = vector.shape_cast %mul3A_55 : vector<16xf32> to vector<1x16xf32>
        tpu.vector_store %arg15[%swap3A_56, %swap3A_57], %swap3A_60 {strides = array<i32>} : memref<128x32xf32, #tpu.memory_space<vmem>>, vector<1x16xf32>,
      }
      %scan3A_29 = arith.constant 128 : i32
      "tpu.region"() ({
        %run_scoped3A = tpu.sem_alloc : memref<!tpu.dma_semaphore, #tpu.memory_space<semaphore_mem>>
        %dma_start3A = arith.constant 0 : i32
        %dma_start3A_30 = tpu.memref_slice %arg7[%arg0, %add3A_24, %dma_start3A] : memref<2x10240x32xf32, #tpu.memory_space<hbm>> -> memref<1x128x32xf32, #tpu.memory_space<hbm>>
        %dma_start3A_31 = tpu.memref_squeeze %dma_start3A_30 : memref<1x128x32xf32, #tpu.memory_space<hbm>> -> memref<128x32xf32, #tpu.memory_space<hbm>>
        %dma_start3A_32 = arith.constant 0 : i32
        %dma_start3A_33 = tpu.memref_slice %arg7[%arg0, %add3A_24, %dma_start3A_32] : memref<2x10240x32xf32, #tpu.memory_space<hbm>> -> memref<1x128x32xf32, #tpu.memory_space<hbm>>
        %dma_start3A_34 = tpu.memref_squeeze %dma_start3A_33 : memref<1x128x32xf32, #tpu.memory_space<hbm>> -> memref<128x32xf32, #tpu.memory_space<hbm>>
        tpu.enqueue_dma source(%arg15 : memref<128x32xf32, #tpu.memory_space<vmem>>) target(%dma_start3A_34 : memref<128x32xf32, #tpu.memory_space<hbm>>) target_semaphore(%run_scoped3A : memref<!tpu.dma_semaphore, #tpu.memory_space<semaphore_mem>>)
        %dma_wait3A_35 = arith.constant 0 : i32
        %dma_wait3A_36 = tpu.memref_slice %arg7[%arg0, %add3A_24, %dma_wait3A_35] : memref<2x10240x32xf32, #tpu.memory_space<hbm>> -> memref<1x128x32xf32, #tpu.memory_space<hbm>>
        %dma_wait3A_37 = tpu.memref_squeeze %dma_wait3A_36 : memref<1x128x32xf32, #tpu.memory_space<hbm>> -> memref<128x32xf32, #tpu.memory_space<hbm>>
        %dma_wait3A_38 = arith.constant 0 : i32
        %dma_wait3A_39 = tpu.memref_slice %arg7[%arg0, %add3A_24, %dma_wait3A_38] : memref<2x10240x32xf32, #tpu.memory_space<hbm>> -> memref<1x128x32xf32, #tpu.memory_space<hbm>>
        %dma_wait3A_40 = tpu.memref_squeeze %dma_wait3A_39 : memref<1x128x32xf32, #tpu.memory_space<hbm>> -> memref<128x32xf32, #tpu.memory_space<hbm>>
        tpu.wait_dma2 semaphore(%run_scoped3A : memref<!tpu.dma_semaphore, #tpu.memory_space<semaphore_mem>>) src(%arg15 : memref<128x32xf32, #tpu.memory_space<vmem>>) dst(%dma_wait3A_40 : memref<128x32xf32, #tpu.memory_space<hbm>>)
        tpu.yield
      }) : () -> ()
    }
    %scan3A_17 = arith.constant 5 : i32
    return
  }
}

</mosaic_0001>

<sc_bundles>
// kernel: gather_offload_async_start
scs
__scs_entry_jumppad:
0x0: {  	(pc) =	sbr.rel $0x88, $3  }
0x1: {  	(tag) =	ssettag $0x0;
	lr =	simm.s32 $0x1  }
0x2: {  	[smem:$0x3F9E] =	sst lr;
	_ =	strace $0xD0000000  }
0x3: {  	_ = 	snop  }
0x4: {  	_ = 	snop  }
0x5: {  	_ = 	snop  }
0x6: {  	_ = 	snop  }
0x7: {  	_ = 	snop  }
__scs_overlays_trampoline_lowered:
0x8: {  	[smem:$0x3FAD] =	sst s0  }
0x9: {  	[smem:$0x3FAE] =	sst s1  }
0xa: {  	[smem:$0x3FAF] =	sst s2  }
0xb: {  	[smem:$0x3FB0] =	sst s3  }
0xc: {  	[smem:$0x3FB1] =	sst s4  }
0xd: {  	[smem:$0x3FB2] =	sst s5  }
0xe: {  	[smem:$0x3FB3] =	sst s6  }
0xf: {  	[smem:$0x3FB4] =	sst s7  }
0x10: {  	[smem:$0x3FB5] =	sst s8  }
0x11: {  	[smem:$0x3FB6] =	sst s9;
	s0 =	simm.s32 @!p0 $0x0  }
0x12: {  	s1 =	sld [smem:$0x3F9C];
	s0 =	simm.s32 @p0 $0x1  }
0x13: {  	[smem:$0x3FB7] =	sst s0;
	s0 =	simm.s32 @!p1 $0x0  }
0x14: {  	s2 =	sld [smem:$0x3F9B];
	s0 =	simm.s32 @p1 $0x1  }
0x15: {  	[smem:$0x3FB8] =	sst s0;
	s0 =	simm.s32 @!p2 $0x0  }
0x16: {  	s3 =	sld [smem:$0x3FDB];
	s0 =	simm.s32 @p2 $0x1  }
0x17: {  	s4 =	simm.s32 $0x1BF5;
	[smem:$0x3FBA] =	sst s0  }
0x18: {  	s0 =	sld [smem:$0x3F9D];
	_ =	swait.ge [sflag:s4], $0x0  }
0x19: {  	s7 =	sld [smem:$0x3F9E]  }
0x1a: {  	s8 =	sadd.s32 $0xFFFFE003, lr  }
0x1b: {  	s9 =	sadd.s32 $0xFFFFFEF7, lr;
	s5 =	simm.s32 $0xFFFFFFFF;
	p2 =	slt.u32 s8, $0xFFFFF086  }
0x1c: {  	p1 =	slt.u32 s9, $0xF7A;
	s5 =	simm.s32 @!p2 $0x0  }
0x1d: {  	s5 =	simm.s32 @p1 $0x1;
	p0 =	seq.s32 s7, s2  }
0x1e: {  	s7 =	smul.u32 @!p0 $0xF7A, s2;
	p2 =	seq.s32 @!p0 s5, $0x0  }
0x1f: {  	s9 =	smul.u32 $0xF7A, s1;
	s8 =	simm.s32 @!p0 $0x1BF5;
	p2 =	por !p2, p0  }
0x20: {  	[sflag:s8] =	ssyncset.s32 @!p0 $0xFFFFF086;
	s6 =	sadd.s32 @!p0 s3, s7;
	s7 =	simm.s32 @!p0 $0x108  }
0x21: {  	s3 =	sadd.s32 s3, s9;
	s6 =	sadd.s32 @!p0 $0x88, s6;
	s7 =	simm.s32 @p2 $0x1082  }
0x22: {  	[simem:s7], [sflag:s8] =	dma.local @!p0 [hbm:s6], $0xF7A  }
0x23: {  	s9 =	sor.u32 $0xD0000000, s2;
	s6 =	simm.s32 $0x108;
	_ =	swait.ge @!p0 [sflag:s8], $0x0  }
0x24: {  	s3 =	sadd.s32 $0x88, s3;
	s6 =	simm.s32 @!p1 $0x1082;
	[sflag:s4] =	ssyncset.s32 $0xFFFFF086  }
0x25: {  	[simem:s6], [sflag:s4] =	dma.local [hbm:s3], $0xF7A  }
0x26: {  	[smem:$0x3F9E] =	sst s1;
	(tag) =	ssettag s2;
	_ =	strace s9  }
0x27: {  	s1 =	sld [smem:$0x3FAE]  }
0x28: {  	s2 =	sld [smem:$0x3FAF]  }
0x29: {  	s4 =	sld [smem:$0x3FB1]  }
0x2a: {  	p0 =	seq.s32 s5, $0x0;
	s5 =	sld [smem:$0x3FB2]  }
0x2b: {  	s6 =	sld [smem:$0x3FB3]  }
0x2c: {  	s7 =	sld [smem:$0x3FB4]  }
0x2d: {  	s3 =	simm.s32 $0x108;
	s8 =	sld [smem:$0x3FB5]  }
0x2e: {  	s3 =	simm.s32 @!p0 $0x1082;
	s9 =	sld [smem:$0x3FB6]  }
0x2f: {  	lr =	sadd.s32 s0, s3;
	s0 =	sld [smem:$0x3FAD]  }
0x30: {  	s3 =	sld [smem:$0x3FB0]  }
0x31: {  	[smem:$0x3FB9] =	sst s10  }
0x32: {  	s10 =	sld [smem:$0x3FB7];
	_ =	sdelay $0x3  }
0x33: {  	p0 =	seq.s32 s10, $0x1;
	s10 =	sld [smem:$0x3FB9];
	_ =	sdelay $0x3  }
0x34: {  	[smem:$0x3FB9] =	sst s10  }
0x35: {  	s10 =	sld [smem:$0x3FB8];
	_ =	sdelay $0x3  }
0x36: {  	p1 =	seq.s32 s10, $0x1;
	s10 =	sld [smem:$0x3FB9];
	_ =	sdelay $0x3  }
0x37: {  	[smem:$0x3FB9] =	sst s10  }
0x38: {  	s10 =	sld [smem:$0x3FBA]  }
0x39: {  	_ = 	snop;
	(pc) =	sbr.ind lr, $3  }
0x3a: {  	_ = 	snop  }
0x3b: {  	_ = 	snop  }
0x3c: {  	p2 =	seq.s32 s10, $0x1;
	s10 =	sld [smem:$0x3FB9]  }
0x3d: {  	_ =	shalt  }
0x3e: {  	_ =	shalt  }
0x3f: {  	_ =	shalt  }
0x40: {  	_ =	shalt  }
0x41: {  	_ =	shalt  }
0x42: {  	_ =	shalt  }
0x43: {  	_ =	shalt  }
0x44: {  	_ =	shalt  }
0x45: {  	_ =	shalt  }
0x46: {  	_ =	shalt  }
0x47: {  	_ =	shalt  }
0x48: {  	_ =	shalt  }
0x49: {  	_ =	shalt  }
0x4a: {  	_ =	shalt  }
0x4b: {  	_ =	shalt  }
0x4c: {  	_ =	shalt  }
0x4d: {  	_ =	shalt  }
0x4e: {  	_ =	shalt  }
0x4f: {  	_ =	shalt  }
0x50: {  	_ =	shalt  }
0x51: {  	_ =	shalt  }
0x52: {  	_ =	shalt  }
0x53: {  	_ =	shalt  }
0x54: {  	_ =	shalt  }
0x55: {  	_ =	shalt  }
0x56: {  	_ =	shalt  }
0x57: {  	_ =	shalt  }
0x58: {  	_ =	shalt  }
0x59: {  	_ =	shalt  }
0x5a: {  	_ =	shalt  }
0x5b: {  	_ =	shalt  }
0x5c: {  	_ =	shalt  }
0x5d: {  	_ =	shalt  }
0x5e: {  	_ =	shalt  }
0x5f: {  	_ =	shalt  }
0x60: {  	_ =	shalt  }
0x61: {  	_ =	shalt  }
0x62: {  	_ =	shalt  }
0x63: {  	_ =	shalt  }
0x64: {  	_ =	shalt  }
0x65: {  	_ =	shalt  }
0x66: {  	_ =	shalt  }
0x67: {  	_ =	shalt  }
0x68: {  	_ =	shalt  }
0x69: {  	_ =	shalt  }
0x6a: {  	_ =	shalt  }
0x6b: {  	_ =	shalt  }
0x6c: {  	_ =	shalt  }
0x6d: {  	_ =	shalt  }
0x6e: {  	_ =	shalt  }
0x6f: {  	_ =	shalt  }
0x70: {  	_ =	shalt  }
0x71: {  	_ =	shalt  }
0x72: {  	_ =	shalt  }
0x73: {  	_ =	shalt  }
0x74: {  	_ =	shalt  }
0x75: {  	_ =	shalt  }
0x76: {  	_ =	shalt  }
0x77: {  	_ =	shalt  }
0x78: {  	_ =	shalt  }
0x79: {  	_ =	shalt  }
0x7a: {  	_ =	shalt  }
0x7b: {  	_ =	shalt  }
0x7c: {  	_ =	shalt  }
0x7d: {  	_ =	shalt  }
0x7e: {  	_ =	shalt  }
0x7f: {  	_ =	shalt  }
0x80: {  	_ =	shalt  }
0x81: {  	_ =	shalt  }
0x82: {  	_ =	shalt  }
0x83: {  	_ =	shalt  }
0x84: {  	_ =	shalt  }
0x85: {  	_ =	shalt  }
0x86: {  	_ =	shalt  }
0x87: {  	_ =	shalt  }
.Lfunc_end0:
.L_simem_size_0:
called_computation.1_lowered:
.L_overlay_start_0:
0x88: {  	s0 =	sld [smem:$0x3FD9]  }
0x89: {  	s1 =	sld [smem:$0x3FFE];
	_ =	sdelay $0x3  }
0x8a: {  	s0 =	sadd.s32 s1, s0  }
0x8b: {  	[smem:$0x3FC5] =	sst s0  }
0x8c: {  	_ = 	snop  }
0x8d: {  	s0 =	sld [smem:$0x3FC8];
	(tm) =	ssettm $0x1  }
0x8e: {  	s16 =	sld [smem:$0x3FFB];
	_ =	sdelay $0x3  }
0x8f: {  	_ =	strace s16  }
0x90: {  	s1 =	sld [smem:$0x3FFC];
	_ =	sdelay $0x3  }
0x91: {  	_ =	strace s1  }
0x92: {  	s1 =	sld [smem:$0x3FFD];
	_ =	sdelay $0x3  }
0x93: {  	_ =	strace s1  }
0x94: {  	_ =	strace $0x8FFFFFFF  }
0x95: {  	s17 =	sld [smem:$0x3FDB];
	_ =	sdelay $0x1  }
0x96: {  	s2 =	simm.s32 $_scs_section_size  }
0x97: {  	s3 =	simm.s32 $_size__tile_overlayer_lowered;
	s4 =	simm.s32 $_tile_overlayer_lowered  }
0x98: {  	s20 =	simm.s32 $0x1BFF;
	s19 =	sshll.u32 s4, $0x1;
	s1 =	sadd.s32 s2, s17  }
0x99: {  	s5 =	simm.s32 $0x0;
	s18 =	sshll.u32 s3, $0x1;
	s3 =	sadd.s32 s19, s1  }
0x9a: {  	[timem:s5], [sflag:s20] =	dma.local [hbm:s3], s18  }
0x9b: {  	_ =	swait.ge [sflag:s20], s18  }
0x9c: {  	s2 =	ssub.s32 $0x0, s18;
	[sflag:s20] =	ssyncset.done $0x0  }
0x9d: {  	[sflag:s20] =	ssyncadd.s32 s2;
	_ =	sdelay $0x1  }
0x9e: {  	s21 =	simm.s32 $0x1B8B  }
0x9f: {  	_ =	swait.ge [sflag:s21], $0x1  }
0xa0: {  	[sflag:s21] =	ssyncset.done $0x0  }
0xa1: {  	s23 =	simm.s32 $0x1B8E;
	s22 =	sld [smem:$0x3FFE];
	[sflag:s21] =	ssyncadd.s32 $0xFFFFFFFF  }
0xa2: {  	s24 =	simm.s32 $execute0_lowered;
	[smem:$0x3FD2] =	sst s23  }
0xa3: {  	s3 =	sshll.u32 s24, $0x1;
	_ =	strace $0x80000049;
	[dreg:$0x1] =	wrdreg $0xFFFFFFFF  }
0xa4: {  	s25 =	simm.s32 $_size_execute0_lowered;
	s1 =	sadd.s32 s1, s3;
	[dreg:$0x0] =	wrdreg $0x0  }
0xa5: {  	s3 =	sshll.u32 s25, $0x1;
	[dreg:$0x2] =	wrdreg s1  }
0xa6: {  	[dreg:$0x3] =	wrdreg s3  }
0xa7: {  	[dreg:$0x4] =	wrdreg $0xC0  }
0xa8: {  	_ =	task [dreg:s5], $0x5FFFF  }
0xa9: {  	[dreg:$0x1] =	wrdreg $0xFFFFFFFF  }
0xaa: {  	[dreg:$0x0] =	wrdreg $0x60  }
0xab: {  	[dreg:$0x2] =	wrdreg s0  }
0xac: {  	[dreg:$0x3] =	wrdreg s22  }
0xad: {  	[dreg:$0x4] =	wrdreg $0xA  }
0xae: {  	_ =	task.clear_ibuf [dreg:s5], $0x5FFFF;
	_ =	strace $0x90000049  }
0xaf: {  	s26 =	simm.s32 $0xA;
	_ =	strace $0x8000004B  }
0xb0: {  	_ =	swait.ge [sflag:s26], $0x1  }
0xb1: {  	[sflag:s26] =	ssyncadd.s32 $0xFFFFFFFF  }
0xb2: {  	_ =	strace $0x9000004B  }
0xb3: {  	_ =	sfence  }
0xb4: {  	s28 =	sld [smem:$0x0];
	_ =	sdelay $0x1  }
0xb5: {  	s29 =	srdreg.scid  }
0xb6: {  	s30 =	sshll.u32 s29, $0xD;
	s31 =	sshrl.u32 s29, $0x2  }
0xb7: {  	s2 =	sand.u32 $0x4000, s30;
	s1 =	sand.u32 $0x1, s29;
	s0 =	sadd.s32 s31, s28  }
0xb8: {  	s1 =	sor.u32 s2, s1;
	s0 =	sshll.u32 s0, $0x11  }
0xb9: {  	s0 =	sor.u32 s0, s1  }
0xba: {  	s0 =	sadd.s32 $0x8F2B, s0  }
0xbb: {  	[sflag:s0] =	ssyncadd.remote.s32 $0x1  }
0xbc: {  	_ =	sfence.sel $0xFFFF  }
0xbd: {  	[dreg:$0x0] =	wrdreg $0xFFFFFFFF;
	(pc) =	sbr.abs _section_cstart, $3  }
0xbe: {  	[dreg:$0x1] =	wrdreg $0xFFFFFFFF  }
0xbf: {  	_ =	task.clear_ibuf [dreg:s5], $0x2FFFF;
	_ =	strace $0x9FFFFFFF  }
0xc0: {  	(tm) =	ssettm $0x7FFFFFFF  }
0xc1: {  	_ =	shalt  }
tec
execute0_lowered:
.L_overlay_start_1:
0x0: {  	(tag) =	ssettag $0x1  }
0x1: {  	s2 =	rddreg [dreg:$0x0]  }
0x2: {  	s3 =	rddreg [dreg:$0x1]  }
0x3: {  	s0 =	rddreg [dreg:$0x2];
	s1 =	stileid.u32  }
0x4: {  	_ =	strace $0x8000004A;
	s6 =	simm.s32 $0x1;
	s8 =	simm.s32 $0x2  }
0x5: {  	s30 =	simm.s32 $0x3;
	s12 =	simm.s32 $0x0;
	s4 =	sshll.u32 s1, $0x4  }
0x6: {  	s9 =	simm.s32 $0x0;
	s10 =	simm.s32 $0x0;
	s7 =	ssub.s32 $0x1380, s4  }
0x7: {  	s5 =	sadd.s32 $0x1F400, s3;
	[sflag:s6] =	ssyncpa.u1 $0x0;
	s6 =	sshrl.u32 s7, $0x8  }
0x8: {  	[sflag:s8] =	ssyncpa.u1 $0x0;
	s11 =	smov.u32 s4;
	s31 =	sshll.u32 s6, $0x4  }
0x9: {  	[sflag:s30] =	ssyncpa.u1 $0x0;
	s7 =	sadd.s32 $0x2, s6;
	s8 =	sadd.s32 $0x30, s31  }
.LBB2_1:
0xa: {  	p0 =	sgt.u32 s10, s6  }
0xb: {  	s13 =	sxor.u32 @!p0 $0xFFFFFFFF, s9;
	s14 =	sshrl.u32 @!p0 s11, $0x3  }
0xc: {  	s15 =	sand.u32 @!p0 $0x7, s11;
	s13 =	sand.u32 @!p0 $0x10, s13;
	s14 =	sadd.s32 @!p0 s3, s14  }
0xd: {  	[tilespmem:s13], [sflag:$0x2] =	stream.linear.gather @!p0 [hbm4b:s14+s15], $0x10, $0x38;
	[tilespmem:$0x40] =	vst v63  }
0xe: {  	p0 =	seq.s32 s9, $0x0  }
0xf: {  	p1 =	sge.u32 @!p0 s10, s7  }
0x10: {  	p0 =	por p1, p0  }
0x11: {  	s13 =	simm.s32 @!p0 $0x2  }
0x12: {  	_ =	swait.ge @!p0 [sflag:s13], $0x10  }
0x13: {  	[sflag:s13] =	ssyncset.done @!p0 $0x0  }
0x14: {  	[sflag:s13] =	ssyncadd.s32 @!p0 $0xFFFFFFF0;
	s13 =	sand.u32 @!p0 $0x10, s9  }
0x15: {  	(ifvalue) =	ssetifvalue @!p0 $0x7FFFFFFF;
	v0 =	vld.msk @!p0 [tilespmem:s13+$0x0 ss:$0x1], $0xffff;
	_ =	sdelay $0x4  }
0x16: {  	vm0 =	veq.s32 @!p0 v0, $0x80000000;
	v0 =	vand.u32 @!p0 $0x3FFF, v0  }
0x17: {  	v1 =	vimm.s32 @!p0 $0x0;
	v0 =	vsel @!p0 vm0, $0xFFFFFFFF, v0  }
0x18: {  	v1 =	vsel @!p0 vm0, $0xFFFFD880, v1;
	v2 =	vand.u32 @!p0 $0xFFFFFF80, v0  }
0x19: {  	v0 =	vand.u32 @!p0 $0x7F, v0;
	v1 =	vadd.s32 @!p0 v1, v2  }
0x1a: {  	v0 =	vor.u32 @!p0 v0, v1;
	_ =	sdelay $0x3  }
0x1b: {  	s14 =	simm.s32 @!p0 $0x0;
	s13 =	sor.u32 @!p0 $0x20, s13;
	(ifvalue) =	ssetifvalue @!p0 $0x7FFFFFFF;
	vm0 =	vmmov @!p0 $0xffff  }
0x1c: {  	[tilespmem:s13], [sflag:$0x1] =	stream.indirect_vreg.gather @!p0 [hbm4b:s2+s14], $0x1, v0, vm0, $0x4038;
	[tilespmem:$0x40] =	vst v63  }
0x1d: {  	s14 =	simm.s32 @!p0 $0x1  }
0x1e: {  	_ =	swait.ge @!p0 [sflag:s14], $0x10  }
0x1f: {  	s15 =	sshrl.u32 @!p0 s12, $0x3;
	[sflag:s14] =	ssyncset.done @!p0 $0x0  }
0x20: {  	s12 =	sand.u32 @!p0 $0x7, s12;
	[sflag:s14] =	ssyncadd.s32 @!p0 $0xFFFFFFF0;
	s14 =	sadd.s32 @!p0 s5, s15  }
0x21: {  	[hbm4b:s14+s12] =	stream.linear.scatter @!p0 [tilespmem:s13], [sflag:$0x3], $0x10, $0x38;
	[tilespmem:$0x40] =	vst v63  }
0x22: {  	s14 =	sadd.s32 $0x100, s11  }
0x23: {  	s9 =	sadd.s32 $0x10, s9;
	p1 =	sgt.s32 s14, $0x1387  }
0x24: {  	s14 =	smov.u32 @p1 s4;
	p1 =	sne.s32 s8, s9  }
.Ltmp0:
0x25: {  	p0 =	slt.u32 s10, $0x2;
	(pc) =	sbr.rel @p1 .LBB2_1-.Ltmp0, $4  }
0x26: {  	s13 =	simm.s32 @!p0 $0x3  }
0x27: {  	_ =	swait.ge @!p0 [sflag:s13], $0x10  }
0x28: {  	s12 =	smov.u32 s11;
	[sflag:s13] =	ssyncset.done @!p0 $0x0  }
0x29: {  	s10 =	sadd.s32 $0x1, s10;
	s11 =	smov.u32 s14;
	[sflag:s13] =	ssyncadd.s32 @!p0 $0xFFFFFFF0  }
0x2a: {  	_ =	sfence.sel $0x180000  }
0x2b: {  	s2 =	simm.s32 $0x2;
	[bflag:$0x0] =	sbarrier.arrive $0xFFFF  }
0x2c: {  	s30 =	simm.s32 $0x3;
	[sflag:s2] =	ssyncpa.u1 $0x1  }
0x2d: {  	s31 =	simm.s32 $0x1;
	[sflag:s30] =	ssyncpa.u1 $0x1  }
0x2e: {  	[sflag:s31] =	ssyncpa.u1 $0x1  }
0x2f: {  	p0 =	sne.s32 s1, $0x0;
	_ =	strace $0x9000004A  }
0x30: {  	s0 =	sadd.s32 @!p0 $0x100000, s0;
	[bflag:$0x2] =	sbarrier.arrive $0xFFFF  }
0x31: {  	[sflag:s0] =	ssyncadd.tile.s32 @!p0 $0x1;
	_ =	shalt  }
.Lfunc_end2:
_tile_overlayer_lowered:
.L_overlay_start_2:
0x32: {  	(tag) =	ssettag $0x2  }
0x33: {  	s0 =	rddreg [dreg:$0x0];
	s2 =	stileid.u32  }
0x34: {  	s1 =	rddreg [dreg:$0x1];
	p0 =	sne.s32 s2, $0x0  }
0x35: {  	s3 =	rddreg [dreg:$0x2];
	[bflag:$0x3] =	sbarrier.arrive $0xFFFF;
	s2 =	simm.s32 @!p0 $0x1C01  }
0x36: {  	[timem:s3], [sflag:s2] =	dma.local @!p0 [hbm:s0], s1  }
0x37: {  	s0 =	simm.s32 @!p0 $0x1  }
0x38: {  	_ =	swait.ge @!p0 [sflag:s0], s1  }
0x39: {  	s1 =	ssub.s32 @!p0 $0x0, s1;
	[sflag:s0] =	ssyncset.done @!p0 $0x0  }
0x3a: {  	[sflag:s0] =	ssyncadd.s32 @!p0 s1  }
0x3b: {  	[bflag:$0x3] =	sbarrier.arrive $0xFFFF  }
0x3c: {  	_ =	shalt  }

// kernel: kernel.3.cloned.1.call-start
scs
__scs_entry_jumppad:
0x0: {  	(pc) =	sbr.rel $0x88, $3  }
0x1: {  	(tag) =	ssettag $0x0;
	lr =	simm.s32 $0x1  }
0x2: {  	[smem:$0x3F9E] =	sst lr;
	_ =	strace $0xD0000000  }
0x3: {  	_ = 	snop  }
0x4: {  	_ = 	snop  }
0x5: {  	_ = 	snop  }
0x6: {  	_ = 	snop  }
0x7: {  	_ = 	snop  }
__scs_overlays_trampoline_lowered:
0x8: {  	[smem:$0x3FAD] =	sst s0  }
0x9: {  	[smem:$0x3FAE] =	sst s1  }
0xa: {  	[smem:$0x3FAF] =	sst s2  }
0xb: {  	[smem:$0x3FB0] =	sst s3  }
0xc: {  	[smem:$0x3FB1] =	sst s4  }
0xd: {  	[smem:$0x3FB2] =	sst s5  }
0xe: {  	[smem:$0x3FB3] =	sst s6  }
0xf: {  	[smem:$0x3FB4] =	sst s7  }
0x10: {  	[smem:$0x3FB5] =	sst s8  }
0x11: {  	[smem:$0x3FB6] =	sst s9;
	s0 =	simm.s32 @!p0 $0x0  }
0x12: {  	s1 =	sld [smem:$0x3F9C];
	s0 =	simm.s32 @p0 $0x1  }
0x13: {  	[smem:$0x3FB7] =	sst s0;
	s0 =	simm.s32 @!p1 $0x0  }
0x14: {  	s2 =	sld [smem:$0x3F9B];
	s0 =	simm.s32 @p1 $0x1  }
0x15: {  	[smem:$0x3FB8] =	sst s0;
	s0 =	simm.s32 @!p2 $0x0  }
0x16: {  	s3 =	sld [smem:$0x3FDB];
	s0 =	simm.s32 @p2 $0x1  }
0x17: {  	s4 =	simm.s32 $0x1BF5;
	[smem:$0x3FBA] =	sst s0  }
0x18: {  	s0 =	sld [smem:$0x3F9D];
	_ =	swait.ge [sflag:s4], $0x0  }
0x19: {  	s7 =	sld [smem:$0x3F9E]  }
0x1a: {  	s8 =	sadd.s32 $0xFFFFE003, lr  }
0x1b: {  	s9 =	sadd.s32 $0xFFFFFEF7, lr;
	s5 =	simm.s32 $0xFFFFFFFF;
	p2 =	slt.u32 s8, $0xFFFFF086  }
0x1c: {  	p1 =	slt.u32 s9, $0xF7A;
	s5 =	simm.s32 @!p2 $0x0  }
0x1d: {  	s5 =	simm.s32 @p1 $0x1;
	p0 =	seq.s32 s7, s2  }
0x1e: {  	s7 =	smul.u32 @!p0 $0xF7A, s2;
	p2 =	seq.s32 @!p0 s5, $0x0  }
0x1f: {  	s9 =	smul.u32 $0xF7A, s1;
	s8 =	simm.s32 @!p0 $0x1BF5;
	p2 =	por !p2, p0  }
0x20: {  	[sflag:s8] =	ssyncset.s32 @!p0 $0xFFFFF086;
	s6 =	sadd.s32 @!p0 s3, s7;
	s7 =	simm.s32 @!p0 $0x108  }
0x21: {  	s3 =	sadd.s32 s3, s9;
	s6 =	sadd.s32 @!p0 $0x88, s6;
	s7 =	simm.s32 @p2 $0x1082  }
0x22: {  	[simem:s7], [sflag:s8] =	dma.local @!p0 [hbm:s6], $0xF7A  }
0x23: {  	s9 =	sor.u32 $0xD0000000, s2;
	s6 =	simm.s32 $0x108;
	_ =	swait.ge @!p0 [sflag:s8], $0x0  }
0x24: {  	s3 =	sadd.s32 $0x88, s3;
	s6 =	simm.s32 @!p1 $0x1082;
	[sflag:s4] =	ssyncset.s32 $0xFFFFF086  }
0x25: {  	[simem:s6], [sflag:s4] =	dma.local [hbm:s3], $0xF7A  }
0x26: {  	[smem:$0x3F9E] =	sst s1;
	(tag) =	ssettag s2;
	_ =	strace s9  }
0x27: {  	s1 =	sld [smem:$0x3FAE]  }
0x28: {  	s2 =	sld [smem:$0x3FAF]  }
0x29: {  	s4 =	sld [smem:$0x3FB1]  }
0x2a: {  	p0 =	seq.s32 s5, $0x0;
	s5 =	sld [smem:$0x3FB2]  }
0x2b: {  	s6 =	sld [smem:$0x3FB3]  }
0x2c: {  	s7 =	sld [smem:$0x3FB4]  }
0x2d: {  	s3 =	simm.s32 $0x108;
	s8 =	sld [smem:$0x3FB5]  }
0x2e: {  	s3 =	simm.s32 @!p0 $0x1082;
	s9 =	sld [smem:$0x3FB6]  }
0x2f: {  	lr =	sadd.s32 s0, s3;
	s0 =	sld [smem:$0x3FAD]  }
0x30: {  	s3 =	sld [smem:$0x3FB0]  }
0x31: {  	[smem:$0x3FB9] =	sst s10  }
0x32: {  	s10 =	sld [smem:$0x3FB7];
	_ =	sdelay $0x3  }
0x33: {  	p0 =	seq.s32 s10, $0x1;
	s10 =	sld [smem:$0x3FB9];
	_ =	sdelay $0x3  }
0x34: {  	[smem:$0x3FB9] =	sst s10  }
0x35: {  	s10 =	sld [smem:$0x3FB8];
	_ =	sdelay $0x3  }
0x36: {  	p1 =	seq.s32 s10, $0x1;
	s10 =	sld [smem:$0x3FB9];
	_ =	sdelay $0x3  }
0x37: {  	[smem:$0x3FB9] =	sst s10  }
0x38: {  	s10 =	sld [smem:$0x3FBA]  }
0x39: {  	_ = 	snop;
	(pc) =	sbr.ind lr, $3  }
0x3a: {  	_ = 	snop  }
0x3b: {  	_ = 	snop  }
0x3c: {  	p2 =	seq.s32 s10, $0x1;
	s10 =	sld [smem:$0x3FB9]  }
0x3d: {  	_ =	shalt  }
0x3e: {  	_ =	shalt  }
0x3f: {  	_ =	shalt  }
0x40: {  	_ =	shalt  }
0x41: {  	_ =	shalt  }
0x42: {  	_ =	shalt  }
0x43: {  	_ =	shalt  }
0x44: {  	_ =	shalt  }
0x45: {  	_ =	shalt  }
0x46: {  	_ =	shalt  }
0x47: {  	_ =	shalt  }
0x48: {  	_ =	shalt  }
0x49: {  	_ =	shalt  }
0x4a: {  	_ =	shalt  }
0x4b: {  	_ =	shalt  }
0x4c: {  	_ =	shalt  }
0x4d: {  	_ =	shalt  }
0x4e: {  	_ =	shalt  }
0x4f: {  	_ =	shalt  }
0x50: {  	_ =	shalt  }
0x51: {  	_ =	shalt  }
0x52: {  	_ =	shalt  }
0x53: {  	_ =	shalt  }
0x54: {  	_ =	shalt  }
0x55: {  	_ =	shalt  }
0x56: {  	_ =	shalt  }
0x57: {  	_ =	shalt  }
0x58: {  	_ =	shalt  }
0x59: {  	_ =	shalt  }
0x5a: {  	_ =	shalt  }
0x5b: {  	_ =	shalt  }
0x5c: {  	_ =	shalt  }
0x5d: {  	_ =	shalt  }
0x5e: {  	_ =	shalt  }
0x5f: {  	_ =	shalt  }
0x60: {  	_ =	shalt  }
0x61: {  	_ =	shalt  }
0x62: {  	_ =	shalt  }
0x63: {  	_ =	shalt  }
0x64: {  	_ =	shalt  }
0x65: {  	_ =	shalt  }
0x66: {  	_ =	shalt  }
0x67: {  	_ =	shalt  }
0x68: {  	_ =	shalt  }
0x69: {  	_ =	shalt  }
0x6a: {  	_ =	shalt  }
0x6b: {  	_ =	shalt  }
0x6c: {  	_ =	shalt  }
0x6d: {  	_ =	shalt  }
0x6e: {  	_ =	shalt  }
0x6f: {  	_ =	shalt  }
0x70: {  	_ =	shalt  }
0x71: {  	_ =	shalt  }
0x72: {  	_ =	shalt  }
0x73: {  	_ =	shalt  }
0x74: {  	_ =	shalt  }
0x75: {  	_ =	shalt  }
0x76: {  	_ =	shalt  }
0x77: {  	_ =	shalt  }
0x78: {  	_ =	shalt  }
0x79: {  	_ =	shalt  }
0x7a: {  	_ =	shalt  }
0x7b: {  	_ =	shalt  }
0x7c: {  	_ =	shalt  }
0x7d: {  	_ =	shalt  }
0x7e: {  	_ =	shalt  }
0x7f: {  	_ =	shalt  }
0x80: {  	_ =	shalt  }
0x81: {  	_ =	shalt  }
0x82: {  	_ =	shalt  }
0x83: {  	_ =	shalt  }
0x84: {  	_ =	shalt  }
0x85: {  	_ =	shalt  }
0x86: {  	_ =	shalt  }
0x87: {  	_ =	shalt  }
.Lfunc_end0:
.L_simem_size_0:
called_computation.2_lowered:
.L_overlay_start_0:
0x88: {  	s2 =	sld [smem:$0x3FD9]  }
0x89: {  	s3 =	sld [smem:$0x3FFE];
	_ =	sdelay $0x1  }
0x8a: {  	s1 =	srdreg.scid  }
0x8b: {  	s0 =	sand.u32 $0x1, s1  }
0x8c: {  	s17 =	sshll.u32 s0, $0xA;
	s2 =	sadd.s32 s3, s2  }
0x8d: {  	s2 =	sadd.s32 s2, s17  }
0x8e: {  	[smem:$0x3FC5] =	sst s2  }
0x8f: {  	_ = 	snop  }
0x90: {  	s2 =	sld [smem:$0x3FD0];
	(tm) =	ssettm $0x1  }
0x91: {  	s18 =	sld [smem:$0x3FFB];
	_ =	sdelay $0x3  }
0x92: {  	_ =	strace s18  }
0x93: {  	s3 =	sld [smem:$0x3FFC];
	_ =	sdelay $0x3  }
0x94: {  	_ =	strace s3  }
0x95: {  	s3 =	sld [smem:$0x3FFD];
	_ =	sdelay $0x3  }
0x96: {  	_ =	strace s3  }
0x97: {  	_ =	strace $0x8FFFFFFF  }
0x98: {  	s19 =	sld [smem:$0x3FDB];
	_ =	sdelay $0x1  }
0x99: {  	s4 =	simm.s32 $_scs_section_size  }
0x9a: {  	s5 =	simm.s32 $_size__tile_overlayer_lowered;
	s6 =	simm.s32 $_tile_overlayer_lowered  }
0x9b: {  	s22 =	simm.s32 $0x1BFF;
	s21 =	sshll.u32 s6, $0x1;
	s3 =	sadd.s32 s4, s19  }
0x9c: {  	s7 =	simm.s32 $0x0;
	s20 =	sshll.u32 s5, $0x1;
	s5 =	sadd.s32 s21, s3  }
0x9d: {  	[timem:s7], [sflag:s22] =	dma.local [hbm:s5], s20  }
0x9e: {  	_ =	swait.ge [sflag:s22], s20  }
0x9f: {  	s4 =	ssub.s32 $0x0, s20;
	[sflag:s22] =	ssyncset.done $0x0  }
0xa0: {  	[sflag:s22] =	ssyncadd.s32 s4;
	_ =	sdelay $0x1  }
0xa1: {  	s23 =	simm.s32 $0x1B8B  }
0xa2: {  	_ =	swait.ge [sflag:s23], $0x1  }
0xa3: {  	[sflag:s23] =	ssyncset.done $0x0  }
0xa4: {  	s25 =	simm.s32 $0x1B8E;
	s24 =	sld [smem:$0x3FFE];
	[sflag:s23] =	ssyncadd.s32 $0xFFFFFFFF  }
0xa5: {  	s26 =	simm.s32 $execute0_lowered;
	[smem:$0x3FD2] =	sst s25  }
0xa6: {  	s5 =	sshll.u32 s26, $0x1;
	_ =	strace $0x8000004C;
	[dreg:$0x1] =	wrdreg $0xFFFFFFFF  }
0xa7: {  	s28 =	simm.s32 $_size_execute0_lowered;
	s3 =	sadd.s32 s3, s5;
	[dreg:$0x0] =	wrdreg $0x0  }
0xa8: {  	s5 =	sshll.u32 s28, $0x1;
	[dreg:$0x2] =	wrdreg s3  }
0xa9: {  	[dreg:$0x3] =	wrdreg s5  }
0xaa: {  	[dreg:$0x4] =	wrdreg $0xC0  }
0xab: {  	_ =	task [dreg:s7], $0x5FFFF  }
0xac: {  	[dreg:$0x1] =	wrdreg $0xFFFFFFFF  }
0xad: {  	[dreg:$0x0] =	wrdreg $0x60  }
0xae: {  	[dreg:$0x2] =	wrdreg s2  }
0xaf: {  	[dreg:$0x3] =	wrdreg s24  }
0xb0: {  	[dreg:$0x4] =	wrdreg $0x0  }
0xb1: {  	[dreg:$0x5] =	wrdreg $0x9  }
0xb2: {  	_ =	task.clear_ibuf [dreg:s7], $0x6FFFF;
	_ =	strace $0x9000004C  }
0xb3: {  	s29 =	simm.s32 $0x9;
	_ =	strace $0x8000004E  }
0xb4: {  	_ =	swait.ge [sflag:s29], $0x1  }
0xb5: {  	[sflag:s29] =	ssyncadd.s32 $0xFFFFFFFF  }
0xb6: {  	_ =	strace $0x9000004E  }
0xb7: {  	_ =	sfence  }
0xb8: {  	s30 =	sld [smem:$0x0];
	_ =	sdelay $0x2  }
0xb9: {  	s31 =	sshll.u32 s1, $0xD;
	s1 =	sshrl.u32 s1, $0x2  }
0xba: {  	s3 =	sand.u32 $0x4000, s31;
	s1 =	sadd.s32 s1, s30  }
0xbb: {  	s0 =	sor.u32 s3, s0;
	s1 =	sshll.u32 s1, $0x11  }
0xbc: {  	s0 =	sor.u32 s1, s0  }
0xbd: {  	s0 =	sadd.s32 $0x8F2B, s0  }
0xbe: {  	[sflag:s0] =	ssyncadd.remote.s32 $0x1  }
0xbf: {  	_ =	sfence.sel $0xFFFF  }
0xc0: {  	[dreg:$0x0] =	wrdreg $0xFFFFFFFF;
	(pc) =	sbr.abs _section_cstart, $3  }
0xc1: {  	[dreg:$0x1] =	wrdreg $0xFFFFFFFF  }
0xc2: {  	_ =	task.clear_ibuf [dreg:s7], $0x2FFFF;
	_ =	strace $0x9FFFFFFF  }
0xc3: {  	(tm) =	ssettm $0x7FFFFFFF  }
tec
execute0_lowered:
.L_overlay_start_1:
0x0: {  	(tag) =	ssettag $0x1  }
0x1: {  	s0 =	rddreg [dreg:$0x0]  }
0x2: {  	s1 =	rddreg [dreg:$0x1]  }
0x3: {  	s2 =	rddreg [dreg:$0x2];
	s25 =	simm.s32 $0x0;
	s12 =	stileid.u32  }
0x4: {  	s5 =	srdreg.scid;
	s17 =	simm.s32 $0x7;
	s19 =	simm.s32 $0x1A200  }
0x5: {  	s20 =	simm.s32 $0x3;
	s28 =	simm.s32 $0x1;
	s30 =	simm.s32 $0x15200  }
0x6: {  	s31 =	simm.s32 $0x2;
	s15 =	simm.s32 $0x19200;
	[smem:$0x7FF] =	sst s25  }
0x7: {  	s3 =	smul.u32 $0xA20, s12;
	s4 =	sadd.s32 $0x32A00, s1;
	s7 =	sand.u32 $0x1, s5  }
0x8: {  	s5 =	sadd.s32 $0xAA00, s1;
	s29 =	sadd.s32 $0x1EA00, s1;
	s8 =	sadd.s32 $0x5AA00, s1  }
0x9: {  	s9 =	sadd.s32 $0x46A00, s1;
	_ =	strace $0x8000004D;
	[dreg:$0x5] =	wrdreg s8  }
0xa: {  	s10 =	ssub.s32 $0x2, s7;
	s8 =	smul.u32 $0x50000, s7;
	[dreg:$0x4] =	wrdreg s29  }
0xb: {  	s6 =	sadd.s32 s3, s1;
	s11 =	sshrl.u32 s10, $0x1;
	s0 =	sadd.s32 s0, s3  }
0xc: {  	s1 =	simm.s32 $0x5;
	s21 =	ssub.s32 s10, s11;
	s10 =	smul.u32 $0x5000, s12  }
0xd: {  	[dreg:$0x6] =	wrdreg s0;
	s22 =	sadd.s32 $0x800, s6;
	s23 =	sshrl.u32 s8, $0x3  }
0xe: {  	s0 =	simm.s32 $0xA280;
	s11 =	simm.s32 $0x6;
	s12 =	simm.s32 $0xF080  }
0xf: {  	s6 =	simm.s32 $0x0;
	[dreg:$0x7] =	wrdreg s22;
	s13 =	sadd.s32 s9, s23  }
0x10: {  	s26 =	smax.u32 s21, $0x1;
	s21 =	simm.s32 $0x18200;
	s22 =	simm.s32 $0x4  }
0x11: {  	s23 =	simm.s32 $0x180;
	s24 =	sadd.s32 s10, s8;
	[dreg:$0x9] =	wrdreg s26  }
0x12: {  	v0 =	vimm.f32 $0.0e+00;
	s26 =	simm.s32 $0x12200;
	[dreg:$0x8] =	wrdreg s24;
	s24 =	simm.s32 $0xF200  }
.LBB2_1:
0x13: {  	[dreg:$0xa] =	wrdreg s6  }
0x14: {  	s3 =	rddreg [dreg:$0x6];
	s16 =	simm.s32 $0x5000  }
0x15: {  	[tilespmem:s16], [sflag:$0x7] =	stream.linear.gather [hbm4b:s3+s25], $0x5100, $0x38;
	[tilespmem:$0x1B200] =	vst v63  }
0x16: {  	_ =	swait.ge [sflag:s17], $0x5100  }
0x17: {  	[sflag:s17] =	ssyncset.done $0x0  }
0x18: {  	s29 =	simm.s32 $0xA100;
	s18 =	rddreg [dreg:$0x7];
	[sflag:s17] =	ssyncadd.s32 $0xFFFFAF00  }
0x19: {  	[tilespmem:s29], [sflag:$0x7] =	stream.linear.gather [hbm4b:s18+s25], $0x5100, $0x38;
	[tilespmem:$0x1B200] =	vst v63  }
0x1a: {  	_ =	swait.ge [sflag:s17], $0x5100  }
0x1b: {  	[sflag:s17] =	ssyncset.done $0x0  }
0x1c: {  	s3 =	simm.s32 $0x0;
	[sflag:s17] =	ssyncadd.s32 $0xFFFFAF00  }
.LBB2_2:
0x1d: {  	p0 =	seq.s32 s3, $0x0;
	s6 =	sshll.u32 s3, $0xC  }
0x1e: {  	s14 =	simm.s32 @!p0 $0x4;
	s6 =	sadd.s32 s10, s6  }
0x1f: {  	_ =	swait.ge @!p0 [sflag:s14], $0x1000;
	s7 =	sadd.s32 s8, s6  }
0x20: {  	[sflag:s14] =	ssyncset.done @!p0 $0x0;
	s7 =	sshrl.u32 s7, $0x3  }
0x21: {  	s16 =	simm.s32 $0x0;
	[sflag:s14] =	ssyncadd.s32 @!p0 $0xFFFFF000;
	s29 =	sadd.s32 s5, s7  }
0x22: {  	[tilespmem:s19], [sflag:$0x3] =	stream.linear.gather [hbm4b:s29+s16], $0x1000, $0x38;
	[tilespmem:$0x1B200] =	vst v63  }
0x23: {  	_ =	swait.ge [sflag:s20], $0x1000  }
0x24: {  	[sflag:s20] =	ssyncset.done $0x0  }
0x25: {  	s14 =	simm.s32 $0x0;
	[sflag:s20] =	ssyncadd.s32 $0xFFFFF000  }
0x26: {  	v1 =	vld [tilespmem:s14+$0x1A210]  }
0x27: {  	v2 =	vld [tilespmem:s14+$0x1A200]  }
0x28: {  	s16 =	simm.s32 $0x80  }
.LBB2_3:
0x29: {  	p0 =	sne.s32 s16, $0x3F80  }
.Ltmp0:
0x2a: {  	_ = 	snop;
	(pc) =	sbr.rel @p0 .LBB2_3-.Ltmp0, $4  }
0x2b: {  	s18 =	sshra.s32 s16, $0x2;
	v3 =	vmul.f32 $1.000000000e+01, v1  }
0x2c: {  	v1 =	vld [tilespmem:s18+$0x1A210];
	v4 =	vmul.f32 $1.000000000e+01, v2  }
0x2d: {  	v2 =	vld [tilespmem:s18+$0x1A200];
	[tilespmem:s14+$0x18210] =	vst v3  }
0x2e: {  	s16 =	sadd.s32 $0x80, s16;
	[tilespmem:s14+$0x18200] =	vst v4;
	s14 =	smov.u32 s18  }
0x2f: {  	_ =	sdelay $0x1  }
0x30: {  	v1 =	vmul.f32 $1.000000000e+01, v1  }
0x31: {  	v2 =	vmul.f32 $1.000000000e+01, v2  }
0x32: {  	[tilespmem:s14+$0x18210] =	vst v1  }
0x33: {  	s7 =	sadd.s32 s9, s7;
	s29 =	simm.s32 $0x0;
	[tilespmem:s14+$0x18200] =	vst v2  }
0x34: {  	[hbm4b:s7+s29] =	stream.linear.scatter [tilespmem:s21], [sflag:$0x7], $0x1000, $0x38;
	[tilespmem:$0x1B200] =	vst v63  }
0x35: {  	_ =	swait.ge [sflag:s17], $0x1000  }
0x36: {  	[sflag:s17] =	ssyncset.done $0x0  }
0x37: {  	s14 =	simm.s32 $0x0;
	s7 =	simm.s32 $0x80;
	[sflag:s17] =	ssyncadd.s32 $0xFFFFF000  }
.LBB2_5:
0x38: {  	p0 =	sne.s32 s7, $0x3F80;
	[tilespmem:s14+$0x18200] =	vst v0;
	s16 =	smov.u32 s7;
	s7 =	sadd.s32 $0x80, s7  }
.Ltmp1:
0x39: {  	[tilespmem:s14+$0x18210] =	vst v0;
	(pc) =	sbr.rel @p0 .LBB2_5-.Ltmp1, $2  }
0x3a: {  	_ =	sdelay $0x2  }
0x3b: {  	s14 =	sshra.s32 s16, $0x2  }
0x3c: {  	s3 =	sadd.s32 $0x1, s3  }
0x3d: {  	p0 =	sne.s32 s3, $0x5  }
.Ltmp2:
0x3e: {  	_ = 	snop;
	(pc) =	sbr.rel @p0 .LBB2_2-.Ltmp2, $4  }
0x3f: {  	_ = 	snop  }
0x40: {  	[tilespmem:s14+$0x18200] =	vst v0  }
0x41: {  	[tilespmem:s14+$0x18210] =	vst v0;
	s6 =	sadd.s32 s6, s2  }
0x42: {  	[spmem:s6] =	stream.linear.scatter [tilespmem:s21], [sflag:$0x4], $0x1000, $0x38;
	[tilespmem:$0x1B200] =	vst v63  }
0x43: {  	_ =	swait.ge [sflag:s22], $0x1000  }
0x44: {  	[sflag:s22] =	ssyncset.done $0x0  }
0x45: {  	[sflag:s22] =	ssyncadd.s32 $0xFFFFF000  }
0x46: {  	s3 =	simm.s32 $0x0;
	[bflag:$0x0] =	sbarrier.arrive $0xFFFF  }
.LBB2_8:
0x47: {  	s6 =	simm.s32 $0x5000  }
0x48: {  	[tilespmem:s24], [sflag:$0x1] =	stream.indirect.gather [hbm4b:s13+s23], $0x20, s6, s23, $0xb8;
	[tilespmem:$0x1B200] =	vst v63  }
0x49: {  	s25 =	simm.s32 $0x5180  }
0x4a: {  	[tilespmem:s26], [sflag:$0x2] =	stream.indirect.gather [hbm4b:s13+s23], $0x20, s25, s23, $0xb8;
	[tilespmem:$0x1B200] =	vst v63  }
0x4b: {  	_ =	swait.ge [sflag:s28], $0x3000  }
0x4c: {  	[sflag:s28] =	ssyncset.done $0x0  }
0x4d: {  	s29 =	simm.s32 $0xA100;
	[sflag:s28] =	ssyncadd.s32 $0xFFFFD000  }
0x4e: {  	[spmem:s2] =	stream.indirect.scatter.add.f32 [tilespmem:s24], [sflag:$0x4], $0x20, s29, s23, $0xb8;
	[tilespmem:$0x1B200] =	vst v63  }
0x4f: {  	s7 =	simm.s32 $0x5300  }
0x50: {  	[tilespmem:s30], [sflag:$0x3] =	stream.indirect.gather [hbm4b:s13+s23], $0x20, s7, s23, $0xb8;
	[tilespmem:$0x1B200] =	vst v63  }
0x51: {  	_ =	swait.ge [sflag:s31], $0x3000  }
0x52: {  	[sflag:s31] =	ssyncset.done $0x0  }
0x53: {  	[sflag:s31] =	ssyncadd.s32 $0xFFFFD000  }
0x54: {  	[spmem:s2] =	stream.indirect.scatter.add.f32 [tilespmem:s26], [sflag:$0x5], $0x20, s0, s23, $0xb8;
	[tilespmem:$0x1B200] =	vst v63  }
0x55: {  	_ =	swait.ge [sflag:s22], $0x3000  }
0x56: {  	[sflag:s22] =	ssyncset.done $0x0  }
0x57: {  	s14 =	simm.s32 $0x5480;
	[sflag:s22] =	ssyncadd.s32 $0xFFFFD000  }
0x58: {  	[tilespmem:s24], [sflag:$0x1] =	stream.indirect.gather [hbm4b:s13+s23], $0x20, s14, s23, $0xb8;
	[tilespmem:$0x1B200] =	vst v63  }
0x59: {  	_ =	swait.ge [sflag:s20], $0x3000  }
0x5a: {  	[sflag:s20] =	ssyncset.done $0x0  }
0x5b: {  	s16 =	simm.s32 $0xA400;
	[sflag:s20] =	ssyncadd.s32 $0xFFFFD000  }
0x5c: {  	[spmem:s2] =	stream.indirect.scatter.add.f32 [tilespmem:s30], [sflag:$0x6], $0x20, s16, s23, $0xb8;
	[tilespmem:$0x1B200] =	vst v63  }
0x5d: {  	_ =	swait.ge [sflag:s1], $0x3000  }
0x5e: {  	[sflag:s1] =	ssyncset.done $0x0  }
0x5f: {  	s18 =	simm.s32 $0x5600;
	[sflag:s1] =	ssyncadd.s32 $0xFFFFD000  }
0x60: {  	[tilespmem:s26], [sflag:$0x2] =	stream.indirect.gather [hbm4b:s13+s23], $0x20, s18, s23, $0xb8;
	[tilespmem:$0x1B200] =	vst v63  }
0x61: {  	_ =	swait.ge [sflag:s28], $0x3000  }
0x62: {  	[sflag:s28] =	ssyncset.done $0x0  }
0x63: {  	s25 =	simm.s32 $0xA580;
	[sflag:s28] =	ssyncadd.s32 $0xFFFFD000  }
0x64: {  	[spmem:s2] =	stream.indirect.scatter.add.f32 [tilespmem:s24], [sflag:$0x4], $0x20, s25, s23, $0xb8;
	[tilespmem:$0x1B200] =	vst v63  }
0x65: {  	_ =	swait.ge [sflag:s11], $0x3000  }
0x66: {  	[sflag:s11] =	ssyncset.done $0x0  }
0x67: {  	s29 =	simm.s32 $0x5780;
	[sflag:s11] =	ssyncadd.s32 $0xFFFFD000  }
0x68: {  	[tilespmem:s30], [sflag:$0x3] =	stream.indirect.gather [hbm4b:s13+s23], $0x20, s29, s23, $0xb8;
	[tilespmem:$0x1B200] =	vst v63  }
0x69: {  	_ =	swait.ge [sflag:s31], $0x3000  }
0x6a: {  	[sflag:s31] =	ssyncset.done $0x0  }
0x6b: {  	s6 =	simm.s32 $0x1200;
	s7 =	simm.s32 $0xA700;
	[sflag:s31] =	ssyncadd.s32 $0xFFFFD000  }
.LBB2_9:
0x6c: {  	[spmem:s2] =	stream.indirect.scatter.add.f32 [tilespmem:s26], [sflag:$0x5], $0x20, s7, s23, $0xb8;
	[tilespmem:$0x1B200] =	vst v63  }
0x6d: {  	s7 =	smov.u32 s6  }
0x6e: {  	p0 =	sne.s32 s6, $0x12000;
	s6 =	sadd.s32 $0x1200, s6;
	_ =	swait.ge [sflag:s22], $0x3000  }
0x6f: {  	s7 =	sshra.s32 s7, $0x2;
	[sflag:s22] =	ssyncset.done $0x0  }
0x70: {  	s14 =	sadd.s32 $0x5480, s7;
	[sflag:s22] =	ssyncadd.s32 $0xFFFFD000  }
0x71: {  	[tilespmem:s24], [sflag:$0x1] =	stream.indirect.gather [hbm4b:s13+s23], $0x20, s14, s23, $0xb8;
	[tilespmem:$0x1B200] =	vst v63  }
0x72: {  	_ =	swait.ge [sflag:s20], $0x3000  }
0x73: {  	[sflag:s20] =	ssyncset.done $0x0  }
0x74: {  	s14 =	sadd.s32 $0xA400, s7;
	[sflag:s20] =	ssyncadd.s32 $0xFFFFD000  }
0x75: {  	[spmem:s2] =	stream.indirect.scatter.add.f32 [tilespmem:s30], [sflag:$0x6], $0x20, s14, s23, $0xb8;
	[tilespmem:$0x1B200] =	vst v63  }
0x76: {  	_ =	swait.ge [sflag:s1], $0x3000  }
0x77: {  	[sflag:s1] =	ssyncset.done $0x0  }
0x78: {  	s14 =	sadd.s32 $0x5600, s7;
	[sflag:s1] =	ssyncadd.s32 $0xFFFFD000  }
0x79: {  	[tilespmem:s26], [sflag:$0x2] =	stream.indirect.gather [hbm4b:s13+s23], $0x20, s14, s23, $0xb8;
	[tilespmem:$0x1B200] =	vst v63  }
0x7a: {  	_ =	swait.ge [sflag:s28], $0x3000  }
0x7b: {  	[sflag:s28] =	ssyncset.done $0x0  }
0x7c: {  	s14 =	sadd.s32 $0xA580, s7;
	[sflag:s28] =	ssyncadd.s32 $0xFFFFD000  }
0x7d: {  	[spmem:s2] =	stream.indirect.scatter.add.f32 [tilespmem:s24], [sflag:$0x4], $0x20, s14, s23, $0xb8;
	[tilespmem:$0x1B200] =	vst v63  }
0x7e: {  	_ =	swait.ge [sflag:s11], $0x3000  }
0x7f: {  	[sflag:s11] =	ssyncset.done $0x0  }
.Ltmp3:
0x80: {  	s14 =	sadd.s32 $0x5780, s7;
	[sflag:s11] =	ssyncadd.s32 $0xFFFFD000;
	(pc) =	sbr.rel @p0 .LBB2_9-.Ltmp3, $4  }
0x81: {  	[tilespmem:s30], [sflag:$0x3] =	stream.indirect.gather [hbm4b:s13+s23], $0x20, s14, s23, $0xb8;
	[tilespmem:$0x1B200] =	vst v63  }
0x82: {  	_ =	swait.ge [sflag:s31], $0x3000  }
0x83: {  	[sflag:s31] =	ssyncset.done $0x0  }
0x84: {  	s7 =	sadd.s32 $0xA700, s7;
	[sflag:s31] =	ssyncadd.s32 $0xFFFFD000  }
0x85: {  	[spmem:s2] =	stream.indirect.scatter.add.f32 [tilespmem:s26], [sflag:$0x5], $0x20, s7, s23, $0xb8;
	[tilespmem:$0x1B200] =	vst v63  }
0x86: {  	_ =	swait.ge [sflag:s20], $0x3000  }
0x87: {  	[sflag:s20] =	ssyncset.done $0x0  }
0x88: {  	[sflag:s20] =	ssyncadd.s32 $0xFFFFD000  }
0x89: {  	[spmem:s2] =	stream.indirect.scatter.add.f32 [tilespmem:s30], [sflag:$0x6], $0x20, s12, s23, $0xb8;
	[tilespmem:$0x1B200] =	vst v63  }
0x8a: {  	_ =	swait.ge [sflag:s22], $0x3000  }
0x8b: {  	[sflag:s22] =	ssyncset.done $0x0  }
0x8c: {  	[sflag:s22] =	ssyncadd.s32 $0xFFFFD000  }
0x8d: {  	_ =	swait.ge [sflag:s1], $0x3000  }
0x8e: {  	[sflag:s1] =	ssyncset.done $0x0  }
0x8f: {  	[sflag:s1] =	ssyncadd.s32 $0xFFFFD000  }
0x90: {  	_ =	swait.ge [sflag:s11], $0x3000  }
0x91: {  	[sflag:s11] =	ssyncset.done $0x0  }
0x92: {  	[sflag:s11] =	ssyncadd.s32 $0xFFFFD000  }
0x93: {  	s6 =	simm.s32 $0x0;
	s7 =	simm.s32 $0x0;
	[bflag:$0x0] =	sbarrier.arrive $0xFFFF  }
.LBB2_11:
0x94: {  	p0 =	seq.s32 s7, $0x0  }
0x95: {  	s14 =	simm.s32 @!p0 $0x4  }
0x96: {  	s16 =	sshll.u32 s7, $0xC;
	_ =	swait.ge @!p0 [sflag:s14], $0x1000  }
0x97: {  	s16 =	sadd.s32 s10, s16;
	[sflag:s14] =	ssyncset.done @!p0 $0x0  }
0x98: {  	[sflag:s14] =	ssyncadd.s32 @!p0 $0xFFFFF000;
	s14 =	sadd.s32 s16, s2;
	s16 =	sadd.s32 s8, s16  }
0x99: {  	[tilespmem:s21], [sflag:$0x1] =	stream.linear.gather [spmem:s14], $0x1000, $0x38;
	[tilespmem:$0x1B200] =	vst v63  }
0x9a: {  	s16 =	sshrl.u32 s16, $0x3  }
0x9b: {  	s18 =	sadd.s32 s4, s16  }
0x9c: {  	[tilespmem:s15], [sflag:$0x2] =	stream.linear.gather [hbm4b:s18+s6], $0x1000, $0x38;
	[tilespmem:$0x1B200] =	vst v63  }
0x9d: {  	_ =	swait.ge [sflag:s28], $0x1000  }
0x9e: {  	[sflag:s28] =	ssyncset.done $0x0  }
0x9f: {  	[sflag:s28] =	ssyncadd.s32 $0xFFFFF000  }
0xa0: {  	_ =	swait.ge [sflag:s31], $0x1000  }
0xa1: {  	[sflag:s31] =	ssyncset.done $0x0  }
0xa2: {  	s18 =	simm.s32 $0x0;
	[sflag:s31] =	ssyncadd.s32 $0xFFFFF000  }
0xa3: {  	v1 =	vld [tilespmem:s18+$0x19200]  }
0xa4: {  	v2 =	vld [tilespmem:s18+$0x19210]  }
0xa5: {  	s25 =	simm.s32 $0x80;
	v3 =	vld [tilespmem:s18+$0x18200]  }
.LBB2_12:
0xa6: {  	p0 =	sne.s32 s25, $0x3F80;
	v4 =	vld [tilespmem:s18+$0x18210];
	_ =	sdelay $0x2  }
.Ltmp4:
0xa7: {  	(pc) =	sbr.rel @p0 .LBB2_12-.Ltmp4, $4  }
0xa8: {  	s29 =	sshra.s32 s25, $0x2;
	v3 =	vmul.f32 v1, v3  }
0xa9: {  	v1 =	vld [tilespmem:s29+$0x19200];
	v4 =	vmul.f32 v2, v4  }
0xaa: {  	v2 =	vld [tilespmem:s29+$0x19210];
	[tilespmem:s18+$0x18200] =	vst v3  }
0xab: {  	s25 =	sadd.s32 $0x80, s25;
	v3 =	vld [tilespmem:s29+$0x18200];
	[tilespmem:s18+$0x18210] =	vst v4;
	s18 =	smov.u32 s29  }
0xac: {  	v4 =	vld [tilespmem:s18+$0x18210];
	_ =	sdelay $0x3  }
0xad: {  	v1 =	vmul.f32 v1, v3  }
0xae: {  	v2 =	vmul.f32 v2, v4  }
0xaf: {  	[tilespmem:s18+$0x18200] =	vst v1  }
0xb0: {  	s16 =	sadd.s32 s9, s16;
	s29 =	simm.s32 $0x0;
	[tilespmem:s18+$0x18210] =	vst v2  }
0xb1: {  	[hbm4b:s16+s29] =	stream.linear.scatter [tilespmem:s21], [sflag:$0x7], $0x1000, $0x38;
	[tilespmem:$0x1B200] =	vst v63  }
0xb2: {  	_ =	swait.ge [sflag:s17], $0x1000  }
0xb3: {  	[sflag:s17] =	ssyncset.done $0x0  }
0xb4: {  	s18 =	simm.s32 $0x0;
	s16 =	simm.s32 $0x80;
	[sflag:s17] =	ssyncadd.s32 $0xFFFFF000  }
.LBB2_14:
0xb5: {  	p0 =	sne.s32 s16, $0x3F80;
	[tilespmem:s18+$0x18200] =	vst v0;
	s25 =	smov.u32 s16;
	s16 =	sadd.s32 $0x80, s16  }
.Ltmp5:
0xb6: {  	[tilespmem:s18+$0x18210] =	vst v0;
	(pc) =	sbr.rel @p0 .LBB2_14-.Ltmp5, $2  }
0xb7: {  	_ =	sdelay $0x2  }
0xb8: {  	s18 =	sshra.s32 s25, $0x2  }
0xb9: {  	s7 =	sadd.s32 $0x1, s7  }
0xba: {  	p0 =	sne.s32 s7, $0x5  }
.Ltmp6:
0xbb: {  	_ = 	snop;
	(pc) =	sbr.rel @p0 .LBB2_11-.Ltmp6, $4  }
0xbc: {  	_ = 	snop  }
0xbd: {  	[tilespmem:s18+$0x18200] =	vst v0  }
0xbe: {  	[tilespmem:s18+$0x18210] =	vst v0  }
0xbf: {  	[spmem:s14] =	stream.linear.scatter [tilespmem:s21], [sflag:$0x4], $0x1000, $0x38;
	[tilespmem:$0x1B200] =	vst v63  }
0xc0: {  	_ =	swait.ge [sflag:s22], $0x1000  }
0xc1: {  	[sflag:s22] =	ssyncset.done $0x0  }
0xc2: {  	[sflag:s22] =	ssyncadd.s32 $0xFFFFF000  }
0xc3: {  	s6 =	simm.s32 $0x5000;
	[bflag:$0x0] =	sbarrier.arrive $0xFFFF  }
0xc4: {  	[tilespmem:s24], [sflag:$0x1] =	stream.indirect.gather [hbm4b:s13+s23], $0x20, s6, s23, $0xb8;
	[tilespmem:$0x1B200] =	vst v63  }
0xc5: {  	s25 =	simm.s32 $0x5180  }
0xc6: {  	[tilespmem:s26], [sflag:$0x2] =	stream.indirect.gather [hbm4b:s13+s23], $0x20, s25, s23, $0xb8;
	[tilespmem:$0x1B200] =	vst v63  }
0xc7: {  	_ =	swait.ge [sflag:s28], $0x3000  }
0xc8: {  	[sflag:s28] =	ssyncset.done $0x0  }
0xc9: {  	s29 =	simm.s32 $0xA100;
	[sflag:s28] =	ssyncadd.s32 $0xFFFFD000  }
0xca: {  	[spmem:s2] =	stream.indirect.scatter.add.f32 [tilespmem:s24], [sflag:$0x4], $0x20, s29, s23, $0xb8;
	[tilespmem:$0x1B200] =	vst v63  }
0xcb: {  	s7 =	simm.s32 $0x5300  }
0xcc: {  	[tilespmem:s30], [sflag:$0x3] =	stream.indirect.gather [hbm4b:s13+s23], $0x20, s7, s23, $0xb8;
	[tilespmem:$0x1B200] =	vst v63  }
0xcd: {  	_ =	swait.ge [sflag:s31], $0x3000  }
0xce: {  	[sflag:s31] =	ssyncset.done $0x0  }
0xcf: {  	[sflag:s31] =	ssyncadd.s32 $0xFFFFD000  }
0xd0: {  	[spmem:s2] =	stream.indirect.scatter.add.f32 [tilespmem:s26], [sflag:$0x5], $0x20, s0, s23, $0xb8;
	[tilespmem:$0x1B200] =	vst v63  }
0xd1: {  	_ =	swait.ge [sflag:s22], $0x3000  }
0xd2: {  	[sflag:s22] =	ssyncset.done $0x0  }
0xd3: {  	s14 =	simm.s32 $0x5480;
	[sflag:s22] =	ssyncadd.s32 $0xFFFFD000  }
0xd4: {  	[tilespmem:s24], [sflag:$0x1] =	stream.indirect.gather [hbm4b:s13+s23], $0x20, s14, s23, $0xb8;
	[tilespmem:$0x1B200] =	vst v63  }
0xd5: {  	_ =	swait.ge [sflag:s20], $0x3000  }
0xd6: {  	[sflag:s20] =	ssyncset.done $0x0  }
0xd7: {  	s16 =	simm.s32 $0xA400;
	[sflag:s20] =	ssyncadd.s32 $0xFFFFD000  }
0xd8: {  	[spmem:s2] =	stream.indirect.scatter.add.f32 [tilespmem:s30], [sflag:$0x6], $0x20, s16, s23, $0xb8;
	[tilespmem:$0x1B200] =	vst v63  }
0xd9: {  	_ =	swait.ge [sflag:s1], $0x3000  }
0xda: {  	[sflag:s1] =	ssyncset.done $0x0  }
0xdb: {  	s18 =	simm.s32 $0x5600;
	[sflag:s1] =	ssyncadd.s32 $0xFFFFD000  }
0xdc: {  	[tilespmem:s26], [sflag:$0x2] =	stream.indirect.gather [hbm4b:s13+s23], $0x20, s18, s23, $0xb8;
	[tilespmem:$0x1B200] =	vst v63  }
0xdd: {  	_ =	swait.ge [sflag:s28], $0x3000  }
0xde: {  	[sflag:s28] =	ssyncset.done $0x0  }
0xdf: {  	s25 =	simm.s32 $0xA580;
	[sflag:s28] =	ssyncadd.s32 $0xFFFFD000  }
0xe0: {  	[spmem:s2] =	stream.indirect.scatter.add.f32 [tilespmem:s24], [sflag:$0x4], $0x20, s25, s23, $0xb8;
	[tilespmem:$0x1B200] =	vst v63  }
0xe1: {  	_ =	swait.ge [sflag:s11], $0x3000  }
0xe2: {  	[sflag:s11] =	ssyncset.done $0x0  }
0xe3: {  	s29 =	simm.s32 $0x5780;
	[sflag:s11] =	ssyncadd.s32 $0xFFFFD000  }
0xe4: {  	[tilespmem:s30], [sflag:$0x3] =	stream.indirect.gather [hbm4b:s13+s23], $0x20, s29, s23, $0xb8;
	[tilespmem:$0x1B200] =	vst v63  }
0xe5: {  	_ =	swait.ge [sflag:s31], $0x3000  }
0xe6: {  	[sflag:s31] =	ssyncset.done $0x0  }
0xe7: {  	s6 =	simm.s32 $0x1200;
	s7 =	simm.s32 $0xA700;
	[sflag:s31] =	ssyncadd.s32 $0xFFFFD000  }
.LBB2_17:
0xe8: {  	[spmem:s2] =	stream.indirect.scatter.add.f32 [tilespmem:s26], [sflag:$0x5], $0x20, s7, s23, $0xb8;
	[tilespmem:$0x1B200] =	vst v63  }
0xe9: {  	s7 =	smov.u32 s6  }
0xea: {  	p0 =	sne.s32 s6, $0x12000;
	s6 =	sadd.s32 $0x1200, s6;
	_ =	swait.ge [sflag:s22], $0x3000  }
0xeb: {  	s7 =	sshra.s32 s7, $0x2;
	[sflag:s22] =	ssyncset.done $0x0  }
0xec: {  	s14 =	sadd.s32 $0x5480, s7;
	[sflag:s22] =	ssyncadd.s32 $0xFFFFD000  }
0xed: {  	[tilespmem:s24], [sflag:$0x1] =	stream.indirect.gather [hbm4b:s13+s23], $0x20, s14, s23, $0xb8;
	[tilespmem:$0x1B200] =	vst v63  }
0xee: {  	_ =	swait.ge [sflag:s20], $0x3000  }
0xef: {  	[sflag:s20] =	ssyncset.done $0x0  }
0xf0: {  	s14 =	sadd.s32 $0xA400, s7;
	[sflag:s20] =	ssyncadd.s32 $0xFFFFD000  }
0xf1: {  	[spmem:s2] =	stream.indirect.scatter.add.f32 [tilespmem:s30], [sflag:$0x6], $0x20, s14, s23, $0xb8;
	[tilespmem:$0x1B200] =	vst v63  }
0xf2: {  	_ =	swait.ge [sflag:s1], $0x3000  }
0xf3: {  	[sflag:s1] =	ssyncset.done $0x0  }
0xf4: {  	s14 =	sadd.s32 $0x5600, s7;
	[sflag:s1] =	ssyncadd.s32 $0xFFFFD000  }
0xf5: {  	[tilespmem:s26], [sflag:$0x2] =	stream.indirect.gather [hbm4b:s13+s23], $0x20, s14, s23, $0xb8;
	[tilespmem:$0x1B200] =	vst v63  }
0xf6: {  	_ =	swait.ge [sflag:s28], $0x3000  }
0xf7: {  	[sflag:s28] =	ssyncset.done $0x0  }
0xf8: {  	s14 =	sadd.s32 $0xA580, s7;
	[sflag:s28] =	ssyncadd.s32 $0xFFFFD000  }
0xf9: {  	[spmem:s2] =	stream.indirect.scatter.add.f32 [tilespmem:s24], [sflag:$0x4], $0x20, s14, s23, $0xb8;
	[tilespmem:$0x1B200] =	vst v63  }
0xfa: {  	_ =	swait.ge [sflag:s11], $0x3000  }
0xfb: {  	[sflag:s11] =	ssyncset.done $0x0  }
.Ltmp7:
0xfc: {  	s14 =	sadd.s32 $0x5780, s7;
	[sflag:s11] =	ssyncadd.s32 $0xFFFFD000;
	(pc) =	sbr.rel @p0 .LBB2_17-.Ltmp7, $4  }
0xfd: {  	[tilespmem:s30], [sflag:$0x3] =	stream.indirect.gather [hbm4b:s13+s23], $0x20, s14, s23, $0xb8;
	[tilespmem:$0x1B200] =	vst v63  }
0xfe: {  	_ =	swait.ge [sflag:s31], $0x3000  }
0xff: {  	[sflag:s31] =	ssyncset.done $0x0  }
0x100: {  	s7 =	sadd.s32 $0xA700, s7;
	[sflag:s31] =	ssyncadd.s32 $0xFFFFD000  }
0x101: {  	[spmem:s2] =	stream.indirect.scatter.add.f32 [tilespmem:s26], [sflag:$0x5], $0x20, s7, s23, $0xb8;
	[tilespmem:$0x1B200] =	vst v63  }
0x102: {  	_ =	swait.ge [sflag:s20], $0x3000  }
0x103: {  	[sflag:s20] =	ssyncset.done $0x0  }
0x104: {  	[sflag:s20] =	ssyncadd.s32 $0xFFFFD000  }
0x105: {  	[spmem:s2] =	stream.indirect.scatter.add.f32 [tilespmem:s30], [sflag:$0x6], $0x20, s12, s23, $0xb8;
	[tilespmem:$0x1B200] =	vst v63  }
0x106: {  	_ =	swait.ge [sflag:s22], $0x3000  }
0x107: {  	[sflag:s22] =	ssyncset.done $0x0  }
0x108: {  	[sflag:s22] =	ssyncadd.s32 $0xFFFFD000  }
0x109: {  	_ =	swait.ge [sflag:s1], $0x3000  }
0x10a: {  	[sflag:s1] =	ssyncset.done $0x0  }
0x10b: {  	[sflag:s1] =	ssyncadd.s32 $0xFFFFD000  }
0x10c: {  	_ =	swait.ge [sflag:s11], $0x3000  }
0x10d: {  	[sflag:s11] =	ssyncset.done $0x0  }
0x10e: {  	[sflag:s11] =	ssyncadd.s32 $0xFFFFD000  }
0x10f: {  	s6 =	simm.s32 $0x0;
	s7 =	simm.s32 $0x0;
	[bflag:$0x0] =	sbarrier.arrive $0xFFFF  }
.LBB2_19:
0x110: {  	p0 =	seq.s32 s7, $0x0  }
0x111: {  	s14 =	simm.s32 @!p0 $0x4  }
0x112: {  	s16 =	sshll.u32 s7, $0xC;
	_ =	swait.ge @!p0 [sflag:s14], $0x1000  }
0x113: {  	s16 =	sadd.s32 s10, s16;
	[sflag:s14] =	ssyncset.done @!p0 $0x0  }
0x114: {  	[sflag:s14] =	ssyncadd.s32 @!p0 $0xFFFFF000;
	s14 =	sadd.s32 s16, s2;
	s16 =	sadd.s32 s8, s16  }
0x115: {  	[tilespmem:s21], [sflag:$0x1] =	stream.linear.gather [spmem:s14], $0x1000, $0x38;
	[tilespmem:$0x1B200] =	vst v63  }
0x116: {  	s25 =	sshrl.u32 s16, $0x3  }
0x117: {  	s16 =	sadd.s32 s4, s25  }
0x118: {  	[tilespmem:s15], [sflag:$0x2] =	stream.linear.gather [hbm4b:s16+s6], $0x1000, $0x38;
	[tilespmem:$0x1B200] =	vst v63  }
0x119: {  	s29 =	sadd.s32 s5, s25  }
0x11a: {  	[tilespmem:s19], [sflag:$0x3] =	stream.linear.gather [hbm4b:s29+s6], $0x1000, $0x38;
	[tilespmem:$0x1B200] =	vst v63  }
0x11b: {  	_ =	swait.ge [sflag:s28], $0x1000  }
0x11c: {  	[sflag:s28] =	ssyncset.done $0x0  }
0x11d: {  	[sflag:s28] =	ssyncadd.s32 $0xFFFFF000  }
0x11e: {  	_ =	swait.ge [sflag:s31], $0x1000  }
0x11f: {  	[sflag:s31] =	ssyncset.done $0x0  }
0x120: {  	[sflag:s31] =	ssyncadd.s32 $0xFFFFF000  }
0x121: {  	_ =	swait.ge [sflag:s20], $0x1000  }
0x122: {  	[sflag:s20] =	ssyncset.done $0x0  }
0x123: {  	s16 =	simm.s32 $0x0;
	[sflag:s20] =	ssyncadd.s32 $0xFFFFF000  }
0x124: {  	v2 =	vld [tilespmem:s16+$0x19200]  }
0x125: {  	v1 =	vld [tilespmem:s16+$0x19210]  }
0x126: {  	s18 =	simm.s32 $0x80;
	v3 =	vld [tilespmem:s16+$0x18200]  }
.LBB2_20:
0x127: {  	p0 =	sne.s32 s18, $0x3F80;
	v4 =	vld [tilespmem:s16+$0x18210];
	_ =	sdelay $0x2  }
0x128: {  	v5 =	vld [tilespmem:s16+$0x1A200]  }
0x129: {  	v2 =	vmul.f32 v2, v3;
	v3 =	vld [tilespmem:s16+$0x1A210]  }
0x12a: {  	v1 =	vmul.f32 v1, v4  }
0x12b: {  	v2 =	vmul.f32 $8.999999760e-01, v2  }
.Ltmp8:
0x12c: {  	v1 =	vmul.f32 $8.999999760e-01, v1;
	(pc) =	sbr.rel @p0 .LBB2_20-.Ltmp8, $4  }
0x12d: {  	s29 =	sshra.s32 s18, $0x2;
	v4 =	vadd.f32 v2, v5  }
0x12e: {  	v2 =	vld [tilespmem:s29+$0x19200];
	v5 =	vadd.f32 v1, v3  }
0x12f: {  	v1 =	vld [tilespmem:s29+$0x19210];
	[tilespmem:s16+$0x18200] =	vst v4  }
0x130: {  	s18 =	sadd.s32 $0x80, s18;
	v3 =	vld [tilespmem:s29+$0x18200];
	[tilespmem:s16+$0x18210] =	vst v5;
	s16 =	smov.u32 s29  }
0x131: {  	v4 =	vld [tilespmem:s16+$0x18210];
	_ =	sdelay $0x2  }
0x132: {  	v5 =	vld [tilespmem:s16+$0x1A200]  }
0x133: {  	v2 =	vmul.f32 v2, v3;
	v3 =	vld [tilespmem:s16+$0x1A210]  }
0x134: {  	v1 =	vmul.f32 v1, v4  }
0x135: {  	v2 =	vmul.f32 $8.999999760e-01, v2  }
0x136: {  	v1 =	vmul.f32 $8.999999760e-01, v1  }
0x137: {  	v2 =	vadd.f32 v2, v5  }
0x138: {  	v1 =	vadd.f32 v1, v3  }
0x139: {  	[tilespmem:s16+$0x18200] =	vst v2  }
0x13a: {  	s29 =	sadd.s32 s9, s25;
	s18 =	simm.s32 $0x0;
	[tilespmem:s16+$0x18210] =	vst v1  }
0x13b: {  	[hbm4b:s29+s18] =	stream.linear.scatter [tilespmem:s21], [sflag:$0x7], $0x1000, $0x38;
	[tilespmem:$0x1B200] =	vst v63  }
0x13c: {  	_ =	swait.ge [sflag:s17], $0x1000  }
0x13d: {  	[sflag:s17] =	ssyncset.done $0x0  }
0x13e: {  	s16 =	simm.s32 $0x80;
	s18 =	simm.s32 $0x0;
	[sflag:s17] =	ssyncadd.s32 $0xFFFFF000  }
.LBB2_22:
0x13f: {  	p0 =	sne.s32 s16, $0x3F80;
	[tilespmem:s18+$0x18200] =	vst v0;
	s25 =	smov.u32 s16;
	s16 =	sadd.s32 $0x80, s16  }
.Ltmp9:
0x140: {  	[tilespmem:s18+$0x18210] =	vst v0;
	(pc) =	sbr.rel @p0 .LBB2_22-.Ltmp9, $2  }
0x141: {  	_ =	sdelay $0x2  }
0x142: {  	s18 =	sshra.s32 s25, $0x2  }
0x143: {  	s7 =	sadd.s32 $0x1, s7  }
0x144: {  	p0 =	sne.s32 s7, $0x5  }
.Ltmp10:
0x145: {  	_ = 	snop;
	(pc) =	sbr.rel @p0 .LBB2_19-.Ltmp10, $4  }
0x146: {  	_ = 	snop  }
0x147: {  	[tilespmem:s18+$0x18200] =	vst v0  }
0x148: {  	[tilespmem:s18+$0x18210] =	vst v0  }
0x149: {  	[spmem:s14] =	stream.linear.scatter [tilespmem:s21], [sflag:$0x4], $0x1000, $0x38;
	[tilespmem:$0x1B200] =	vst v63  }
0x14a: {  	s3 =	sadd.s32 $0x1, s3  }
0x14b: {  	p0 =	sne.s32 s3, $0x32  }
.Ltmp11:
0x14c: {  	_ =	swait.ge [sflag:s22], $0x1000;
	(pc) =	sbr.rel @p0 .LBB2_8-.Ltmp11, $4  }
0x14d: {  	[sflag:s22] =	ssyncset.done $0x0  }
0x14e: {  	[sflag:s22] =	ssyncadd.s32 $0xFFFFF000  }
0x14f: {  	[bflag:$0x0] =	sbarrier.arrive $0xFFFF  }
0x150: {  	s6 =	simm.s32 $0x0  }
0x151: {  	s3 =	simm.s32 $0x0;
	s25 =	simm.s32 $0x0;
	s29 =	rddreg [dreg:$0x4]  }
.LBB2_26:
0x152: {  	s7 =	sshll.u32 s3, $0xC;
	s14 =	rddreg [dreg:$0x8]  }
0x153: {  	s7 =	sadd.s32 s7, s14  }
0x154: {  	s7 =	sshrl.u32 s7, $0x3  }
0x155: {  	s16 =	sadd.s32 s9, s7  }
0x156: {  	[tilespmem:s21], [sflag:$0x7] =	stream.linear.gather [hbm4b:s16+s6], $0x1000, $0x38;
	[tilespmem:$0x1B200] =	vst v63  }
0x157: {  	_ =	swait.ge [sflag:s17], $0x1000  }
0x158: {  	[sflag:s17] =	ssyncset.done $0x0  }
0x159: {  	s18 =	sadd.s32 s29, s7;
	[sflag:s17] =	ssyncadd.s32 $0xFFFFF000  }
0x15a: {  	[tilespmem:s15], [sflag:$0x7] =	stream.linear.gather [hbm4b:s18+s6], $0x1000, $0x38;
	[tilespmem:$0x1B200] =	vst v63  }
0x15b: {  	_ =	swait.ge [sflag:s17], $0x1000  }
0x15c: {  	[sflag:s17] =	ssyncset.done $0x0  }
0x15d: {  	s14 =	simm.s32 $0x0;
	[sflag:s17] =	ssyncadd.s32 $0xFFFFF000  }
0x15e: {  	v1 =	vld [tilespmem:s14+$0x19200]  }
0x15f: {  	v2 =	vld [tilespmem:s14+$0x19210]  }
0x160: {  	s16 =	simm.s32 $0x80;
	v3 =	vld [tilespmem:s14+$0x18200]  }
.LBB2_27:
0x161: {  	p0 =	sne.s32 s16, $0x3F80;
	v4 =	vld [tilespmem:s14+$0x18210];
	_ =	sdelay $0x2  }
.Ltmp12:
0x162: {  	(pc) =	sbr.rel @p0 .LBB2_27-.Ltmp12, $4  }
0x163: {  	s18 =	sshra.s32 s16, $0x2;
	v3 =	vmul.f32 v1, v3  }
0x164: {  	v1 =	vld [tilespmem:s18+$0x19200];
	v4 =	vmul.f32 v2, v4  }
0x165: {  	v2 =	vld [tilespmem:s18+$0x19210];
	[tilespmem:s14+$0x18200] =	vst v3  }
0x166: {  	s16 =	sadd.s32 $0x80, s16;
	v3 =	vld [tilespmem:s18+$0x18200];
	[tilespmem:s14+$0x18210] =	vst v4;
	s14 =	smov.u32 s18  }
0x167: {  	v4 =	vld [tilespmem:s14+$0x18210];
	_ =	sdelay $0x3  }
0x168: {  	v1 =	vmul.f32 v1, v3  }
0x169: {  	s3 =	sadd.s32 $0x1, s3;
	v2 =	vmul.f32 v2, v4  }
0x16a: {  	s18 =	rddreg [dreg:$0x5];
	p0 =	sne.s32 s3, $0x5;
	[tilespmem:s14+$0x18200] =	vst v1  }
.Ltmp13:
0x16b: {  	s7 =	sadd.s32 s18, s7;
	[tilespmem:s14+$0x18210] =	vst v2;
	(pc) =	sbr.rel @p0 .LBB2_26-.Ltmp13, $4  }
0x16c: {  	[hbm4b:s7+s25] =	stream.linear.scatter [tilespmem:s21], [sflag:$0x7], $0x1000, $0x38;
	[tilespmem:$0x1B200] =	vst v63  }
0x16d: {  	_ =	swait.ge [sflag:s17], $0x1000  }
0x16e: {  	[sflag:s17] =	ssyncset.done $0x0  }
0x16f: {  	[sflag:s17] =	ssyncadd.s32 $0xFFFFF000  }
0x170: {  	s6 =	rddreg [dreg:$0xa]  }
0x171: {  	s3 =	rddreg [dreg:$0x9];
	s6 =	sadd.s32 $0x1, s6  }
0x172: {  	p0 =	sne.s32 s6, s3  }
.Ltmp14:
0x173: {  	_ = 	snop;
	(pc) =	sbr.rel @p0 .LBB2_1-.Ltmp14, $1  }
0x174: {  	_ =	sdelay $0x3  }
0x175: {  	_ =	sfence.sel $0x180000  }
0x176: {  	[bflag:$0x0] =	sbarrier.arrive $0xFFFF  }
0x177: {  	_ =	strace $0x9000004D  }
0x178: {  	s0 =	stileid.u32;
	[bflag:$0x2] =	sbarrier.arrive $0xFFFF  }
0x179: {  	p0 =	sne.s32 s0, $0x0;
	s0 =	rddreg [dreg:$0x3]  }
0x17a: {  	s0 =	sadd.s32 @!p0 $0x100000, s0  }
0x17b: {  	[sflag:s0] =	ssyncadd.tile.s32 @!p0 $0x1;
	_ =	shalt  }
.Lfunc_end2:
_tile_overlayer_lowered:
.L_overlay_start_2:
0x17c: {  	(tag) =	ssettag $0x2  }
0x17d: {  	s0 =	rddreg [dreg:$0x0];
	s2 =	stileid.u32  }
0x17e: {  	s1 =	rddreg [dreg:$0x1];
	p0 =	sne.s32 s2, $0x0  }
0x17f: {  	s3 =	rddreg [dreg:$0x2];
	[bflag:$0x3] =	sbarrier.arrive $0xFFFF;
	s2 =	simm.s32 @!p0 $0x1C07  }
0x180: {  	[timem:s3], [sflag:s2] =	dma.local @!p0 [hbm:s0], s1  }
0x181: {  	s0 =	simm.s32 @!p0 $0x7  }
0x182: {  	_ =	swait.ge @!p0 [sflag:s0], s1  }
0x183: {  	s1 =	ssub.s32 @!p0 $0x0, s1;
	[sflag:s0] =	ssyncset.done @!p0 $0x0  }
0x184: {  	[sflag:s0] =	ssyncadd.s32 @!p0 s1  }
0x185: {  	[bflag:$0x3] =	sbarrier.arrive $0xFFFF  }
0x186: {  	_ =	shalt  }

// kernel: scatter_offload_async_start
scs
__scs_entry_jumppad:
0x0: {  	(pc) =	sbr.rel $0x88, $3  }
0x1: {  	(tag) =	ssettag $0x0;
	lr =	simm.s32 $0x1  }
0x2: {  	[smem:$0x3F9E] =	sst lr;
	_ =	strace $0xD0000000  }
0x3: {  	_ = 	snop  }
0x4: {  	_ = 	snop  }
0x5: {  	_ = 	snop  }
0x6: {  	_ = 	snop  }
0x7: {  	_ = 	snop  }
__scs_overlays_trampoline_lowered:
0x8: {  	[smem:$0x3FAD] =	sst s0  }
0x9: {  	[smem:$0x3FAE] =	sst s1  }
0xa: {  	[smem:$0x3FAF] =	sst s2  }
0xb: {  	[smem:$0x3FB0] =	sst s3  }
0xc: {  	[smem:$0x3FB1] =	sst s4  }
0xd: {  	[smem:$0x3FB2] =	sst s5  }
0xe: {  	[smem:$0x3FB3] =	sst s6  }
0xf: {  	[smem:$0x3FB4] =	sst s7  }
0x10: {  	[smem:$0x3FB5] =	sst s8  }
0x11: {  	[smem:$0x3FB6] =	sst s9;
	s0 =	simm.s32 @!p0 $0x0  }
0x12: {  	s1 =	sld [smem:$0x3F9C];
	s0 =	simm.s32 @p0 $0x1  }
0x13: {  	[smem:$0x3FB7] =	sst s0;
	s0 =	simm.s32 @!p1 $0x0  }
0x14: {  	s2 =	sld [smem:$0x3F9B];
	s0 =	simm.s32 @p1 $0x1  }
0x15: {  	[smem:$0x3FB8] =	sst s0;
	s0 =	simm.s32 @!p2 $0x0  }
0x16: {  	s3 =	sld [smem:$0x3FDB];
	s0 =	simm.s32 @p2 $0x1  }
0x17: {  	s4 =	simm.s32 $0x1BF5;
	[smem:$0x3FBA] =	sst s0  }
0x18: {  	s0 =	sld [smem:$0x3F9D];
	_ =	swait.ge [sflag:s4], $0x0  }
0x19: {  	s7 =	sld [smem:$0x3F9E]  }
0x1a: {  	s8 =	sadd.s32 $0xFFFFE003, lr  }
0x1b: {  	s9 =	sadd.s32 $0xFFFFFEF7, lr;
	s5 =	simm.s32 $0xFFFFFFFF;
	p2 =	slt.u32 s8, $0xFFFFF086  }
0x1c: {  	p1 =	slt.u32 s9, $0xF7A;
	s5 =	simm.s32 @!p2 $0x0  }
0x1d: {  	s5 =	simm.s32 @p1 $0x1;
	p0 =	seq.s32 s7, s2  }
0x1e: {  	s7 =	smul.u32 @!p0 $0xF7A, s2;
	p2 =	seq.s32 @!p0 s5, $0x0  }
0x1f: {  	s9 =	smul.u32 $0xF7A, s1;
	s8 =	simm.s32 @!p0 $0x1BF5;
	p2 =	por !p2, p0  }
0x20: {  	[sflag:s8] =	ssyncset.s32 @!p0 $0xFFFFF086;
	s6 =	sadd.s32 @!p0 s3, s7;
	s7 =	simm.s32 @!p0 $0x108  }
0x21: {  	s3 =	sadd.s32 s3, s9;
	s6 =	sadd.s32 @!p0 $0x88, s6;
	s7 =	simm.s32 @p2 $0x1082  }
0x22: {  	[simem:s7], [sflag:s8] =	dma.local @!p0 [hbm:s6], $0xF7A  }
0x23: {  	s9 =	sor.u32 $0xD0000000, s2;
	s6 =	simm.s32 $0x108;
	_ =	swait.ge @!p0 [sflag:s8], $0x0  }
0x24: {  	s3 =	sadd.s32 $0x88, s3;
	s6 =	simm.s32 @!p1 $0x1082;
	[sflag:s4] =	ssyncset.s32 $0xFFFFF086  }
0x25: {  	[simem:s6], [sflag:s4] =	dma.local [hbm:s3], $0xF7A  }
0x26: {  	[smem:$0x3F9E] =	sst s1;
	(tag) =	ssettag s2;
	_ =	strace s9  }
0x27: {  	s1 =	sld [smem:$0x3FAE]  }
0x28: {  	s2 =	sld [smem:$0x3FAF]  }
0x29: {  	s4 =	sld [smem:$0x3FB1]  }
0x2a: {  	p0 =	seq.s32 s5, $0x0;
	s5 =	sld [smem:$0x3FB2]  }
0x2b: {  	s6 =	sld [smem:$0x3FB3]  }
0x2c: {  	s7 =	sld [smem:$0x3FB4]  }
0x2d: {  	s3 =	simm.s32 $0x108;
	s8 =	sld [smem:$0x3FB5]  }
0x2e: {  	s3 =	simm.s32 @!p0 $0x1082;
	s9 =	sld [smem:$0x3FB6]  }
0x2f: {  	lr =	sadd.s32 s0, s3;
	s0 =	sld [smem:$0x3FAD]  }
0x30: {  	s3 =	sld [smem:$0x3FB0]  }
0x31: {  	[smem:$0x3FB9] =	sst s10  }
0x32: {  	s10 =	sld [smem:$0x3FB7];
	_ =	sdelay $0x3  }
0x33: {  	p0 =	seq.s32 s10, $0x1;
	s10 =	sld [smem:$0x3FB9];
	_ =	sdelay $0x3  }
0x34: {  	[smem:$0x3FB9] =	sst s10  }
0x35: {  	s10 =	sld [smem:$0x3FB8];
	_ =	sdelay $0x3  }
0x36: {  	p1 =	seq.s32 s10, $0x1;
	s10 =	sld [smem:$0x3FB9];
	_ =	sdelay $0x3  }
0x37: {  	[smem:$0x3FB9] =	sst s10  }
0x38: {  	s10 =	sld [smem:$0x3FBA]  }
0x39: {  	_ = 	snop;
	(pc) =	sbr.ind lr, $3  }
0x3a: {  	_ = 	snop  }
0x3b: {  	_ = 	snop  }
0x3c: {  	p2 =	seq.s32 s10, $0x1;
	s10 =	sld [smem:$0x3FB9]  }
0x3d: {  	_ =	shalt  }
0x3e: {  	_ =	shalt  }
0x3f: {  	_ =	shalt  }
0x40: {  	_ =	shalt  }
0x41: {  	_ =	shalt  }
0x42: {  	_ =	shalt  }
0x43: {  	_ =	shalt  }
0x44: {  	_ =	shalt  }
0x45: {  	_ =	shalt  }
0x46: {  	_ =	shalt  }
0x47: {  	_ =	shalt  }
0x48: {  	_ =	shalt  }
0x49: {  	_ =	shalt  }
0x4a: {  	_ =	shalt  }
0x4b: {  	_ =	shalt  }
0x4c: {  	_ =	shalt  }
0x4d: {  	_ =	shalt  }
0x4e: {  	_ =	shalt  }
0x4f: {  	_ =	shalt  }
0x50: {  	_ =	shalt  }
0x51: {  	_ =	shalt  }
0x52: {  	_ =	shalt  }
0x53: {  	_ =	shalt  }
0x54: {  	_ =	shalt  }
0x55: {  	_ =	shalt  }
0x56: {  	_ =	shalt  }
0x57: {  	_ =	shalt  }
0x58: {  	_ =	shalt  }
0x59: {  	_ =	shalt  }
0x5a: {  	_ =	shalt  }
0x5b: {  	_ =	shalt  }
0x5c: {  	_ =	shalt  }
0x5d: {  	_ =	shalt  }
0x5e: {  	_ =	shalt  }
0x5f: {  	_ =	shalt  }
0x60: {  	_ =	shalt  }
0x61: {  	_ =	shalt  }
0x62: {  	_ =	shalt  }
0x63: {  	_ =	shalt  }
0x64: {  	_ =	shalt  }
0x65: {  	_ =	shalt  }
0x66: {  	_ =	shalt  }
0x67: {  	_ =	shalt  }
0x68: {  	_ =	shalt  }
0x69: {  	_ =	shalt  }
0x6a: {  	_ =	shalt  }
0x6b: {  	_ =	shalt  }
0x6c: {  	_ =	shalt  }
0x6d: {  	_ =	shalt  }
0x6e: {  	_ =	shalt  }
0x6f: {  	_ =	shalt  }
0x70: {  	_ =	shalt  }
0x71: {  	_ =	shalt  }
0x72: {  	_ =	shalt  }
0x73: {  	_ =	shalt  }
0x74: {  	_ =	shalt  }
0x75: {  	_ =	shalt  }
0x76: {  	_ =	shalt  }
0x77: {  	_ =	shalt  }
0x78: {  	_ =	shalt  }
0x79: {  	_ =	shalt  }
0x7a: {  	_ =	shalt  }
0x7b: {  	_ =	shalt  }
0x7c: {  	_ =	shalt  }
0x7d: {  	_ =	shalt  }
0x7e: {  	_ =	shalt  }
0x7f: {  	_ =	shalt  }
0x80: {  	_ =	shalt  }
0x81: {  	_ =	shalt  }
0x82: {  	_ =	shalt  }
0x83: {  	_ =	shalt  }
0x84: {  	_ =	shalt  }
0x85: {  	_ =	shalt  }
0x86: {  	_ =	shalt  }
0x87: {  	_ =	shalt  }
.Lfunc_end0:
.L_simem_size_0:
called_computation_lowered:
.L_overlay_start_0:
0x88: {  	s0 =	sld [smem:$0x3FD9]  }
0x89: {  	s1 =	sld [smem:$0x3FFE];
	_ =	sdelay $0x3  }
0x8a: {  	s0 =	sadd.s32 s1, s0  }
0x8b: {  	[smem:$0x3FC5] =	sst s0  }
0x8c: {  	_ = 	snop  }
0x8d: {  	(tm) =	ssettm $0x1  }
0x8e: {  	s15 =	sld [smem:$0x3FFB];
	_ =	sdelay $0x3  }
0x8f: {  	_ =	strace s15  }
0x90: {  	s0 =	sld [smem:$0x3FFC];
	_ =	sdelay $0x3  }
0x91: {  	_ =	strace s0  }
0x92: {  	s0 =	sld [smem:$0x3FFD];
	_ =	sdelay $0x3  }
0x93: {  	_ =	strace s0  }
0x94: {  	_ =	strace $0x8FFFFFFF  }
0x95: {  	s16 =	sld [smem:$0x3FDB];
	_ =	sdelay $0x1  }
0x96: {  	s17 =	simm.s32 $_scs_section_size  }
0x97: {  	s2 =	simm.s32 $_size__tile_overlayer_lowered;
	s3 =	simm.s32 $_tile_overlayer_lowered  }
0x98: {  	s20 =	simm.s32 $0x1BFF;
	s19 =	sshll.u32 s3, $0x1;
	s0 =	sadd.s32 s17, s16  }
0x99: {  	s4 =	simm.s32 $0x0;
	s18 =	sshll.u32 s2, $0x1;
	s2 =	sadd.s32 s19, s0  }
0x9a: {  	[timem:s4], [sflag:s20] =	dma.local [hbm:s2], s18  }
0x9b: {  	_ =	swait.ge [sflag:s20], s18  }
0x9c: {  	s1 =	ssub.s32 $0x0, s18;
	[sflag:s20] =	ssyncset.done $0x0  }
0x9d: {  	[sflag:s20] =	ssyncadd.s32 s1;
	_ =	sdelay $0x1  }
0x9e: {  	s21 =	simm.s32 $0x1B8B  }
0x9f: {  	_ =	swait.ge [sflag:s21], $0x1  }
0xa0: {  	[sflag:s21] =	ssyncset.done $0x0  }
0xa1: {  	s23 =	simm.s32 $0x1B8E;
	s22 =	sld [smem:$0x3FFE];
	[sflag:s21] =	ssyncadd.s32 $0xFFFFFFFF  }
0xa2: {  	s24 =	simm.s32 $execute0_lowered;
	[smem:$0x3FD2] =	sst s23  }
0xa3: {  	s2 =	sshll.u32 s24, $0x1;
	_ =	strace $0x80000046;
	[dreg:$0x1] =	wrdreg $0xFFFFFFFF  }
0xa4: {  	s25 =	simm.s32 $_size_execute0_lowered;
	s0 =	sadd.s32 s0, s2;
	[dreg:$0x0] =	wrdreg $0x0  }
0xa5: {  	s2 =	sshll.u32 s25, $0x1;
	[dreg:$0x2] =	wrdreg s0  }
0xa6: {  	[dreg:$0x3] =	wrdreg s2  }
0xa7: {  	[dreg:$0x4] =	wrdreg $0xC0  }
0xa8: {  	_ =	task [dreg:s4], $0x5FFFF  }
0xa9: {  	[dreg:$0x1] =	wrdreg $0xFFFFFFFF  }
0xaa: {  	[dreg:$0x0] =	wrdreg $0x60  }
0xab: {  	[dreg:$0x2] =	wrdreg s22  }
0xac: {  	[dreg:$0x3] =	wrdreg $0x9  }
0xad: {  	_ =	task.clear_ibuf [dreg:s4], $0x4FFFF;
	_ =	strace $0x90000046  }
0xae: {  	s26 =	simm.s32 $0x9;
	_ =	strace $0x80000048  }
0xaf: {  	_ =	swait.ge [sflag:s26], $0x1  }
0xb0: {  	[sflag:s26] =	ssyncadd.s32 $0xFFFFFFFF  }
0xb1: {  	_ =	strace $0x90000048  }
0xb2: {  	_ =	sfence  }
0xb3: {  	s28 =	sld [smem:$0x0];
	_ =	sdelay $0x1  }
0xb4: {  	s29 =	srdreg.scid  }
0xb5: {  	s30 =	sshll.u32 s29, $0xD;
	s31 =	sshrl.u32 s29, $0x2  }
0xb6: {  	s1 =	sand.u32 $0x1, s29;
	s2 =	sand.u32 $0x4000, s30;
	s0 =	sadd.s32 s31, s28  }
0xb7: {  	s1 =	sor.u32 s2, s1;
	s0 =	sshll.u32 s0, $0x11  }
0xb8: {  	s0 =	sor.u32 s0, s1  }
0xb9: {  	s0 =	sadd.s32 $0x8F2B, s0  }
0xba: {  	[sflag:s0] =	ssyncadd.remote.s32 $0x1  }
0xbb: {  	_ =	sfence.sel $0xFFFF  }
0xbc: {  	[dreg:$0x0] =	wrdreg $0xFFFFFFFF;
	(pc) =	sbr.abs _section_cstart, $3  }
0xbd: {  	[dreg:$0x1] =	wrdreg $0xFFFFFFFF  }
0xbe: {  	_ =	task.clear_ibuf [dreg:s4], $0x2FFFF;
	_ =	strace $0x9FFFFFFF  }
0xbf: {  	(tm) =	ssettm $0x7FFFFFFF  }
tec
execute0_lowered:
.L_overlay_start_1:
0x0: {  	(tag) =	ssettag $0x1  }
0x1: {  	s0 =	rddreg [dreg:$0x0]  }
0x2: {  	s6 =	stileid.u32;
	_ =	strace $0x80000047;
	s2 =	simm.s32 $0x1  }
0x3: {  	v1 =	vimm.s32 $0xFFFFFFFF;
	s1 =	smul.u32 $0x3, s6;
	[sflag:s2] =	ssyncpa.u1 $0x0  }
0x4: {  	s3 =	smin.u32 s6, $0x7;
	[tilespmem:$0x10] =	vst v1  }
0x5: {  	v0 =	vimm.f32 $0.0e+00;
	[tilespmem:$0x20] =	vst v1;
	s1 =	sadd.s32 s3, s1  }
0x6: {  	p0 =	slt.u32 s6, $0x7;
	[tilespmem:$0x30] =	vst v0;
	s3 =	smul.u32 $0x1770, s1;
	s1 =	simm.s32 $0x5DC0  }
0x7: {  	[tilespmem:$0x40] =	vst v0;
	s1 =	simm.s32 @!p0 $0x4650  }
0x8: {  	[tilespmem:$0x50] =	vst v0;
	s1 =	sadd.s32 s1, s3  }
0x9: {  	[tilespmem:$0x60] =	vst v1;
	s4 =	smin.u32 s1, $0x50910  }
0xa: {  	s7 =	simm.s32 $0x2;
	[tilespmem:$0x70] =	vst v1;
	s9 =	ssub.s32 s4, s3  }
0xb: {  	s8 =	simm.s32 $0x8;
	s31 =	simm.s32 $0x9;
	[tilespmem:$0x80] =	vst v1;
	p0 =	sgt.s32 s9, $0x0  }
0xc: {  	s16 =	simm.s32 $0x0;
	s17 =	simm.s32 $0xF0;
	v1 =	vimm.s32 $0x0;
	[tilespmem:$0xB0] =	vst v0;
	s9 =	simm.s32 @!p0 $0x0  }
0xd: {  	s18 =	simm.s32 $0xFFFFFFFF;
	s19 =	simm.s32 $0xFFFFD220;
	[tilespmem:$0x90] =	vst v1;
	s5 =	smulhi.u32 $0x57619F1, s9  }
0xe: {  	s20 =	simm.s32 $0xFFFFFFFE;
	[tilespmem:$0xA0] =	vst v1;
	[sflag:s7] =	ssyncpa.u1 $0x0;
	s7 =	simm.s32 $0x7  }
0xf: {  	s21 =	simm.s32 $0xF;
	[sflag:s7] =	ssyncpa.u1 $0x0;
	s10 =	sshrl.u32 s5, $0x7  }
0x10: {  	s25 =	simm.s32 $0x0;
	[sflag:s8] =	ssyncpa.u1 $0x0;
	s11 =	smul.u32 $0x1770, s10  }
0x11: {  	s24 =	simm.s32 $0x0;
	s14 =	sshllo.u32 s6, $0x1;
	[sflag:s31] =	ssyncpa.u1 $0x0  }
.Ltmp0:
0x12: {  	s1 =	sadd.s32 $0x1EE00, s0;
	p0 =	sne.s32 s9, s11;
	(pc) =	sbr.rel .LBB2_1-.Ltmp0, $4  }
0x13: {  	s5 =	sadd.s32 $0xAA00, s0;
	s0 =	sadd.s32 $0x14C00, s0;
	s2 =	simm.s32 @!p0 $0x0  }
0x14: {  	s23 =	smov.u32 s3;
	[dreg:$0x2] =	wrdreg s0;
	s9 =	sadd.s32 s2, s10  }
0x15: {  	vm0 =	vmmov $0xffff;
	v2 =	vlaneseq.u32;
	p0 =	por $0x0, $0x0;
	s10 =	sshll.u32 s6, $0x1;
	s11 =	sadd.s32 $0x1, s9  }
0x16: {  	vm1 =	vmxor vm1, vm1;
	vm2 =	vmmov $0x1;
	vm3 =	vcmask $0x3F3C;
	s12 =	sadd.s32 $0x2, s9;
	s13 =	sor.u32 $0x81, s10;
	s15 =	sor.u32 $0x80, s10  }
.LBB2_9:
0x17: {  	p1 =	slt.u32 s24, $0x3  }
0x18: {  	s0 =	simm.s32 @!p1 $0x2  }
0x19: {  	_ =	swait.ge @!p1 [sflag:s0], $0x1770  }
0x1a: {  	[sflag:s0] =	ssyncset.done @!p1 $0x0  }
0x1b: {  	[sflag:s0] =	ssyncadd.s32 @!p1 $0xFFFFE890;
	s0 =	simm.s32 @!p1 $0x9  }
0x1c: {  	_ =	swait.ge @!p1 [sflag:s0], $0x10  }
0x1d: {  	[sflag:s0] =	ssyncset.done @!p1 $0x0  }
0x1e: {  	[sflag:s0] =	ssyncadd.s32 @!p1 $0xFFFFFFF0;
	p1 =	sne.s32 s24, s12  }
.Ltmp1:
0x1f: {  	s2 =	sadd.s32 $0x1770, s23;
	(pc) =	sbr.rel @!p1 .LBB2_10-.Ltmp1, $4  }
0x20: {  	s6 =	smov.u32 s3;
	s31 =	sadd.s32 $0x1, s24;
	s17 =	sadd.s32 $0x1770, s17  }
0x21: {  	s18 =	sadd.s32 $0x1, s18;
	s25 =	smov.u32 s23;
	p2 =	slt.s32 s2, s4  }
0x22: {  	p0 =	por !p0, !p0;
	s19 =	sadd.s32 $0x1770, s19;
	s6 =	smov.u32 @p2 s2  }
0x23: {  	s20 =	sadd.s32 $0x1, s20;
	s23 =	smov.u32 s6;
	s24 =	smov.u32 s31  }
.LBB2_1:
0x24: {  	p1 =	sge.u32 s24, s9  }
0x25: {  	s0 =	smulhi.u32 @!p1 $0xAAAAAAAB, s24;
	_ =	sdelay $0x1  }
0x26: {  	s0 =	sshrl.u32 @!p1 s0, $0x1  }
0x27: {  	s0 =	smul.u32 @!p1 $0x3, s0;
	_ =	sdelay $0x1  }
0x28: {  	s0 =	ssub.s32 @!p1 s24, s0  }
0x29: {  	s0 =	smul.u32 @!p1 $0x5DC0, s0;
	_ =	sdelay $0x1  }
0x2a: {  	s2 =	sshrl.u32 @!p1 s23, $0x3;
	s0 =	sshrl.u32 @!p1 s0, $0x2  }
0x2b: {  	s22 =	sand.u32 @!p1 $0x7, s23;
	s2 =	sadd.s32 @!p1 s5, s2;
	s0 =	sadd.s32 @!p1 $0x100, s0  }
0x2c: {  	[tilespmem:s0], [sflag:$0x7] =	stream.linear.gather @!p1 [hbm4b:s2+s22], $0x1770, $0x38;
	[tilespmem:$0xD410] =	vst v63  }
0x2d: {  	s0 =	sadd.s32 $0xFFFFFFFF, s24  }
0x2e: {  	p1 =	sge.u32 s0, s9  }
.Ltmp2:
0x2f: {  	_ = 	snop;
	(pc) =	sbr.rel @p1 .LBB2_5-.Ltmp2, $1  }
0x30: {  	_ =	sdelay $0x3  }
0x31: {  	s2 =	smulhi.u32 $0xAAAAAAAB, s0;
	_ =	sdelay $0x1  }
0x32: {  	s2 =	sshrl.u32 s2, $0x1  }
0x33: {  	s2 =	smul.u32 $0x3, s2;
	_ =	sdelay $0x1  }
0x34: {  	s2 =	ssub.s32 s0, s2  }
0x35: {  	s2 =	smul.u32 $0x5DC0, s2  }
0x36: {  	_ =	swait.ge [sflag:s7], $0x1770  }
0x37: {  	[sflag:s7] =	ssyncset.done $0x0;
	s2 =	sshrl.u32 s2, $0x2  }
0x38: {  	[sflag:s7] =	ssyncadd.s32 $0xFFFFE890;
	(ifvalue) =	ssetifvalue $0xFFFFFFFF;
	v3 =	vld.msk [tilespmem:s2+$0x100 ss:$0x1], $0xffff;
	_ =	sdelay $0x2  }
0x39: {  	s30 =	smulhi.u32 $0xAAAAAAAB, s18;
	p1 =	sne.s32 s24, $0x1  }
0x3a: {  	v4 =	vimm.s32 @!p1 $0x0  }
0x3b: {  	s2 =	sshrl.u32 s30, $0x1;
	v4 =	vperm.xlane @!p1 v3, v4  }
0x3c: {  	s22 =	sshll.u32 s24, $0x4;
	s2 =	smul.u32 $0xFFFEE6C0, s2;
	vm4 =	vlt.u32 v3, $0x2800  }
0x3d: {  	s22 =	sand.u32 $0x10, s22;
	v3 =	vnsel vm4, $0xFFFFFFFE, v3;
	vm4 =	vlt.u32 @!p1 v4, $0x2800  }
0x3e: {  	s2 =	sshra.s32 s2, $0x2;
	[tilespmem:s22+$0x60] =	vst v3;
	v3 =	vnsel @!p1 vm4, $0xFFFFFFFE, v4  }
0x3f: {  	s28 =	sadd.s32 s2, s17;
	[tilespmem:$0x80] =	vst @!p1 v3  }
0x40: {  	v3 =	vld.msk [tilespmem:s28+$0x0 ss:$0x1], $0xffff;
	_ =	sdelay $0x4  }
0x41: {  	(xrf1) =	vunique.msk.u32 $0xffff, v3;
	_ =	sdelay $0xd  }
0x42: {  	v4 =	vimm.s32 $0xFFFFFFFF;
	v5, _, _ =	vpop (xrf1)  }
0x43: {  	vm5 =	vne.s32 v3, v4;
	vm4 =	veq.s32 v5, v2  }
0x44: {  	vm6 =	vlt.u32 v3, $0x2800;
	vm4 =	vmand vm5, vm4  }
0x45: {  	vm4 =	vmand vm6, vm4  }
0x46: {  	v4 =	vnsel vm4, $0xFFFFFFFF, v3  }
0x47: {  	s31 =	sand.u32 $0x1, s0  }
0x48: {  	s0 =	simm.s32 $0x1770;
	p1 =	seq.s32 s31, $0x1  }
0x49: {  	s0 =	simm.s32 @!p1 $0x0  }
0x4a: {  	s26 =	sadd.s32 $0x5EB0, s0;
	(ifvalue) =	ssetifvalue $0xFFFFFFFF  }
0x4b: {  	v3 =	vperm.xlane v3, v1;
	[tilespmem:s26], [sflag:$0x8] =	stream.indirect_vreg.gather [hbm4b:s1+s16], $0x1, v4, vm0, $0x4038;
	v4 =	vnsel vm6, $0xFFFFFFFE, v4;
	[tilespmem:$0xD410] =	vst v63  }
0x4c: {  	s2 =	simm.s32 $0x0;
	s22 =	sadd.s32 $0xFFFFFFF0, s28;
	[tilespmem:s28+$0x0] =	vst v4  }
.LBB2_3:
0x4d: {  	v4 =	vld.msk [tilespmem:s22+$0x0 ss:$0x1], $0xffff;
	s2 =	sadd.s32 $0x10, s2;
	v5 =	vmov v3;
	s28 =	smov.u32 s22  }
0x4e: {  	p1 =	slt.u32 s2, $0x1760;
	_ =	sdelay $0x4  }
0x4f: {  	v3 =	vperm.xlane v4, v1;
	(xrf1) =	vunique.msk.u32 $0xffff, v4;
	_ =	sdelay $0xd  }
0x50: {  	v6, _, _ =	vpop (xrf1)  }
0x51: {  	vm5 =	vne.s32 v4, v5;
	vm4 =	veq.s32 v6, v2  }
0x52: {  	vm6 =	vlt.u32 v4, $0x2800;
	vm4 =	vmand vm5, vm4  }
0x53: {  	vm4 =	vmand vm6, vm4  }
0x54: {  	v4 =	vnsel vm4, $0xFFFFFFFF, v4  }
.Ltmp3:
0x55: {  	v5 =	vnsel vm6, $0xFFFFFFFE, v4;
	(pc) =	sbr.rel @p1 .LBB2_3-.Ltmp3, $3  }
0x56: {  	_ =	sdelay $0x1  }
0x57: {  	s22 =	sadd.s32 $0xFFFFFFF0, s22;
	s26 =	sadd.s32 $0xFFFFFFF0, s26;
	(ifvalue) =	ssetifvalue $0xFFFFFFFF  }
0x58: {  	[tilespmem:s26], [sflag:$0x8] =	stream.indirect_vreg.gather [hbm4b:s1+s16], $0x1, v4, vm0, $0x4038;
	[tilespmem:s28+$0x0] =	vst v5  }
0x59: {  	s2 =	sshrl.u32 s25, $0x3;
	s6 =	rddreg [dreg:$0x2]  }
0x5a: {  	s0 =	sadd.s32 $0x7630, s0;
	s2 =	sadd.s32 s6, s2  }
0x5b: {  	[tilespmem:s0], [sflag:$0x8] =	stream.linear.gather [hbm:s2], $0x1770, $0x38;
	[tilespmem:$0xD410] =	vst v63  }
.LBB2_5:
0x5c: {  	p1 =	slt.u32 s24, $0x2  }
0x5d: {  	p2 =	sge.u32 @!p1 s24, s12  }
0x5e: {  	p1 =	por p1, p2  }
.Ltmp4:
0x5f: {  	_ = 	snop;
	(pc) =	sbr.rel @p1 .LBB2_9-.Ltmp4, $1  }
0x60: {  	_ =	sdelay $0x3  }
0x61: {  	s0 =	sadd.s32 $0xFFFFFFFE, s24  }
0x62: {  	s2 =	smulhi.u32 $0xAAAAAAAB, s0;
	_ =	sdelay $0x1  }
0x63: {  	s2 =	sshrl.u32 s2, $0x1  }
0x64: {  	s2 =	smul.u32 $0x3, s2;
	_ =	sdelay $0x1  }
0x65: {  	s0 =	ssub.s32 s0, s2  }
0x66: {  	_ =	swait.ge [sflag:s8], $0x2EE0;
	s0 =	smul.u32 $0x1770, s0  }
0x67: {  	p1 =	sne.s32 s24, s11;
	[sflag:s8] =	ssyncset.done $0x0  }
0x68: {  	[sflag:s8] =	ssyncadd.s32 $0xFFFFD120;
	s2 =	sadd.s32 @!p1 $0x186F, s0  }
0x69: {  	[spmem:s13] =	stream.linear.scatter @!p1 [tilespmem:s2], [sflag:$0x1], $0x1, $0x38;
	[tilespmem:$0xD410] =	vst v63  }
0x6a: {  	s2 =	simm.s32 @!p1 $0x1  }
0x6b: {  	_ =	swait.ge @!p1 [sflag:s2], $0x1  }
0x6c: {  	s22 =	sshll.u32 s24, $0x4;
	[sflag:s2] =	ssyncset.done @!p1 $0x0  }
0x6d: {  	s25 =	sand.u32 $0x10, s22;
	[sflag:s2] =	ssyncadd.s32 @!p1 $0xFFFFFFFF  }
0x6e: {  	s2 =	sxor.u32 $0x10, s25;
	v4 =	vld [tilespmem:s25+$0x10]  }
0x6f: {  	v5 =	vld [tilespmem:s2+$0x60]  }
0x70: {  	v3 =	vld [tilespmem:$0x80];
	_ =	sdelay $0x2  }
0x71: {  	(v2sf) =	vpush v4, $0x0  }
0x72: {  	(v2sf) =	vpush v5, $0x0  }
0x73: {  	(v2sf) =	vpush v3, $0x0;
	_ =	sdelay $0xc  }
0x74: {  	s6 =	spop (v2sf)  }
0x75: {  	s28 =	spop (v2sf)  }
0x76: {  	s26 =	spop (v2sf)  }
0x77: {  	p2 =	seq.s32 s6, s28;
	p3 =	seq.s32 s26, s6  }
0x78: {  	p3 =	por p2, p3  }
0x79: {  	s6 =	sand.u32 $0x1, s24;
	v4 =	vpsel p3, $0xFFFFFFFF, v4  }
0x7a: {  	s28 =	smul.u32 $0x1770, s6;
	[tilespmem:s25+$0x10] =	vst.msk $0x1, v4  }
0x7b: {  	v4 =	vld [tilespmem:$0x30]  }
0x7c: {  	v5 =	vld [tilespmem:s28+$0x7630]  }
0x7d: {  	v6 =	vld [tilespmem:s25+$0x40];
	_ =	sdelay $0x3  }
0x7e: {  	vm4 =	vmmov vm1;
	v5 =	vadd.f32 v5, v4  }
0x7f: {  	vm5 =	vmmov vm2;
	vm4 =	vmmov @p2 vm2;
	v4 =	vadd.f32 v6, v4  }
0x80: {  	s22 =	sshll.u32 s6, $0x4;
	vm5 =	vmmov @p3 vm1;
	[tilespmem:s28+$0x7630] =	vst.msk vm4, v5  }
0x81: {  	[tilespmem:s22+$0xD3F0] =	vst.msk vm5, v4  }
0x82: {  	v4 =	vld [tilespmem:s28+$0x5EB0];
	_ =	sdelay $0x3  }
0x83: {  	v5 =	vimm.f32 $0.0e+00  }
0x84: {  	v4 =	vshift.insert v4, v5, s21  }
0x85: {  	s29 =	sor.u32 $0x40, s2  }
0x86: {  	[tilespmem:s29+$0x0] =	vst.msk $0x1, v4  }
0x87: {  	[tilespmem:s28+$0x5EBF] =	vst.msk $0x1, v5  }
0x88: {  	v4 =	vld [tilespmem:s0+$0x1860];
	_ =	sdelay $0x1  }
0x89: {  	s29 =	smulhi.u32 $0xAAAAAAAB, s20;
	s0 =	simm.s32 $0x1  }
0x8a: {  	s0 =	simm.s32 @!p0 $0x0  }
0x8b: {  	s29 =	sshrl.u32 s29, $0x1;
	s0 =	smul.u32 $0x5DC0, s0  }
0x8c: {  	s29 =	smul.u32 $0xFFFEE6C0, s29;
	v4 =	vshift.insert v4, v1, s21  }
0x8d: {  	s0 =	sshrl.u32 s0, $0x2  }
0x8e: {  	s29 =	sshra.s32 s29, $0x2;
	s30 =	sadd.s32 $0x7630, s0;
	[tilespmem:s2+$0x10] =	vst.msk $0x1, v4  }
0x8f: {  	s6 =	sadd.s32 s29, s19;
	v6 =	vld [tilespmem:s30+$0x0]  }
0x90: {  	v7 =	vld [tilespmem:s6+$0x0];
	_ =	sdelay $0x3  }
0x91: {  	v5 =	vadd.f32 v6, v5  }
0x92: {  	vm4 =	vne.s32 v7, $0xFFFFFFFF  }
0x93: {  	(xrf2) =	vadd.seg.scan.f32 vm4, v5;
	_ =	sdelay $0x3  }
0x94: {  	s31 =	sadd.s32 $0x4750, s0;
	v5 =	vperm.xlane v4, v1  }
0x95: {  	v6 =	vld [tilespmem:s31+$0x0]  }
0x96: {  	vm5 =	veq.s32 v7, v3;
	vm6 =	veq.s32 v7, v5  }
0x97: {  	vm7 =	vgt.u32 v7, $0xFFFFFFFD;
	vm6 =	vmor vm6, vm5  }
0x98: {  	vm6 =	vmor vm6, vm7  }
0x99: {  	v9 =	vld [tilespmem:$0xA0];
	v7 =	vsel vm6, $0xFFFFFFFF, v7  }
0x9a: {  	v10 =	vld [tilespmem:$0x90];
	v6 =	vsel vm5, $0x0, v6;
	v8, _, _ =	vpop (xrf2)  }
0x9b: {  	v6 =	vadd.f32 v8, v6  }
0x9c: {  	s0 =	sadd.s32 $0xA510, s0  }
0x9d: {  	vm4 =	vmand vm4, vm3;
	[tilespmem:s0+$0x0] =	vst v6;
	(ifvalue) =	ssetifvalue $0xFFFFFFFF  }
0x9e: {  	vm6 =	veq.s32 v9, $0x1;
	[hbm4b:s1+s16] =	stream.indirect_vreg.scatter [tilespmem:s0], [sflag:$0x2], $0x1, v7, vm0, $0x4038;
	v7 =	vsel vm4, $0x0, v8;
	[tilespmem:$0xD410] =	vst v63  }
0x9f: {  	s29 =	sadd.s32 $0xD3F0, s22;
	s22 =	sadd.s32 $0x10, s6;
	s2 =	simm.s32 $0x0;
	vm4 =	vmor vm6, vm5;
	v6 =	vsel vm5, v8, v10;
	v7 =	vshift.insert v7, v0, s21  }
.LBB2_7:
0xa0: {  	v8 =	vld [tilespmem:s22+$0x0];
	s30 =	sadd.s32 $0x10, s30  }
0xa1: {  	s31 =	sadd.s32 $0x10, s31;
	v9 =	vld [tilespmem:s30+$0x0]  }
0xa2: {  	s2 =	sadd.s32 $0x10, s2;
	v10 =	vld [tilespmem:s31+$0x0]  }
0xa3: {  	p2 =	slt.u32 s2, $0x1760;
	_ =	sdelay $0x2  }
0xa4: {  	v7 =	vadd.f32 v9, v7  }
0xa5: {  	vm5 =	vne.s32 v8, $0xFFFFFFFF  }
0xa6: {  	vm6 =	vmand vm5, vm3;
	(xrf2) =	vadd.seg.scan.f32 vm5, v7;
	_ =	sdelay $0x5  }
0xa7: {  	vm7 =	veq.s32 v8, v5;
	vm5 =	veq.s32 v8, v3  }
0xa8: {  	vm8 =	vgt.u32 v8, $0xFFFFFFFD;
	vm4 =	vmor vm4, vm5;
	vm7 =	vmor vm7, vm5  }
0xa9: {  	vm7 =	vmor vm7, vm8  }
0xaa: {  	v8 =	vsel vm7, $0xFFFFFFFF, v8  }
.Ltmp5:
0xab: {  	v7 =	vsel vm5, $0x0, v10;
	v9, _, _ =	vpop (xrf2);
	(pc) =	sbr.rel @p2 .LBB2_7-.Ltmp5, $4  }
0xac: {  	v6 =	vsel vm5, v9, v6;
	v10 =	vadd.f32 v9, v7;
	v7 =	vsel vm6, $0x0, v9  }
0xad: {  	s0 =	sadd.s32 $0x10, s0;
	v7 =	vshift.insert v7, v0, s21  }
0xae: {  	s22 =	sadd.s32 $0x10, s22;
	[tilespmem:s0+$0x0] =	vst v10;
	(ifvalue) =	ssetifvalue $0xFFFFFFFF  }
0xaf: {  	[hbm4b:s1+s16] =	stream.indirect_vreg.scatter [tilespmem:s0], [sflag:$0x2], $0x1, v8, vm0, $0x4038;
	[tilespmem:$0xD410] =	vst v63  }
0xb0: {  	v3 =	vld [tilespmem:s28+$0xBC70];
	_ =	sdelay $0x4  }
0xb1: {  	v3 =	vshift.insert v3, v0, s21  }
0xb2: {  	s0 =	simm.s32 $0x30  }
0xb3: {  	[tilespmem:s0+$0x0] =	vst.msk $0x1, v3  }
0xb4: {  	v3 =	vsel vm4, $0x1, v1;
	[tilespmem:$0x90] =	vst v6  }
0xb5: {  	s0 =	sadd.s32 @!p1 $0xBC7F, s28;
	[tilespmem:$0xA0] =	vst v3  }
0xb6: {  	[spmem:s14] =	stream.linear.scatter @!p1 [tilespmem:s0], [sflag:$0x1], $0x1, $0x38;
	[tilespmem:$0xD410] =	vst v63  }
0xb7: {  	s0 =	simm.s32 @!p1 $0x1  }
0xb8: {  	v3 =	vmctz.xlane @!p1 vm4;
	_ =	swait.ge @!p1 [sflag:s0], $0x1  }
0xb9: {  	(v2sf) =	vpush @!p1 v4, $0x0  }
0xba: {  	(v2sf) =	vpush @!p1 v3, $0x0;
	_ =	sdelay $0xd  }
0xbb: {  	s2 =	spop @!p1 (v2sf)  }
0xbc: {  	s6 =	spop @!p1 (v2sf)  }
0xbd: {  	p2 =	sne.s32 @!p1 s26, s2;
	p3 =	slt.s32 @!p1 s6, $0xF  }
0xbe: {  	[sflag:s0] =	ssyncset.done @!p1 $0x0;
	p2 =	por p2, p1;
	p3 =	por !p3, p1  }
0xbf: {  	[sflag:s0] =	ssyncadd.s32 @!p1 $0xFFFFFFFF;
	v3 =	vimm.s32 @!p2 $0xFFFFFFFF;
	s6 =	simm.s32 @p3 $0xF  }
0xc0: {  	[tilespmem:$0x80] =	vst @!p2 v3;
	s2 =	sadd.s32 @!p1 $0x90, s6  }
0xc1: {  	[spmem:s10] =	stream.linear.scatter @!p1 [tilespmem:s2], [sflag:$0x1], $0x1, $0x38;
	[tilespmem:$0xD410] =	vst v63  }
0xc2: {  	_ =	swait.ge @!p1 [sflag:s0], $0x1  }
0xc3: {  	[sflag:s0] =	ssyncset.done @!p1 $0x0  }
0xc4: {  	s2 =	simm.s32 @!p1 $0x80;
	[sflag:s0] =	ssyncadd.s32 @!p1 $0xFFFFFFFF  }
0xc5: {  	[spmem:s15] =	stream.linear.scatter @!p1 [tilespmem:s2], [sflag:$0x1], $0x1, $0x38;
	[tilespmem:$0xD410] =	vst v63  }
0xc6: {  	_ =	swait.ge @!p1 [sflag:s0], $0x1  }
0xc7: {  	[sflag:s0] =	ssyncset.done @!p1 $0x0  }
0xc8: {  	[sflag:s0] =	ssyncadd.s32 @!p1 $0xFFFFFFFF;
	(ifvalue) =	ssetifvalue $0xFFFFFFFF;
	v3 =	vld [tilespmem:s25+$0x10];
	_ =	sdelay $0x3  }
.Ltmp6:
0xc9: {  	_ = 	snop;
	(pc) =	sbr.rel .LBB2_9-.Ltmp6, $3  }
0xca: {  	_ =	sdelay $0x1  }
0xcb: {  	(ifvalue) =	ssetifvalue $0xFFFFFFFF  }
0xcc: {  	[hbm4b:s1+s16] =	stream.indirect_vreg.scatter [tilespmem:s29], [sflag:$0x9], $0x1, v3, vm0, $0x4038;
	[tilespmem:$0xD410] =	vst v63  }
.LBB2_10:
0xcd: {  	_ =	sfence.sel $0x180000  }
0xce: {  	s0 =	simm.s32 $0x7;
	[bflag:$0x0] =	sbarrier.arrive $0xFFFF  }
0xcf: {  	s26 =	simm.s32 $0x8;
	[sflag:s0] =	ssyncpa.u1 $0x1  }
0xd0: {  	s28 =	simm.s32 $0x9;
	[sflag:s26] =	ssyncpa.u1 $0x1  }
0xd1: {  	[sflag:s28] =	ssyncpa.u1 $0x1  }
0xd2: {  	_ =	sfence.stream.spmem  }
0xd3: {  	s29 =	simm.s32 $0x3;
	[bflag:$0x0] =	sbarrier.arrive $0xFFFF  }
0xd4: {  	s30 =	simm.s32 $0x4;
	[sflag:s29] =	ssyncpa.u1 $0x1  }
0xd5: {  	s31 =	simm.s32 $0x3C;
	s2 =	stileid.u32;
	[sflag:s30] =	ssyncpa.u1 $0x1  }
0xd6: {  	p0 =	sne.s32 s2, $0x0;
	[sflag:s31] =	ssyncpa.u1 $0x1  }
0xd7: {  	s0 =	simm.s32 @p0 $0x1;
	_ =	sfence @p0  }
0xd8: {  	[sflag:s0] =	ssyncpa.u1 @p0 $0x1;
	s0 =	simm.s32 @p0 $0x2  }
0xd9: {  	[sflag:s0] =	ssyncpa.u1 @p0 $0x1  }
0xda: {  	_ =	strace @p0 $0x90000047  }
0xdb: {  	[bflag:$0x2] =	sbarrier.arrive @p0 $0xFFFF  }
0xdc: {  	_ =	shalt @p0  }
.LBB2_11:
0xdd: {  	_ =	sfence.stream.spmem;
	s0 =	simm.s32 $0x5  }
0xde: {  	s2 =	simm.s32 $0x80;
	s3 =	simm.s32 $0xC0;
	[sflag:s0] =	ssyncpa.u1 $0x0  }
0xdf: {  	[tilespmem:s3], [sflag:$0x5] =	stream.linear.gather [spmem:s2], $0x20, $0x38;
	[tilespmem:$0xD410] =	vst v63  }
0xe0: {  	s2 =	simm.s32 $0x0;
	s3 =	simm.s32 $0xE0  }
0xe1: {  	[tilespmem:s3], [sflag:$0x5] =	stream.linear.gather [spmem:s2], $0x20, $0x38;
	[tilespmem:$0xD410] =	vst v63  }
.Ltmp7:
0xe2: {  	_ = 	snop;
	(pc) =	sbr.rel .LBB2_12-.Ltmp7, $4  }
0xe3: {  	_ =	swait.ge [sflag:s0], $0x40  }
0xe4: {  	[sflag:s0] =	ssyncset.done $0x0  }
0xe5: {  	s31 =	simm.s32 $0x6;
	[sflag:s0] =	ssyncadd.s32 $0xFFFFFFC0  }
0xe6: {  	s4 =	simm.s32 $0x0;
	[sflag:s31] =	ssyncpa.u1 $0x0  }
.LBB2_17:
0xe7: {  	p0 =	sgt.u32 s5, $0x27FF  }
0xe8: {  	s0 =	sshrl.u32 @!p0 s5, $0x3  }
0xe9: {  	s5 =	sand.u32 @!p0 $0x7, s5;
	s6 =	simm.s32 @!p0 $0xB0;
	s0 =	sadd.s32 @!p0 s1, s0  }
0xea: {  	[tilespmem:s6], [sflag:$0x6] =	stream.linear.gather @!p0 [hbm4b:s0+s5], $0x1, $0x38;
	[tilespmem:$0xD410] =	vst v63  }
0xeb: {  	s0 =	simm.s32 @!p0 $0x6  }
0xec: {  	_ =	swait.ge @!p0 [sflag:s0], $0x1  }
0xed: {  	[sflag:s0] =	ssyncset.done @!p0 $0x0  }
0xee: {  	[sflag:s0] =	ssyncadd.s32 @!p0 $0xFFFFFFFF  }
0xef: {  	v2 =	vmov @!p0 s4;
	v1 =	vld.msk @!p0 [tilespmem:$0xB0], $0x1;
	_ =	sdelay $0x3  }
0xf0: {  	s0 =	simm.s32 @!p0 $0xE0  }
0xf1: {  	[tilespmem:v2+s0+$0x0], v1 =	vst.idx.ret.add.f32.msk @!p0 $0x1, v1  }
0xf2: {  	[tilespmem:s2+$0xC0] =	vst.msk $0x1, v0  }
0xf3: {  	v0 =	vld.msk [tilespmem:s4+$0xE0], $0x1;
	_ =	sdelay $0x4  }
0xf4: {  	[tilespmem:s2+$0xE0] =	vst.msk $0x1, v0;
	s2 =	sadd.s32 $0x1, s2  }
.LBB2_19:
0xf5: {  	s4 =	sadd.s32 $0x1, s4  }
0xf6: {  	p0 =	sne.s32 s4, $0x20  }
.Ltmp8:
0xf7: {  	_ = 	snop;
	(pc) =	sbr.rel @!p0 .LBB2_20-.Ltmp8, $1  }
0xf8: {  	_ =	sdelay $0x3  }
.LBB2_12:
0xf9: {  	v0 =	vld.msk [tilespmem:s4+$0xC0], $0x1;
	_ =	sdelay $0x4  }
0xfa: {  	(v2sf) =	vpush v0, $0x0;
	_ =	sdelay $0xe  }
0xfb: {  	s5 =	spop (v2sf)  }
0xfc: {  	p0 =	seq.s32 s5, $0xFFFFFFFF  }
.Ltmp9:
0xfd: {  	_ = 	snop;
	(pc) =	sbr.rel @p0 .LBB2_19-.Ltmp9, $1  }
0xfe: {  	_ =	sdelay $0x3  }
0xff: {  	p0 =	slt.s32 s2, $0x1  }
.Ltmp10:
0x100: {  	_ = 	snop;
	(pc) =	sbr.rel @p0 .LBB2_17-.Ltmp10, $1  }
0x101: {  	_ =	sdelay $0x3  }
0x102: {  	s0 =	simm.s32 $0xC0;
	p0 =	por $0x0, $0x0  }
0x103: {  	v1 =	vld.msk @!p0 [tilespmem:s0+$0x0], $0x1;
	_ =	sdelay $0x4  }
0x104: {  	(v2sf) =	vpush @!p0 v1, $0x0;
	_ =	sdelay $0xd  }
0x105: {  	p2 =	sne.s32 s2, $0x1  }
.Ltmp11:
0x106: {  	s6 =	spop @!p0 (v2sf);
	(pc) =	sbr.rel @!p2 .LBB2_16-.Ltmp11, $4  }
0x107: {  	p1 =	seq.s32 @!p0 s5, s6  }
0x108: {  	s6 =	simm.s32 $0x0;
	p1 =	por !p1, p0  }
0x109: {  	s8 =	simm.s32 $0xFFFFFFFF;
	s6 =	simm.s32 @p1 $0xFFFFFFFF  }
0x10a: {  	s7 =	simm.s32 $0x1;
	s6 =	smov.u32 @p0 s8  }
.LBB2_15:
0x10b: {  	s8 =	smov.u32 s6;
	p0 =	sne.s32 s6, $0xFFFFFFFF  }
0x10c: {  	s0 =	sadd.s32 $0x1, s0;
	s6 =	smov.u32 s7;
	s7 =	sadd.s32 $0x1, s7  }
0x10d: {  	p1 =	sne.s32 s2, s7;
	v1 =	vld.msk @!p0 [tilespmem:s0+$0x0], $0x1;
	_ =	sdelay $0x4  }
0x10e: {  	(v2sf) =	vpush @!p0 v1, $0x0;
	_ =	sdelay $0xe  }
.Ltmp12:
0x10f: {  	s9 =	spop @!p0 (v2sf);
	(pc) =	sbr.rel @p1 .LBB2_15-.Ltmp12, $4  }
0x110: {  	p2 =	seq.s32 @!p0 s5, s9  }
0x111: {  	p2 =	por !p2, p0  }
0x112: {  	s6 =	simm.s32 @p2 $0xFFFFFFFF  }
0x113: {  	s6 =	smov.u32 @p0 s8  }
.LBB2_16:
0x114: {  	p0 =	sne.s32 s6, $0xFFFFFFFF  }
.Ltmp13:
0x115: {  	_ = 	snop;
	(pc) =	sbr.rel @!p0 .LBB2_17-.Ltmp13, $1  }
0x116: {  	_ =	sdelay $0x3  }
0x117: {  	v0 =	vld.msk [tilespmem:s4+$0xE0], $0x1;
	v1 =	vmov s6  }
.Ltmp14:
0x118: {  	_ = 	snop;
	(pc) =	sbr.rel .LBB2_19-.Ltmp14, $2  }
0x119: {  	_ =	sdelay $0x2  }
0x11a: {  	[tilespmem:v1+s3+$0x0], v0 =	vst.idx.ret.add.f32.msk $0x1, v0  }
.LBB2_20:
0x11b: {  	p0 =	slt.s32 s2, $0x1  }
.Ltmp15:
0x11c: {  	_ = 	snop;
	(pc) =	sbr.rel @p0 .LBB2_24-.Ltmp15, $3  }
0x11d: {  	_ =	sdelay $0x1  }
0x11e: {  	s0 =	simm.s32 $0x6  }
0x11f: {  	s3 =	simm.s32 $0x0;
	[sflag:s0] =	ssyncpa.u1 $0x1  }
0x120: {  	s0 =	simm.s32 $0xC0  }
0x121: {  	v0 =	vld.msk [tilespmem:s0+$0x0], $0x1;
	_ =	sdelay $0x4  }
0x122: {  	(v2sf) =	vpush v0, $0x0;
	_ =	sdelay $0xe  }
0x123: {  	s2 =	sadd.s32 $0xFFFFFFFF, s2;
	s4 =	spop (v2sf)  }
0x124: {  	p1 =	sne.s32 s2, $0x0;
	p0 =	sgt.u32 s4, $0x27FF  }
.Ltmp16:
0x125: {  	s5 =	sshrl.u32 @!p0 s4, $0x3;
	(pc) =	sbr.rel @!p1 .LBB2_23-.Ltmp16, $4  }
0x126: {  	s0 =	simm.s32 $0xE0;
	s4 =	sand.u32 @!p0 $0x7, s4;
	s5 =	sadd.s32 @!p0 s1, s5  }
0x127: {  	[hbm4b:s5+s4] =	stream.linear.scatter @!p0 [tilespmem:s0], [sflag:$0x5], $0x1, $0x38;
	[tilespmem:$0xD410] =	vst v63  }
0x128: {  	s5 =	simm.s32 $0x0  }
0x129: {  	s4 =	simm.s32 $0xC1;
	s5 =	simm.s32 @!p0 $0x4  }
.LBB2_22:
0x12a: {  	v0 =	vld.msk [tilespmem:s4+$0x0], $0x1;
	s2 =	sadd.s32 $0xFFFFFFFF, s2;
	s3 =	sadd.s32 s3, s5  }
0x12b: {  	p0 =	sne.s32 s2, $0x0;
	_ =	sdelay $0x3  }
0x12c: {  	(v2sf) =	vpush v0, $0x0;
	_ =	sdelay $0xe  }
.Ltmp17:
0x12d: {  	s6 =	spop (v2sf);
	(pc) =	sbr.rel @p0 .LBB2_22-.Ltmp17, $4  }
0x12e: {  	s5 =	simm.s32 $0x0;
	p1 =	sgt.u32 s6, $0x27FF  }
0x12f: {  	s0 =	sadd.s32 $0x1, s0;
	s5 =	simm.s32 @!p1 $0x4;
	s7 =	sshrl.u32 @!p1 s6, $0x3  }
0x130: {  	s4 =	sadd.s32 $0x1, s4;
	s6 =	sand.u32 @!p1 $0x7, s6;
	s7 =	sadd.s32 @!p1 s1, s7  }
0x131: {  	[hbm4b:s7+s6] =	stream.linear.scatter @!p1 [tilespmem:s0], [sflag:$0x5], $0x1, $0x38;
	[tilespmem:$0xD410] =	vst v63  }
.LBB2_23:
0x132: {  	s0 =	sadd.s32 s3, s5  }
0x133: {  	s3 =	sshrl.u32 s0, $0x2  }
.LBB2_24:
0x134: {  	s0 =	simm.s32 $0x5  }
0x135: {  	_ =	swait.ge [sflag:s0], s3  }
0x136: {  	s1 =	ssub.s32 $0x0, s3;
	[sflag:s0] =	ssyncset.done $0x0  }
0x137: {  	[sflag:s0] =	ssyncadd.s32 s1  }
0x138: {  	[sflag:s0] =	ssyncpa.u1 $0x1  }
0x139: {  	s29 =	simm.s32 $0x1;
	_ =	sfence  }
0x13a: {  	s30 =	simm.s32 $0x2;
	[sflag:s29] =	ssyncpa.u1 $0x1  }
0x13b: {  	[sflag:s30] =	ssyncpa.u1 $0x1  }
0x13c: {  	_ =	strace $0x90000047  }
0x13d: {  	[bflag:$0x2] =	sbarrier.arrive $0xFFFF  }
0x13e: {  	s31 =	rddreg [dreg:$0x1]  }
0x13f: {  	s0 =	sadd.s32 $0x100000, s31  }
0x140: {  	[sflag:s0] =	ssyncadd.tile.s32 $0x1;
	_ =	shalt  }
.Lfunc_end2:
_tile_overlayer_lowered:
.L_overlay_start_2:
0x141: {  	(tag) =	ssettag $0x2  }
0x142: {  	s0 =	rddreg [dreg:$0x0];
	s2 =	stileid.u32  }
0x143: {  	s1 =	rddreg [dreg:$0x1];
	p0 =	sne.s32 s2, $0x0  }
0x144: {  	s3 =	rddreg [dreg:$0x2];
	[bflag:$0x3] =	sbarrier.arrive $0xFFFF;
	s2 =	simm.s32 @!p0 $0x1C01  }
0x145: {  	[timem:s3], [sflag:s2] =	dma.local @!p0 [hbm:s0], s1  }
0x146: {  	s0 =	simm.s32 @!p0 $0x1  }
0x147: {  	_ =	swait.ge @!p0 [sflag:s0], s1  }
0x148: {  	s1 =	ssub.s32 @!p0 $0x0, s1;
	[sflag:s0] =	ssyncset.done @!p0 $0x0  }
0x149: {  	[sflag:s0] =	ssyncadd.s32 @!p0 s1  }
0x14a: {  	[bflag:$0x3] =	sbarrier.arrive $0xFFFF  }
0x14b: {  	_ =	shalt  }

</sc_bundles>
